<compile_context>
chip_gen: v7x
topology: tpu7x:2x2x1
jax: 0.10.2.dev20260603
libtpu: 0.0.44.dev20260713+nightly
codegen_flags: <defaults>
</compile_context>

<pallas_src>
import functools

import jax
import jax.numpy as jnp
from jax import lax
from jax.experimental import pallas as pl
from jax.experimental.pallas import tpu as pltpu
from jax.experimental.pallas import tpu_sc as plsc

N_BINS = 15
L = 16
NW = 32
W_IMG = 2048
H_IMG = 2048
ROWS_W = H_IMG // NW
TR = 8
TILE = TR * W_IMG
TILES = ROWS_W // TR
NBUF = 2
ASHIFT = 14


def _sc_body(probs_hbm, lab_hbm, out_hbm,
             c0_a, c0_b, c1_a, c1_b, lab_a, lab_b, res_v,
             comb0, conf0, comb1, conf1,
             sem_a, sem_b):
    wid = lax.axis_index("s") * 2 + lax.axis_index("c")
    row_base = wid * ROWS_W

    zf = jnp.zeros((L,), jnp.float32)
    zi = jnp.zeros((L,), jnp.int32)
    for tbl, z in ((comb0, zi), (conf0, zf), (comb1, zi), (conf1, zf)):
        for r in range(L):
            tbl[r, pl.ds(0, L)] = z

    lane = lax.iota(jnp.int32, L)

    slots = ((c0_a, c1_a, lab_a, sem_a), (c0_b, c1_b, lab_b, sem_b))

    def start(t):
        c0_t, c1_t, lab_t, sem = slots[t % NBUF]
        rows = pl.ds(row_base + t * TR, TR)
        return (
            pltpu.async_copy(probs_hbm.at[0, 0, rows, :], c0_t, sem),
            pltpu.async_copy(probs_hbm.at[0, 1, rows, :], c1_t, sem),
            pltpu.async_copy(lab_hbm.at[0, 0, rows, :], lab_t, sem),
        )

    pending = {0: start(0)}
    for t in range(TILES):
        for h in pending.pop(t):
            h.wait()
        if t + 1 < TILES:
            pending[t + 1] = start(t + 1)
        c0_t, c1_t, lab_t, _ = slots[t % NBUF]

        def row_body(r, carry):

            @plsc.parallel_loop(0, W_IMG, step=L, unroll=8)
            def vec_body(b):
                lab = lab_t[r, pl.ds(b, L)]
                vv = (lab << ASHIFT) | 1
                for c_t, cb, cf in ((c0_t, comb0, conf0),
                                    (c1_t, comb1, conf1)):
                    c = c_t[r, pl.ds(b, L)]
                    col = (c * 15.0).astype(jnp.int32)
                    plsc.addupdate_scatter(cb, [lane, col], vv)

            return carry

        lax.fori_loop(0, TR, row_body, 0)

    mask = jnp.full((L,), (1 << ASHIFT) - 1, jnp.int32)
    for q, (cb, cf) in enumerate(((comb0, conf0), (comb1, conf1))):
        cnt = zi
        lab1 = zi
        cfs = zf
        for r in range(L):
            w = cb[r, pl.ds(0, L)]
            cnt = cnt + (w & mask)
            lab1 = lab1 + (w >> ASHIFT)
            cfs = cfs + cf[r, pl.ds(0, L)]
        acc = (cnt - lab1) if q == 0 else lab1
        res_v[3 * q + 0, :] = cnt.astype(jnp.float32)
        res_v[3 * q + 1, :] = cfs
        res_v[3 * q + 2, :] = acc.astype(jnp.float32)
    pltpu.sync_copy(res_v, out_hbm.at[wid])


_hist = functools.partial(
    pl.kernel,
    mesh=plsc.VectorSubcoreMesh(core_axis_name="c", subcore_axis_name="s"),
    out_type=jax.ShapeDtypeStruct((NW, 6, L), jnp.float32),
    compiler_params=pltpu.CompilerParams(needs_layout_passes=False,
                                         use_tc_tiling_on_sc=True),
    scratch_types=[
        pltpu.VMEM((TR, W_IMG), jnp.float32),
        pltpu.VMEM((TR, W_IMG), jnp.float32),
        pltpu.VMEM((TR, W_IMG), jnp.float32),
        pltpu.VMEM((TR, W_IMG), jnp.float32),
        pltpu.VMEM((TR, W_IMG), jnp.int32),
        pltpu.VMEM((TR, W_IMG), jnp.int32),
        pltpu.VMEM((6, L), jnp.float32),
        pltpu.VMEM((L, L + 1), jnp.int32),
        pltpu.VMEM((L, L + 1), jnp.float32),
        pltpu.VMEM((L, L + 1), jnp.int32),
        pltpu.VMEM((L, L + 1), jnp.float32),
        pltpu.SemaphoreType.DMA,
        pltpu.SemaphoreType.DMA,
    ],
)(_sc_body)


def kernel(probs, labels):
    parts = _hist(probs, labels)
    s = jnp.sum(parts, axis=0)
    return (s[0, :15], s[1, :15], s[2, :15],
            s[3, :15], s[4, :15], s[5, :15])

# --- scband reference (transcript-rebuilt; emitter-appended) ---
"""Pipeline reference for scband-sce-function-69630009803211 (READ-ONLY COPY).

The authoritative reference and input builder live on the scoring server;
editing this copy changes nothing except your own understanding.
"""

import jax, jax.numpy as jnp
import numpy as np

N_BINS = 15


def setup_inputs(seed: int = 0) -> dict:
    key = jax.random.key(seed)
    k1, k2 = jax.random.split(key)
    probs = jax.random.uniform(k1, (1, 2, 2048, 2048), dtype=jnp.float32)
    labels = jax.random.randint(k2, (1, 1, 2048, 2048), 0, 2, dtype=jnp.int32)
    return {"probs": probs, "labels": labels}


def reference(probs, labels):
    _, _, h, w = probs.shape
    confidences0 = probs[0, 0, :, :].reshape(h * w)
    confidences1 = probs[0, 1, :, :].reshape(h * w)
    lab = labels[0, 0, :, :].reshape(h * w)
    accuracies0 = (lab == 0).astype(jnp.float32)
    accuracies1 = (lab == 1).astype(jnp.float32)
    bin_boundaries = jnp.linspace(0.0, 1.0, N_BINS + 1)
    bin_lowers = bin_boundaries[:-1]
    bin_uppers = bin_boundaries[1:]
    count0_l, conf0_l, acc0_l = [], [], []
    count1_l, conf1_l, acc1_l = [], [], []
    for i in range(N_BINS):
        lo = bin_lowers[i]
        hi = bin_uppers[i]
        in_bin0 = ((confidences0 > lo) & (confidences0 <= hi)).astype(jnp.float32)
        count0_l.append(jnp.sum(in_bin0))
        conf0_l.append(jnp.sum(confidences0 * in_bin0))
        acc0_l.append(jnp.sum(accuracies0 * in_bin0))
        in_bin1 = ((confidences1 > lo) & (confidences1 <= hi)).astype(jnp.float32)
        count1_l.append(jnp.sum(in_bin1))
        conf1_l.append(jnp.sum(confidences1 * in_bin1))
        acc1_l.append(jnp.sum(accuracies1 * in_bin1))
    count0 = jnp.stack(count0_l)
    conf0 = jnp.stack(conf0_l)
    acc0 = jnp.stack(acc0_l)
    count1 = jnp.stack(count1_l)
    conf1 = jnp.stack(conf1_l)
    acc1 = jnp.stack(acc1_l)
    return (count0, conf0, acc0, count1, conf1, acc1)

if __name__ == "__main__":
    import jax
    _d = setup_inputs()
    print(jax.jit(kernel)(*tuple(_d.values())))

</pallas_src>

<mosaic_0001>
#map = affine_map<(d0, d1) -> (0, 0, 0, 0)>
#map1 = affine_map<(d0, d1) -> (0, 0, 0)>
module attributes {stable_mosaic.version = 14 : i64} {
  func.func @_sc_body(%arg0: i32, %arg1: i32, %arg2: memref<1x2x2048x2048xf32, #tpu.memory_space<hbm>>, %arg3: memref<1x1x2048x2048xi32, #tpu.memory_space<hbm>>, %arg4: memref<32x6x16xf32, #tpu.memory_space<hbm>>, %arg5: memref<8x2048xf32, #tpu.memory_space<vmem>>, %arg6: memref<8x2048xf32, #tpu.memory_space<vmem>>, %arg7: memref<8x2048xf32, #tpu.memory_space<vmem>>, %arg8: memref<8x2048xf32, #tpu.memory_space<vmem>>, %arg9: memref<8x2048xi32, #tpu.memory_space<vmem>>, %arg10: memref<8x2048xi32, #tpu.memory_space<vmem>>, %arg11: memref<6x16xf32, #tpu.memory_space<vmem>>, %arg12: memref<16x17xi32, #tpu.memory_space<vmem>>, %arg13: memref<16x17xf32, #tpu.memory_space<vmem>>, %arg14: memref<16x17xi32, #tpu.memory_space<vmem>>, %arg15: memref<16x17xf32, #tpu.memory_space<vmem>>, %arg16: memref<!tpu.dma_semaphore, #tpu.memory_space<semaphore_mem>>, %arg17: memref<!tpu.dma_semaphore, #tpu.memory_space<semaphore_mem>>) attributes {dimension_semantics = [#tpu.dimension_semantics<core_parallel>, #tpu.dimension_semantics<subcore_parallel>], iteration_bounds = array<i64: 2, 16>, scalar_prefetch = 0 : i64, scratch_operands = 13 : i64, tpu.core_type = #tpu.core_type<sc_vector_subcore>, window_params = [{transform_indices = #map}, {transform_indices = #map}, {transform_indices = #map1}]} {
    %mul3A = arith.constant 2 : i32
    %mul3A_0 = arith.muli %arg1, %mul3A : i32
    %add3A = arith.addi %mul3A_0, %arg0 : i32
    %mul3A_1 = arith.constant 64 : i32
    %mul3A_2 = arith.muli %add3A, %mul3A_1 : i32
    %broadcast_in_dim3A = arith.constant 0.000000e+00 : f32
    %broadcast_in_dim3A_3 = vector.broadcast %broadcast_in_dim3A : f32 to vector<16xf32>
    %broadcast_in_dim3A_4 = arith.constant 0 : i32
    %broadcast_in_dim3A_5 = vector.broadcast %broadcast_in_dim3A_4 : i32 to vector<16xi32>
    %swap3A = arith.constant 0 : i32
    %swap3A_6 = arith.index_cast %swap3A : i32 to index
    %swap3A_7 = arith.constant 0 : index
    %swap3A_8 = tpu.vector_load %arg12[%swap3A_6, %swap3A_7] {strides = array<i32>} : memref<16x17xi32, #tpu.memory_space<vmem>>, vector<16xi32>,
    tpu.vector_store %arg12[%swap3A_6, %swap3A_7], %broadcast_in_dim3A_5 {strides = array<i32>} : memref<16x17xi32, #tpu.memory_space<vmem>>, vector<16xi32>,
    %swap3A_9 = arith.constant 1 : i32
    %swap3A_10 = arith.index_cast %swap3A_9 : i32 to index
    %swap3A_11 = arith.constant 0 : index
    %swap3A_12 = tpu.vector_load %arg12[%swap3A_10, %swap3A_11] {strides = array<i32>} : memref<16x17xi32, #tpu.memory_space<vmem>>, vector<16xi32>,
    tpu.vector_store %arg12[%swap3A_10, %swap3A_11], %broadcast_in_dim3A_5 {strides = array<i32>} : memref<16x17xi32, #tpu.memory_space<vmem>>, vector<16xi32>,
    %swap3A_13 = arith.constant 2 : i32
    %swap3A_14 = arith.index_cast %swap3A_13 : i32 to index
    %swap3A_15 = arith.constant 0 : index
    %swap3A_16 = tpu.vector_load %arg12[%swap3A_14, %swap3A_15] {strides = array<i32>} : memref<16x17xi32, #tpu.memory_space<vmem>>, vector<16xi32>,
    tpu.vector_store %arg12[%swap3A_14, %swap3A_15], %broadcast_in_dim3A_5 {strides = array<i32>} : memref<16x17xi32, #tpu.memory_space<vmem>>, vector<16xi32>,
    %swap3A_17 = arith.constant 3 : i32
    %swap3A_18 = arith.index_cast %swap3A_17 : i32 to index
    %swap3A_19 = arith.constant 0 : index
    %swap3A_20 = tpu.vector_load %arg12[%swap3A_18, %swap3A_19] {strides = array<i32>} : memref<16x17xi32, #tpu.memory_space<vmem>>, vector<16xi32>,
    tpu.vector_store %arg12[%swap3A_18, %swap3A_19], %broadcast_in_dim3A_5 {strides = array<i32>} : memref<16x17xi32, #tpu.memory_space<vmem>>, vector<16xi32>,
    %swap3A_21 = arith.constant 4 : i32
    %swap3A_22 = arith.index_cast %swap3A_21 : i32 to index
    %swap3A_23 = arith.constant 0 : index
    %swap3A_24 = tpu.vector_load %arg12[%swap3A_22, %swap3A_23] {strides = array<i32>} : memref<16x17xi32, #tpu.memory_space<vmem>>, vector<16xi32>,
    tpu.vector_store %arg12[%swap3A_22, %swap3A_23], %broadcast_in_dim3A_5 {strides = array<i32>} : memref<16x17xi32, #tpu.memory_space<vmem>>, vector<16xi32>,
    %swap3A_25 = arith.constant 5 : i32
    %swap3A_26 = arith.index_cast %swap3A_25 : i32 to index
    %swap3A_27 = arith.constant 0 : index
    %swap3A_28 = tpu.vector_load %arg12[%swap3A_26, %swap3A_27] {strides = array<i32>} : memref<16x17xi32, #tpu.memory_space<vmem>>, vector<16xi32>,
    tpu.vector_store %arg12[%swap3A_26, %swap3A_27], %broadcast_in_dim3A_5 {strides = array<i32>} : memref<16x17xi32, #tpu.memory_space<vmem>>, vector<16xi32>,
    %swap3A_29 = arith.constant 6 : i32
    %swap3A_30 = arith.index_cast %swap3A_29 : i32 to index
    %swap3A_31 = arith.constant 0 : index
    %swap3A_32 = tpu.vector_load %arg12[%swap3A_30, %swap3A_31] {strides = array<i32>} : memref<16x17xi32, #tpu.memory_space<vmem>>, vector<16xi32>,
    tpu.vector_store %arg12[%swap3A_30, %swap3A_31], %broadcast_in_dim3A_5 {strides = array<i32>} : memref<16x17xi32, #tpu.memory_space<vmem>>, vector<16xi32>,
    %swap3A_33 = arith.constant 7 : i32
    %swap3A_34 = arith.index_cast %swap3A_33 : i32 to index
    %swap3A_35 = arith.constant 0 : index
    %swap3A_36 = tpu.vector_load %arg12[%swap3A_34, %swap3A_35] {strides = array<i32>} : memref<16x17xi32, #tpu.memory_space<vmem>>, vector<16xi32>,
    tpu.vector_store %arg12[%swap3A_34, %swap3A_35], %broadcast_in_dim3A_5 {strides = array<i32>} : memref<16x17xi32, #tpu.memory_space<vmem>>, vector<16xi32>,
    %swap3A_37 = arith.constant 8 : i32
    %swap3A_38 = arith.index_cast %swap3A_37 : i32 to index
    %swap3A_39 = arith.constant 0 : index
    %swap3A_40 = tpu.vector_load %arg12[%swap3A_38, %swap3A_39] {strides = array<i32>} : memref<16x17xi32, #tpu.memory_space<vmem>>, vector<16xi32>,
    tpu.vector_store %arg12[%swap3A_38, %swap3A_39], %broadcast_in_dim3A_5 {strides = array<i32>} : memref<16x17xi32, #tpu.memory_space<vmem>>, vector<16xi32>,
    %swap3A_41 = arith.constant 9 : i32
    %swap3A_42 = arith.index_cast %swap3A_41 : i32 to index
    %swap3A_43 = arith.constant 0 : index
    %swap3A_44 = tpu.vector_load %arg12[%swap3A_42, %swap3A_43] {strides = array<i32>} : memref<16x17xi32, #tpu.memory_space<vmem>>, vector<16xi32>,
    tpu.vector_store %arg12[%swap3A_42, %swap3A_43], %broadcast_in_dim3A_5 {strides = array<i32>} : memref<16x17xi32, #tpu.memory_space<vmem>>, vector<16xi32>,
    %swap3A_45 = arith.constant 10 : i32
    %swap3A_46 = arith.index_cast %swap3A_45 : i32 to index
    %swap3A_47 = arith.constant 0 : index
    %swap3A_48 = tpu.vector_load %arg12[%swap3A_46, %swap3A_47] {strides = array<i32>} : memref<16x17xi32, #tpu.memory_space<vmem>>, vector<16xi32>,
    tpu.vector_store %arg12[%swap3A_46, %swap3A_47], %broadcast_in_dim3A_5 {strides = array<i32>} : memref<16x17xi32, #tpu.memory_space<vmem>>, vector<16xi32>,
    %swap3A_49 = arith.constant 11 : i32
    %swap3A_50 = arith.index_cast %swap3A_49 : i32 to index
    %swap3A_51 = arith.constant 0 : index
    %swap3A_52 = tpu.vector_load %arg12[%swap3A_50, %swap3A_51] {strides = array<i32>} : memref<16x17xi32, #tpu.memory_space<vmem>>, vector<16xi32>,
    tpu.vector_store %arg12[%swap3A_50, %swap3A_51], %broadcast_in_dim3A_5 {strides = array<i32>} : memref<16x17xi32, #tpu.memory_space<vmem>>, vector<16xi32>,
    %swap3A_53 = arith.constant 12 : i32
    %swap3A_54 = arith.index_cast %swap3A_53 : i32 to index
    %swap3A_55 = arith.constant 0 : index
    %swap3A_56 = tpu.vector_load %arg12[%swap3A_54, %swap3A_55] {strides = array<i32>} : memref<16x17xi32, #tpu.memory_space<vmem>>, vector<16xi32>,
    tpu.vector_store %arg12[%swap3A_54, %swap3A_55], %broadcast_in_dim3A_5 {strides = array<i32>} : memref<16x17xi32, #tpu.memory_space<vmem>>, vector<16xi32>,
    %swap3A_57 = arith.constant 13 : i32
    %swap3A_58 = arith.index_cast %swap3A_57 : i32 to index
    %swap3A_59 = arith.constant 0 : index
    %swap3A_60 = tpu.vector_load %arg12[%swap3A_58, %swap3A_59] {strides = array<i32>} : memref<16x17xi32, #tpu.memory_space<vmem>>, vector<16xi32>,
    tpu.vector_store %arg12[%swap3A_58, %swap3A_59], %broadcast_in_dim3A_5 {strides = array<i32>} : memref<16x17xi32, #tpu.memory_space<vmem>>, vector<16xi32>,
    %swap3A_61 = arith.constant 14 : i32
    %swap3A_62 = arith.index_cast %swap3A_61 : i32 to index
    %swap3A_63 = arith.constant 0 : index
    %swap3A_64 = tpu.vector_load %arg12[%swap3A_62, %swap3A_63] {strides = array<i32>} : memref<16x17xi32, #tpu.memory_space<vmem>>, vector<16xi32>,
    tpu.vector_store %arg12[%swap3A_62, %swap3A_63], %broadcast_in_dim3A_5 {strides = array<i32>} : memref<16x17xi32, #tpu.memory_space<vmem>>, vector<16xi32>,
    %swap3A_65 = arith.constant 15 : i32
    %swap3A_66 = arith.index_cast %swap3A_65 : i32 to index
    %swap3A_67 = arith.constant 0 : index
    %swap3A_68 = tpu.vector_load %arg12[%swap3A_66, %swap3A_67] {strides = array<i32>} : memref<16x17xi32, #tpu.memory_space<vmem>>, vector<16xi32>,
    tpu.vector_store %arg12[%swap3A_66, %swap3A_67], %broadcast_in_dim3A_5 {strides = array<i32>} : memref<16x17xi32, #tpu.memory_space<vmem>>, vector<16xi32>,
    %swap3A_69 = arith.constant 0 : i32
    %swap3A_70 = arith.index_cast %swap3A_69 : i32 to index
    %swap3A_71 = arith.constant 0 : index
    %swap3A_72 = tpu.vector_load %arg13[%swap3A_70, %swap3A_71] {strides = array<i32>} : memref<16x17xf32, #tpu.memory_space<vmem>>, vector<16xf32>,
    tpu.vector_store %arg13[%swap3A_70, %swap3A_71], %broadcast_in_dim3A_3 {strides = array<i32>} : memref<16x17xf32, #tpu.memory_space<vmem>>, vector<16xf32>,
    %swap3A_73 = arith.constant 1 : i32
    %swap3A_74 = arith.index_cast %swap3A_73 : i32 to index
    %swap3A_75 = arith.constant 0 : index
    %swap3A_76 = tpu.vector_load %arg13[%swap3A_74, %swap3A_75] {strides = array<i32>} : memref<16x17xf32, #tpu.memory_space<vmem>>, vector<16xf32>,
    tpu.vector_store %arg13[%swap3A_74, %swap3A_75], %broadcast_in_dim3A_3 {strides = array<i32>} : memref<16x17xf32, #tpu.memory_space<vmem>>, vector<16xf32>,
    %swap3A_77 = arith.constant 2 : i32
    %swap3A_78 = arith.index_cast %swap3A_77 : i32 to index
    %swap3A_79 = arith.constant 0 : index
    %swap3A_80 = tpu.vector_load %arg13[%swap3A_78, %swap3A_79] {strides = array<i32>} : memref<16x17xf32, #tpu.memory_space<vmem>>, vector<16xf32>,
    tpu.vector_store %arg13[%swap3A_78, %swap3A_79], %broadcast_in_dim3A_3 {strides = array<i32>} : memref<16x17xf32, #tpu.memory_space<vmem>>, vector<16xf32>,
    %swap3A_81 = arith.constant 3 : i32
    %swap3A_82 = arith.index_cast %swap3A_81 : i32 to index
    %swap3A_83 = arith.constant 0 : index
    %swap3A_84 = tpu.vector_load %arg13[%swap3A_82, %swap3A_83] {strides = array<i32>} : memref<16x17xf32, #tpu.memory_space<vmem>>, vector<16xf32>,
    tpu.vector_store %arg13[%swap3A_82, %swap3A_83], %broadcast_in_dim3A_3 {strides = array<i32>} : memref<16x17xf32, #tpu.memory_space<vmem>>, vector<16xf32>,
    %swap3A_85 = arith.constant 4 : i32
    %swap3A_86 = arith.index_cast %swap3A_85 : i32 to index
    %swap3A_87 = arith.constant 0 : index
    %swap3A_88 = tpu.vector_load %arg13[%swap3A_86, %swap3A_87] {strides = array<i32>} : memref<16x17xf32, #tpu.memory_space<vmem>>, vector<16xf32>,
    tpu.vector_store %arg13[%swap3A_86, %swap3A_87], %broadcast_in_dim3A_3 {strides = array<i32>} : memref<16x17xf32, #tpu.memory_space<vmem>>, vector<16xf32>,
    %swap3A_89 = arith.constant 5 : i32
    %swap3A_90 = arith.index_cast %swap3A_89 : i32 to index
    %swap3A_91 = arith.constant 0 : index
    %swap3A_92 = tpu.vector_load %arg13[%swap3A_90, %swap3A_91] {strides = array<i32>} : memref<16x17xf32, #tpu.memory_space<vmem>>, vector<16xf32>,
    tpu.vector_store %arg13[%swap3A_90, %swap3A_91], %broadcast_in_dim3A_3 {strides = array<i32>} : memref<16x17xf32, #tpu.memory_space<vmem>>, vector<16xf32>,
    %swap3A_93 = arith.constant 6 : i32
    %swap3A_94 = arith.index_cast %swap3A_93 : i32 to index
    %swap3A_95 = arith.constant 0 : index
    %swap3A_96 = tpu.vector_load %arg13[%swap3A_94, %swap3A_95] {strides = array<i32>} : memref<16x17xf32, #tpu.memory_space<vmem>>, vector<16xf32>,
    tpu.vector_store %arg13[%swap3A_94, %swap3A_95], %broadcast_in_dim3A_3 {strides = array<i32>} : memref<16x17xf32, #tpu.memory_space<vmem>>, vector<16xf32>,
    %swap3A_97 = arith.constant 7 : i32
    %swap3A_98 = arith.index_cast %swap3A_97 : i32 to index
    %swap3A_99 = arith.constant 0 : index
    %swap3A_100 = tpu.vector_load %arg13[%swap3A_98, %swap3A_99] {strides = array<i32>} : memref<16x17xf32, #tpu.memory_space<vmem>>, vector<16xf32>,
    tpu.vector_store %arg13[%swap3A_98, %swap3A_99], %broadcast_in_dim3A_3 {strides = array<i32>} : memref<16x17xf32, #tpu.memory_space<vmem>>, vector<16xf32>,
    %swap3A_101 = arith.constant 8 : i32
    %swap3A_102 = arith.index_cast %swap3A_101 : i32 to index
    %swap3A_103 = arith.constant 0 : index
    %swap3A_104 = tpu.vector_load %arg13[%swap3A_102, %swap3A_103] {strides = array<i32>} : memref<16x17xf32, #tpu.memory_space<vmem>>, vector<16xf32>,
    tpu.vector_store %arg13[%swap3A_102, %swap3A_103], %broadcast_in_dim3A_3 {strides = array<i32>} : memref<16x17xf32, #tpu.memory_space<vmem>>, vector<16xf32>,
    %swap3A_105 = arith.constant 9 : i32
    %swap3A_106 = arith.index_cast %swap3A_105 : i32 to index
    %swap3A_107 = arith.constant 0 : index
    %swap3A_108 = tpu.vector_load %arg13[%swap3A_106, %swap3A_107] {strides = array<i32>} : memref<16x17xf32, #tpu.memory_space<vmem>>, vector<16xf32>,
    tpu.vector_store %arg13[%swap3A_106, %swap3A_107], %broadcast_in_dim3A_3 {strides = array<i32>} : memref<16x17xf32, #tpu.memory_space<vmem>>, vector<16xf32>,
    %swap3A_109 = arith.constant 10 : i32
    %swap3A_110 = arith.index_cast %swap3A_109 : i32 to index
    %swap3A_111 = arith.constant 0 : index
    %swap3A_112 = tpu.vector_load %arg13[%swap3A_110, %swap3A_111] {strides = array<i32>} : memref<16x17xf32, #tpu.memory_space<vmem>>, vector<16xf32>,
    tpu.vector_store %arg13[%swap3A_110, %swap3A_111], %broadcast_in_dim3A_3 {strides = array<i32>} : memref<16x17xf32, #tpu.memory_space<vmem>>, vector<16xf32>,
    %swap3A_113 = arith.constant 11 : i32
    %swap3A_114 = arith.index_cast %swap3A_113 : i32 to index
    %swap3A_115 = arith.constant 0 : index
    %swap3A_116 = tpu.vector_load %arg13[%swap3A_114, %swap3A_115] {strides = array<i32>} : memref<16x17xf32, #tpu.memory_space<vmem>>, vector<16xf32>,
    tpu.vector_store %arg13[%swap3A_114, %swap3A_115], %broadcast_in_dim3A_3 {strides = array<i32>} : memref<16x17xf32, #tpu.memory_space<vmem>>, vector<16xf32>,
    %swap3A_117 = arith.constant 12 : i32
    %swap3A_118 = arith.index_cast %swap3A_117 : i32 to index
    %swap3A_119 = arith.constant 0 : index
    %swap3A_120 = tpu.vector_load %arg13[%swap3A_118, %swap3A_119] {strides = array<i32>} : memref<16x17xf32, #tpu.memory_space<vmem>>, vector<16xf32>,
    tpu.vector_store %arg13[%swap3A_118, %swap3A_119], %broadcast_in_dim3A_3 {strides = array<i32>} : memref<16x17xf32, #tpu.memory_space<vmem>>, vector<16xf32>,
    %swap3A_121 = arith.constant 13 : i32
    %swap3A_122 = arith.index_cast %swap3A_121 : i32 to index
    %swap3A_123 = arith.constant 0 : index
    %swap3A_124 = tpu.vector_load %arg13[%swap3A_122, %swap3A_123] {strides = array<i32>} : memref<16x17xf32, #tpu.memory_space<vmem>>, vector<16xf32>,
    tpu.vector_store %arg13[%swap3A_122, %swap3A_123], %broadcast_in_dim3A_3 {strides = array<i32>} : memref<16x17xf32, #tpu.memory_space<vmem>>, vector<16xf32>,
    %swap3A_125 = arith.constant 14 : i32
    %swap3A_126 = arith.index_cast %swap3A_125 : i32 to index
    %swap3A_127 = arith.constant 0 : index
    %swap3A_128 = tpu.vector_load %arg13[%swap3A_126, %swap3A_127] {strides = array<i32>} : memref<16x17xf32, #tpu.memory_space<vmem>>, vector<16xf32>,
    tpu.vector_store %arg13[%swap3A_126, %swap3A_127], %broadcast_in_dim3A_3 {strides = array<i32>} : memref<16x17xf32, #tpu.memory_space<vmem>>, vector<16xf32>,
    %swap3A_129 = arith.constant 15 : i32
    %swap3A_130 = arith.index_cast %swap3A_129 : i32 to index
    %swap3A_131 = arith.constant 0 : index
    %swap3A_132 = tpu.vector_load %arg13[%swap3A_130, %swap3A_131] {strides = array<i32>} : memref<16x17xf32, #tpu.memory_space<vmem>>, vector<16xf32>,
    tpu.vector_store %arg13[%swap3A_130, %swap3A_131], %broadcast_in_dim3A_3 {strides = array<i32>} : memref<16x17xf32, #tpu.memory_space<vmem>>, vector<16xf32>,
    %swap3A_133 = arith.constant 0 : i32
    %swap3A_134 = arith.index_cast %swap3A_133 : i32 to index
    %swap3A_135 = arith.constant 0 : index
    %swap3A_136 = tpu.vector_load %arg14[%swap3A_134, %swap3A_135] {strides = array<i32>} : memref<16x17xi32, #tpu.memory_space<vmem>>, vector<16xi32>,
    tpu.vector_store %arg14[%swap3A_134, %swap3A_135], %broadcast_in_dim3A_5 {strides = array<i32>} : memref<16x17xi32, #tpu.memory_space<vmem>>, vector<16xi32>,
    %swap3A_137 = arith.constant 1 : i32
    %swap3A_138 = arith.index_cast %swap3A_137 : i32 to index
    %swap3A_139 = arith.constant 0 : index
    %swap3A_140 = tpu.vector_load %arg14[%swap3A_138, %swap3A_139] {strides = array<i32>} : memref<16x17xi32, #tpu.memory_space<vmem>>, vector<16xi32>,
    tpu.vector_store %arg14[%swap3A_138, %swap3A_139], %broadcast_in_dim3A_5 {strides = array<i32>} : memref<16x17xi32, #tpu.memory_space<vmem>>, vector<16xi32>,
    %swap3A_141 = arith.constant 2 : i32
    %swap3A_142 = arith.index_cast %swap3A_141 : i32 to index
    %swap3A_143 = arith.constant 0 : index
    %swap3A_144 = tpu.vector_load %arg14[%swap3A_142, %swap3A_143] {strides = array<i32>} : memref<16x17xi32, #tpu.memory_space<vmem>>, vector<16xi32>,
    tpu.vector_store %arg14[%swap3A_142, %swap3A_143], %broadcast_in_dim3A_5 {strides = array<i32>} : memref<16x17xi32, #tpu.memory_space<vmem>>, vector<16xi32>,
    %swap3A_145 = arith.constant 3 : i32
    %swap3A_146 = arith.index_cast %swap3A_145 : i32 to index
    %swap3A_147 = arith.constant 0 : index
    %swap3A_148 = tpu.vector_load %arg14[%swap3A_146, %swap3A_147] {strides = array<i32>} : memref<16x17xi32, #tpu.memory_space<vmem>>, vector<16xi32>,
    tpu.vector_store %arg14[%swap3A_146, %swap3A_147], %broadcast_in_dim3A_5 {strides = array<i32>} : memref<16x17xi32, #tpu.memory_space<vmem>>, vector<16xi32>,
    %swap3A_149 = arith.constant 4 : i32
    %swap3A_150 = arith.index_cast %swap3A_149 : i32 to index
    %swap3A_151 = arith.constant 0 : index
    %swap3A_152 = tpu.vector_load %arg14[%swap3A_150, %swap3A_151] {strides = array<i32>} : memref<16x17xi32, #tpu.memory_space<vmem>>, vector<16xi32>,
    tpu.vector_store %arg14[%swap3A_150, %swap3A_151], %broadcast_in_dim3A_5 {strides = array<i32>} : memref<16x17xi32, #tpu.memory_space<vmem>>, vector<16xi32>,
    %swap3A_153 = arith.constant 5 : i32
    %swap3A_154 = arith.index_cast %swap3A_153 : i32 to index
    %swap3A_155 = arith.constant 0 : index
    %swap3A_156 = tpu.vector_load %arg14[%swap3A_154, %swap3A_155] {strides = array<i32>} : memref<16x17xi32, #tpu.memory_space<vmem>>, vector<16xi32>,
    tpu.vector_store %arg14[%swap3A_154, %swap3A_155], %broadcast_in_dim3A_5 {strides = array<i32>} : memref<16x17xi32, #tpu.memory_space<vmem>>, vector<16xi32>,
    %swap3A_157 = arith.constant 6 : i32
    %swap3A_158 = arith.index_cast %swap3A_157 : i32 to index
    %swap3A_159 = arith.constant 0 : index
    %swap3A_160 = tpu.vector_load %arg14[%swap3A_158, %swap3A_159] {strides = array<i32>} : memref<16x17xi32, #tpu.memory_space<vmem>>, vector<16xi32>,
    tpu.vector_store %arg14[%swap3A_158, %swap3A_159], %broadcast_in_dim3A_5 {strides = array<i32>} : memref<16x17xi32, #tpu.memory_space<vmem>>, vector<16xi32>,
    %swap3A_161 = arith.constant 7 : i32
    %swap3A_162 = arith.index_cast %swap3A_161 : i32 to index
    %swap3A_163 = arith.constant 0 : index
    %swap3A_164 = tpu.vector_load %arg14[%swap3A_162, %swap3A_163] {strides = array<i32>} : memref<16x17xi32, #tpu.memory_space<vmem>>, vector<16xi32>,
    tpu.vector_store %arg14[%swap3A_162, %swap3A_163], %broadcast_in_dim3A_5 {strides = array<i32>} : memref<16x17xi32, #tpu.memory_space<vmem>>, vector<16xi32>,
    %swap3A_165 = arith.constant 8 : i32
    %swap3A_166 = arith.index_cast %swap3A_165 : i32 to index
    %swap3A_167 = arith.constant 0 : index
    %swap3A_168 = tpu.vector_load %arg14[%swap3A_166, %swap3A_167] {strides = array<i32>} : memref<16x17xi32, #tpu.memory_space<vmem>>, vector<16xi32>,
    tpu.vector_store %arg14[%swap3A_166, %swap3A_167], %broadcast_in_dim3A_5 {strides = array<i32>} : memref<16x17xi32, #tpu.memory_space<vmem>>, vector<16xi32>,
    %swap3A_169 = arith.constant 9 : i32
    %swap3A_170 = arith.index_cast %swap3A_169 : i32 to index
    %swap3A_171 = arith.constant 0 : index
    %swap3A_172 = tpu.vector_load %arg14[%swap3A_170, %swap3A_171] {strides = array<i32>} : memref<16x17xi32, #tpu.memory_space<vmem>>, vector<16xi32>,
    tpu.vector_store %arg14[%swap3A_170, %swap3A_171], %broadcast_in_dim3A_5 {strides = array<i32>} : memref<16x17xi32, #tpu.memory_space<vmem>>, vector<16xi32>,
    %swap3A_173 = arith.constant 10 : i32
    %swap3A_174 = arith.index_cast %swap3A_173 : i32 to index
    %swap3A_175 = arith.constant 0 : index
    %swap3A_176 = tpu.vector_load %arg14[%swap3A_174, %swap3A_175] {strides = array<i32>} : memref<16x17xi32, #tpu.memory_space<vmem>>, vector<16xi32>,
    tpu.vector_store %arg14[%swap3A_174, %swap3A_175], %broadcast_in_dim3A_5 {strides = array<i32>} : memref<16x17xi32, #tpu.memory_space<vmem>>, vector<16xi32>,
    %swap3A_177 = arith.constant 11 : i32
    %swap3A_178 = arith.index_cast %swap3A_177 : i32 to index
    %swap3A_179 = arith.constant 0 : index
    %swap3A_180 = tpu.vector_load %arg14[%swap3A_178, %swap3A_179] {strides = array<i32>} : memref<16x17xi32, #tpu.memory_space<vmem>>, vector<16xi32>,
    tpu.vector_store %arg14[%swap3A_178, %swap3A_179], %broadcast_in_dim3A_5 {strides = array<i32>} : memref<16x17xi32, #tpu.memory_space<vmem>>, vector<16xi32>,
    %swap3A_181 = arith.constant 12 : i32
    %swap3A_182 = arith.index_cast %swap3A_181 : i32 to index
    %swap3A_183 = arith.constant 0 : index
    %swap3A_184 = tpu.vector_load %arg14[%swap3A_182, %swap3A_183] {strides = array<i32>} : memref<16x17xi32, #tpu.memory_space<vmem>>, vector<16xi32>,
    tpu.vector_store %arg14[%swap3A_182, %swap3A_183], %broadcast_in_dim3A_5 {strides = array<i32>} : memref<16x17xi32, #tpu.memory_space<vmem>>, vector<16xi32>,
    %swap3A_185 = arith.constant 13 : i32
    %swap3A_186 = arith.index_cast %swap3A_185 : i32 to index
    %swap3A_187 = arith.constant 0 : index
    %swap3A_188 = tpu.vector_load %arg14[%swap3A_186, %swap3A_187] {strides = array<i32>} : memref<16x17xi32, #tpu.memory_space<vmem>>, vector<16xi32>,
    tpu.vector_store %arg14[%swap3A_186, %swap3A_187], %broadcast_in_dim3A_5 {strides = array<i32>} : memref<16x17xi32, #tpu.memory_space<vmem>>, vector<16xi32>,
    %swap3A_189 = arith.constant 14 : i32
    %swap3A_190 = arith.index_cast %swap3A_189 : i32 to index
    %swap3A_191 = arith.constant 0 : index
    %swap3A_192 = tpu.vector_load %arg14[%swap3A_190, %swap3A_191] {strides = array<i32>} : memref<16x17xi32, #tpu.memory_space<vmem>>, vector<16xi32>,
    tpu.vector_store %arg14[%swap3A_190, %swap3A_191], %broadcast_in_dim3A_5 {strides = array<i32>} : memref<16x17xi32, #tpu.memory_space<vmem>>, vector<16xi32>,
    %swap3A_193 = arith.constant 15 : i32
    %swap3A_194 = arith.index_cast %swap3A_193 : i32 to index
    %swap3A_195 = arith.constant 0 : index
    %swap3A_196 = tpu.vector_load %arg14[%swap3A_194, %swap3A_195] {strides = array<i32>} : memref<16x17xi32, #tpu.memory_space<vmem>>, vector<16xi32>,
    tpu.vector_store %arg14[%swap3A_194, %swap3A_195], %broadcast_in_dim3A_5 {strides = array<i32>} : memref<16x17xi32, #tpu.memory_space<vmem>>, vector<16xi32>,
    %swap3A_197 = arith.constant 0 : i32
    %swap3A_198 = arith.index_cast %swap3A_197 : i32 to index
    %swap3A_199 = arith.constant 0 : index
    %swap3A_200 = tpu.vector_load %arg15[%swap3A_198, %swap3A_199] {strides = array<i32>} : memref<16x17xf32, #tpu.memory_space<vmem>>, vector<16xf32>,
    tpu.vector_store %arg15[%swap3A_198, %swap3A_199], %broadcast_in_dim3A_3 {strides = array<i32>} : memref<16x17xf32, #tpu.memory_space<vmem>>, vector<16xf32>,
    %swap3A_201 = arith.constant 1 : i32
    %swap3A_202 = arith.index_cast %swap3A_201 : i32 to index
    %swap3A_203 = arith.constant 0 : index
    %swap3A_204 = tpu.vector_load %arg15[%swap3A_202, %swap3A_203] {strides = array<i32>} : memref<16x17xf32, #tpu.memory_space<vmem>>, vector<16xf32>,
    tpu.vector_store %arg15[%swap3A_202, %swap3A_203], %broadcast_in_dim3A_3 {strides = array<i32>} : memref<16x17xf32, #tpu.memory_space<vmem>>, vector<16xf32>,
    %swap3A_205 = arith.constant 2 : i32
    %swap3A_206 = arith.index_cast %swap3A_205 : i32 to index
    %swap3A_207 = arith.constant 0 : index
    %swap3A_208 = tpu.vector_load %arg15[%swap3A_206, %swap3A_207] {strides = array<i32>} : memref<16x17xf32, #tpu.memory_space<vmem>>, vector<16xf32>,
    tpu.vector_store %arg15[%swap3A_206, %swap3A_207], %broadcast_in_dim3A_3 {strides = array<i32>} : memref<16x17xf32, #tpu.memory_space<vmem>>, vector<16xf32>,
    %swap3A_209 = arith.constant 3 : i32
    %swap3A_210 = arith.index_cast %swap3A_209 : i32 to index
    %swap3A_211 = arith.constant 0 : index
    %swap3A_212 = tpu.vector_load %arg15[%swap3A_210, %swap3A_211] {strides = array<i32>} : memref<16x17xf32, #tpu.memory_space<vmem>>, vector<16xf32>,
    tpu.vector_store %arg15[%swap3A_210, %swap3A_211], %broadcast_in_dim3A_3 {strides = array<i32>} : memref<16x17xf32, #tpu.memory_space<vmem>>, vector<16xf32>,
    %swap3A_213 = arith.constant 4 : i32
    %swap3A_214 = arith.index_cast %swap3A_213 : i32 to index
    %swap3A_215 = arith.constant 0 : index
    %swap3A_216 = tpu.vector_load %arg15[%swap3A_214, %swap3A_215] {strides = array<i32>} : memref<16x17xf32, #tpu.memory_space<vmem>>, vector<16xf32>,
    tpu.vector_store %arg15[%swap3A_214, %swap3A_215], %broadcast_in_dim3A_3 {strides = array<i32>} : memref<16x17xf32, #tpu.memory_space<vmem>>, vector<16xf32>,
    %swap3A_217 = arith.constant 5 : i32
    %swap3A_218 = arith.index_cast %swap3A_217 : i32 to index
    %swap3A_219 = arith.constant 0 : index
    %swap3A_220 = tpu.vector_load %arg15[%swap3A_218, %swap3A_219] {strides = array<i32>} : memref<16x17xf32, #tpu.memory_space<vmem>>, vector<16xf32>,
    tpu.vector_store %arg15[%swap3A_218, %swap3A_219], %broadcast_in_dim3A_3 {strides = array<i32>} : memref<16x17xf32, #tpu.memory_space<vmem>>, vector<16xf32>,
    %swap3A_221 = arith.constant 6 : i32
    %swap3A_222 = arith.index_cast %swap3A_221 : i32 to index
    %swap3A_223 = arith.constant 0 : index
    %swap3A_224 = tpu.vector_load %arg15[%swap3A_222, %swap3A_223] {strides = array<i32>} : memref<16x17xf32, #tpu.memory_space<vmem>>, vector<16xf32>,
    tpu.vector_store %arg15[%swap3A_222, %swap3A_223], %broadcast_in_dim3A_3 {strides = array<i32>} : memref<16x17xf32, #tpu.memory_space<vmem>>, vector<16xf32>,
    %swap3A_225 = arith.constant 7 : i32
    %swap3A_226 = arith.index_cast %swap3A_225 : i32 to index
    %swap3A_227 = arith.constant 0 : index
    %swap3A_228 = tpu.vector_load %arg15[%swap3A_226, %swap3A_227] {strides = array<i32>} : memref<16x17xf32, #tpu.memory_space<vmem>>, vector<16xf32>,
    tpu.vector_store %arg15[%swap3A_226, %swap3A_227], %broadcast_in_dim3A_3 {strides = array<i32>} : memref<16x17xf32, #tpu.memory_space<vmem>>, vector<16xf32>,
    %swap3A_229 = arith.constant 8 : i32
    %swap3A_230 = arith.index_cast %swap3A_229 : i32 to index
    %swap3A_231 = arith.constant 0 : index
    %swap3A_232 = tpu.vector_load %arg15[%swap3A_230, %swap3A_231] {strides = array<i32>} : memref<16x17xf32, #tpu.memory_space<vmem>>, vector<16xf32>,
    tpu.vector_store %arg15[%swap3A_230, %swap3A_231], %broadcast_in_dim3A_3 {strides = array<i32>} : memref<16x17xf32, #tpu.memory_space<vmem>>, vector<16xf32>,
    %swap3A_233 = arith.constant 9 : i32
    %swap3A_234 = arith.index_cast %swap3A_233 : i32 to index
    %swap3A_235 = arith.constant 0 : index
    %swap3A_236 = tpu.vector_load %arg15[%swap3A_234, %swap3A_235] {strides = array<i32>} : memref<16x17xf32, #tpu.memory_space<vmem>>, vector<16xf32>,
    tpu.vector_store %arg15[%swap3A_234, %swap3A_235], %broadcast_in_dim3A_3 {strides = array<i32>} : memref<16x17xf32, #tpu.memory_space<vmem>>, vector<16xf32>,
    %swap3A_237 = arith.constant 10 : i32
    %swap3A_238 = arith.index_cast %swap3A_237 : i32 to index
    %swap3A_239 = arith.constant 0 : index
    %swap3A_240 = tpu.vector_load %arg15[%swap3A_238, %swap3A_239] {strides = array<i32>} : memref<16x17xf32, #tpu.memory_space<vmem>>, vector<16xf32>,
    tpu.vector_store %arg15[%swap3A_238, %swap3A_239], %broadcast_in_dim3A_3 {strides = array<i32>} : memref<16x17xf32, #tpu.memory_space<vmem>>, vector<16xf32>,
    %swap3A_241 = arith.constant 11 : i32
    %swap3A_242 = arith.index_cast %swap3A_241 : i32 to index
    %swap3A_243 = arith.constant 0 : index
    %swap3A_244 = tpu.vector_load %arg15[%swap3A_242, %swap3A_243] {strides = array<i32>} : memref<16x17xf32, #tpu.memory_space<vmem>>, vector<16xf32>,
    tpu.vector_store %arg15[%swap3A_242, %swap3A_243], %broadcast_in_dim3A_3 {strides = array<i32>} : memref<16x17xf32, #tpu.memory_space<vmem>>, vector<16xf32>,
    %swap3A_245 = arith.constant 12 : i32
    %swap3A_246 = arith.index_cast %swap3A_245 : i32 to index
    %swap3A_247 = arith.constant 0 : index
    %swap3A_248 = tpu.vector_load %arg15[%swap3A_246, %swap3A_247] {strides = array<i32>} : memref<16x17xf32, #tpu.memory_space<vmem>>, vector<16xf32>,
    tpu.vector_store %arg15[%swap3A_246, %swap3A_247], %broadcast_in_dim3A_3 {strides = array<i32>} : memref<16x17xf32, #tpu.memory_space<vmem>>, vector<16xf32>,
    %swap3A_249 = arith.constant 13 : i32
    %swap3A_250 = arith.index_cast %swap3A_249 : i32 to index
    %swap3A_251 = arith.constant 0 : index
    %swap3A_252 = tpu.vector_load %arg15[%swap3A_250, %swap3A_251] {strides = array<i32>} : memref<16x17xf32, #tpu.memory_space<vmem>>, vector<16xf32>,
    tpu.vector_store %arg15[%swap3A_250, %swap3A_251], %broadcast_in_dim3A_3 {strides = array<i32>} : memref<16x17xf32, #tpu.memory_space<vmem>>, vector<16xf32>,
    %swap3A_253 = arith.constant 14 : i32
    %swap3A_254 = arith.index_cast %swap3A_253 : i32 to index
    %swap3A_255 = arith.constant 0 : index
    %swap3A_256 = tpu.vector_load %arg15[%swap3A_254, %swap3A_255] {strides = array<i32>} : memref<16x17xf32, #tpu.memory_space<vmem>>, vector<16xf32>,
    tpu.vector_store %arg15[%swap3A_254, %swap3A_255], %broadcast_in_dim3A_3 {strides = array<i32>} : memref<16x17xf32, #tpu.memory_space<vmem>>, vector<16xf32>,
    %swap3A_257 = arith.constant 15 : i32
    %swap3A_258 = arith.index_cast %swap3A_257 : i32 to index
    %swap3A_259 = arith.constant 0 : index
    %swap3A_260 = tpu.vector_load %arg15[%swap3A_258, %swap3A_259] {strides = array<i32>} : memref<16x17xf32, #tpu.memory_space<vmem>>, vector<16xf32>,
    tpu.vector_store %arg15[%swap3A_258, %swap3A_259], %broadcast_in_dim3A_3 {strides = array<i32>} : memref<16x17xf32, #tpu.memory_space<vmem>>, vector<16xf32>,
    %iota3A = tpu.iota {dimensions = array<i32: 0>} : vector<16xi32>
    %add3A_261 = arith.constant 0 : i32
    %add3A_262 = arith.addi %mul3A_2, %add3A_261 : i32
    %dma_start3A = arith.constant 0 : i32
    %dma_start3A_263 = arith.constant 0 : i32
    %dma_start3A_264 = arith.constant 0 : i32
    %dma_start3A_265 = tpu.memref_slice %arg2[%dma_start3A, %dma_start3A_263, %add3A_262, %dma_start3A_264] : memref<1x2x2048x2048xf32, #tpu.memory_space<hbm>> -> memref<1x1x8x2048xf32, #tpu.memory_space<hbm>>
    %dma_start3A_266 = tpu.memref_squeeze %dma_start3A_265 : memref<1x1x8x2048xf32, #tpu.memory_space<hbm>> -> memref<8x2048xf32, #tpu.memory_space<hbm>>
    %dma_start3A_267 = arith.constant 0 : i32
    %dma_start3A_268 = tpu.memref_slice %arg2[%dma_start3A, %dma_start3A_263, %add3A_262, %dma_start3A_267] : memref<1x2x2048x2048xf32, #tpu.memory_space<hbm>> -> memref<1x1x8x2048xf32, #tpu.memory_space<hbm>>
    %dma_start3A_269 = tpu.memref_squeeze %dma_start3A_268 : memref<1x1x8x2048xf32, #tpu.memory_space<hbm>> -> memref<8x2048xf32, #tpu.memory_space<hbm>>
    tpu.enqueue_dma source(%dma_start3A_269 : memref<8x2048xf32, #tpu.memory_space<hbm>>) target(%arg5 : memref<8x2048xf32, #tpu.memory_space<vmem>>) target_semaphore(%arg16 : memref<!tpu.dma_semaphore, #tpu.memory_space<semaphore_mem>>)
    %dma_start3A_270 = arith.constant 0 : i32
    %dma_start3A_271 = arith.constant 1 : i32
    %dma_start3A_272 = arith.constant 0 : i32
    %dma_start3A_273 = tpu.memref_slice %arg2[%dma_start3A_270, %dma_start3A_271, %add3A_262, %dma_start3A_272] : memref<1x2x2048x2048xf32, #tpu.memory_space<hbm>> -> memref<1x1x8x2048xf32, #tpu.memory_space<hbm>>
    %dma_start3A_274 = tpu.memref_squeeze %dma_start3A_273 : memref<1x1x8x2048xf32, #tpu.memory_space<hbm>> -> memref<8x2048xf32, #tpu.memory_space<hbm>>
    %dma_start3A_275 = arith.constant 0 : i32
    %dma_start3A_276 = tpu.memref_slice %arg2[%dma_start3A_270, %dma_start3A_271, %add3A_262, %dma_start3A_275] : memref<1x2x2048x2048xf32, #tpu.memory_space<hbm>> -> memref<1x1x8x2048xf32, #tpu.memory_space<hbm>>
    %dma_start3A_277 = tpu.memref_squeeze %dma_start3A_276 : memref<1x1x8x2048xf32, #tpu.memory_space<hbm>> -> memref<8x2048xf32, #tpu.memory_space<hbm>>
    tpu.enqueue_dma source(%dma_start3A_277 : memref<8x2048xf32, #tpu.memory_space<hbm>>) target(%arg7 : memref<8x2048xf32, #tpu.memory_space<vmem>>) target_semaphore(%arg16 : memref<!tpu.dma_semaphore, #tpu.memory_space<semaphore_mem>>)
    %dma_start3A_278 = arith.constant 0 : i32
    %dma_start3A_279 = arith.constant 0 : i32
    %dma_start3A_280 = arith.constant 0 : i32
    %dma_start3A_281 = tpu.memref_slice %arg3[%dma_start3A_278, %dma_start3A_279, %add3A_262, %dma_start3A_280] : memref<1x1x2048x2048xi32, #tpu.memory_space<hbm>> -> memref<1x1x8x2048xi32, #tpu.memory_space<hbm>>
    %dma_start3A_282 = tpu.memref_squeeze %dma_start3A_281 : memref<1x1x8x2048xi32, #tpu.memory_space<hbm>> -> memref<8x2048xi32, #tpu.memory_space<hbm>>
    %dma_start3A_283 = arith.constant 0 : i32
    %dma_start3A_284 = tpu.memref_slice %arg3[%dma_start3A_278, %dma_start3A_279, %add3A_262, %dma_start3A_283] : memref<1x1x2048x2048xi32, #tpu.memory_space<hbm>> -> memref<1x1x8x2048xi32, #tpu.memory_space<hbm>>
    %dma_start3A_285 = tpu.memref_squeeze %dma_start3A_284 : memref<1x1x8x2048xi32, #tpu.memory_space<hbm>> -> memref<8x2048xi32, #tpu.memory_space<hbm>>
    tpu.enqueue_dma source(%dma_start3A_285 : memref<8x2048xi32, #tpu.memory_space<hbm>>) target(%arg9 : memref<8x2048xi32, #tpu.memory_space<vmem>>) target_semaphore(%arg16 : memref<!tpu.dma_semaphore, #tpu.memory_space<semaphore_mem>>)
    %dma_wait3A = arith.constant 0 : i32
    %dma_wait3A_286 = arith.constant 0 : i32
    %dma_wait3A_287 = arith.constant 0 : i32
    %dma_wait3A_288 = tpu.memref_slice %arg2[%dma_wait3A, %dma_wait3A_286, %add3A_262, %dma_wait3A_287] : memref<1x2x2048x2048xf32, #tpu.memory_space<hbm>> -> memref<1x1x8x2048xf32, #tpu.memory_space<hbm>>
    %dma_wait3A_289 = tpu.memref_squeeze %dma_wait3A_288 : memref<1x1x8x2048xf32, #tpu.memory_space<hbm>> -> memref<8x2048xf32, #tpu.memory_space<hbm>>
    %dma_wait3A_290 = arith.constant 0 : i32
    %dma_wait3A_291 = tpu.memref_slice %arg2[%dma_wait3A, %dma_wait3A_286, %add3A_262, %dma_wait3A_290] : memref<1x2x2048x2048xf32, #tpu.memory_space<hbm>> -> memref<1x1x8x2048xf32, #tpu.memory_space<hbm>>
    %dma_wait3A_292 = tpu.memref_squeeze %dma_wait3A_291 : memref<1x1x8x2048xf32, #tpu.memory_space<hbm>> -> memref<8x2048xf32, #tpu.memory_space<hbm>>
    tpu.wait_dma2 semaphore(%arg16 : memref<!tpu.dma_semaphore, #tpu.memory_space<semaphore_mem>>) src(%dma_wait3A_292 : memref<8x2048xf32, #tpu.memory_space<hbm>>) dst(%arg5 : memref<8x2048xf32, #tpu.memory_space<vmem>>)
    %dma_wait3A_293 = arith.constant 0 : i32
    %dma_wait3A_294 = arith.constant 1 : i32
    %dma_wait3A_295 = arith.constant 0 : i32
    %dma_wait3A_296 = tpu.memref_slice %arg2[%dma_wait3A_293, %dma_wait3A_294, %add3A_262, %dma_wait3A_295] : memref<1x2x2048x2048xf32, #tpu.memory_space<hbm>> -> memref<1x1x8x2048xf32, #tpu.memory_space<hbm>>
    %dma_wait3A_297 = tpu.memref_squeeze %dma_wait3A_296 : memref<1x1x8x2048xf32, #tpu.memory_space<hbm>> -> memref<8x2048xf32, #tpu.memory_space<hbm>>
    %dma_wait3A_298 = arith.constant 0 : i32
    %dma_wait3A_299 = tpu.memref_slice %arg2[%dma_wait3A_293, %dma_wait3A_294, %add3A_262, %dma_wait3A_298] : memref<1x2x2048x2048xf32, #tpu.memory_space<hbm>> -> memref<1x1x8x2048xf32, #tpu.memory_space<hbm>>
    %dma_wait3A_300 = tpu.memref_squeeze %dma_wait3A_299 : memref<1x1x8x2048xf32, #tpu.memory_space<hbm>> -> memref<8x2048xf32, #tpu.memory_space<hbm>>
    tpu.wait_dma2 semaphore(%arg16 : memref<!tpu.dma_semaphore, #tpu.memory_space<semaphore_mem>>) src(%dma_wait3A_300 : memref<8x2048xf32, #tpu.memory_space<hbm>>) dst(%arg7 : memref<8x2048xf32, #tpu.memory_space<vmem>>)
    %dma_wait3A_301 = arith.constant 0 : i32
    %dma_wait3A_302 = arith.constant 0 : i32
    %dma_wait3A_303 = arith.constant 0 : i32
    %dma_wait3A_304 = tpu.memref_slice %arg3[%dma_wait3A_301, %dma_wait3A_302, %add3A_262, %dma_wait3A_303] : memref<1x1x2048x2048xi32, #tpu.memory_space<hbm>> -> memref<1x1x8x2048xi32, #tpu.memory_space<hbm>>
    %dma_wait3A_305 = tpu.memref_squeeze %dma_wait3A_304 : memref<1x1x8x2048xi32, #tpu.memory_space<hbm>> -> memref<8x2048xi32, #tpu.memory_space<hbm>>
    %dma_wait3A_306 = arith.constant 0 : i32
    %dma_wait3A_307 = tpu.memref_slice %arg3[%dma_wait3A_301, %dma_wait3A_302, %add3A_262, %dma_wait3A_306] : memref<1x1x2048x2048xi32, #tpu.memory_space<hbm>> -> memref<1x1x8x2048xi32, #tpu.memory_space<hbm>>
    %dma_wait3A_308 = tpu.memref_squeeze %dma_wait3A_307 : memref<1x1x8x2048xi32, #tpu.memory_space<hbm>> -> memref<8x2048xi32, #tpu.memory_space<hbm>>
    tpu.wait_dma2 semaphore(%arg16 : memref<!tpu.dma_semaphore, #tpu.memory_space<semaphore_mem>>) src(%dma_wait3A_308 : memref<8x2048xi32, #tpu.memory_space<hbm>>) dst(%arg9 : memref<8x2048xi32, #tpu.memory_space<vmem>>)
    %add3A_309 = arith.constant 8 : i32
    %add3A_310 = arith.addi %mul3A_2, %add3A_309 : i32
    %dma_start3A_311 = arith.constant 0 : i32
    %dma_start3A_312 = arith.constant 0 : i32
    %dma_start3A_313 = arith.constant 0 : i32
    %dma_start3A_314 = tpu.memref_slice %arg2[%dma_start3A_311, %dma_start3A_312, %add3A_310, %dma_start3A_313] : memref<1x2x2048x2048xf32, #tpu.memory_space<hbm>> -> memref<1x1x8x2048xf32, #tpu.memory_space<hbm>>
    %dma_start3A_315 = tpu.memref_squeeze %dma_start3A_314 : memref<1x1x8x2048xf32, #tpu.memory_space<hbm>> -> memref<8x2048xf32, #tpu.memory_space<hbm>>
    %dma_start3A_316 = arith.constant 0 : i32
    %dma_start3A_317 = tpu.memref_slice %arg2[%dma_start3A_311, %dma_start3A_312, %add3A_310, %dma_start3A_316] : memref<1x2x2048x2048xf32, #tpu.memory_space<hbm>> -> memref<1x1x8x2048xf32, #tpu.memory_space<hbm>>
    %dma_start3A_318 = tpu.memref_squeeze %dma_start3A_317 : memref<1x1x8x2048xf32, #tpu.memory_space<hbm>> -> memref<8x2048xf32, #tpu.memory_space<hbm>>
    tpu.enqueue_dma source(%dma_start3A_318 : memref<8x2048xf32, #tpu.memory_space<hbm>>) target(%arg6 : memref<8x2048xf32, #tpu.memory_space<vmem>>) target_semaphore(%arg17 : memref<!tpu.dma_semaphore, #tpu.memory_space<semaphore_mem>>)
    %dma_start3A_319 = arith.constant 0 : i32
    %dma_start3A_320 = arith.constant 1 : i32
    %dma_start3A_321 = arith.constant 0 : i32
    %dma_start3A_322 = tpu.memref_slice %arg2[%dma_start3A_319, %dma_start3A_320, %add3A_310, %dma_start3A_321] : memref<1x2x2048x2048xf32, #tpu.memory_space<hbm>> -> memref<1x1x8x2048xf32, #tpu.memory_space<hbm>>
    %dma_start3A_323 = tpu.memref_squeeze %dma_start3A_322 : memref<1x1x8x2048xf32, #tpu.memory_space<hbm>> -> memref<8x2048xf32, #tpu.memory_space<hbm>>
    %dma_start3A_324 = arith.constant 0 : i32
    %dma_start3A_325 = tpu.memref_slice %arg2[%dma_start3A_319, %dma_start3A_320, %add3A_310, %dma_start3A_324] : memref<1x2x2048x2048xf32, #tpu.memory_space<hbm>> -> memref<1x1x8x2048xf32, #tpu.memory_space<hbm>>
    %dma_start3A_326 = tpu.memref_squeeze %dma_start3A_325 : memref<1x1x8x2048xf32, #tpu.memory_space<hbm>> -> memref<8x2048xf32, #tpu.memory_space<hbm>>
    tpu.enqueue_dma source(%dma_start3A_326 : memref<8x2048xf32, #tpu.memory_space<hbm>>) target(%arg8 : memref<8x2048xf32, #tpu.memory_space<vmem>>) target_semaphore(%arg17 : memref<!tpu.dma_semaphore, #tpu.memory_space<semaphore_mem>>)
    %dma_start3A_327 = arith.constant 0 : i32
    %dma_start3A_328 = arith.constant 0 : i32
    %dma_start3A_329 = arith.constant 0 : i32
    %dma_start3A_330 = tpu.memref_slice %arg3[%dma_start3A_327, %dma_start3A_328, %add3A_310, %dma_start3A_329] : memref<1x1x2048x2048xi32, #tpu.memory_space<hbm>> -> memref<1x1x8x2048xi32, #tpu.memory_space<hbm>>
    %dma_start3A_331 = tpu.memref_squeeze %dma_start3A_330 : memref<1x1x8x2048xi32, #tpu.memory_space<hbm>> -> memref<8x2048xi32, #tpu.memory_space<hbm>>
    %dma_start3A_332 = arith.constant 0 : i32
    %dma_start3A_333 = tpu.memref_slice %arg3[%dma_start3A_327, %dma_start3A_328, %add3A_310, %dma_start3A_332] : memref<1x1x2048x2048xi32, #tpu.memory_space<hbm>> -> memref<1x1x8x2048xi32, #tpu.memory_space<hbm>>
    %dma_start3A_334 = tpu.memref_squeeze %dma_start3A_333 : memref<1x1x8x2048xi32, #tpu.memory_space<hbm>> -> memref<8x2048xi32, #tpu.memory_space<hbm>>
    tpu.enqueue_dma source(%dma_start3A_334 : memref<8x2048xi32, #tpu.memory_space<hbm>>) target(%arg10 : memref<8x2048xi32, #tpu.memory_space<vmem>>) target_semaphore(%arg17 : memref<!tpu.dma_semaphore, #tpu.memory_space<semaphore_mem>>)
    %scan3A = arith.constant 0 : i32
    %scan3A_335 = arith.constant 0 : i32
    %scan3A_336 = arith.constant 8 : i32
    %scan3A_337 = arith.addi %scan3A_335, %scan3A_336 : i32
    %scan3A_338 = arith.constant 1 : i32
    scf.for %scan3A_1212 = %scan3A_335 to %scan3A_337 step %scan3A_338  : i32 {
      %parallel_loop3A = arith.constant 0 : i32
      %parallel_loop3A_1213 = arith.constant 2048 : i32
      %parallel_loop3A_1214 = arith.constant 16 : i32
      scf.for %parallel_loop3A_1215 = %parallel_loop3A to %parallel_loop3A_1213 step %parallel_loop3A_1214  : i32 {
        %parallel_loop3A_1216 = arith.index_cast %scan3A_1212 : i32 to index
        %parallel_loop3A_1217 = arith.index_cast %parallel_loop3A_1215 : i32 to index
        %parallel_loop3A_1218 = tpu.vector_load %arg9[%parallel_loop3A_1216, %parallel_loop3A_1217] {strides = array<i32>} : memref<8x2048xi32, #tpu.memory_space<vmem>>, vector<16xi32>,
        %parallel_loop3A_1219 = arith.constant 14 : i32
        %parallel_loop3A_1220 = vector.broadcast %parallel_loop3A_1219 : i32 to vector<16xi32>
        %parallel_loop3A_1221 = arith.shli %parallel_loop3A_1218, %parallel_loop3A_1220 : vector<16xi32>
        %parallel_loop3A_1222 = arith.constant 1 : i32
        %parallel_loop3A_1223 = vector.broadcast %parallel_loop3A_1222 : i32 to vector<16xi32>
        %parallel_loop3A_1224 = arith.ori %parallel_loop3A_1221, %parallel_loop3A_1223 : vector<16xi32>
        %parallel_loop3A_1225 = arith.index_cast %scan3A_1212 : i32 to index
        %parallel_loop3A_1226 = arith.index_cast %parallel_loop3A_1215 : i32 to index
        %parallel_loop3A_1227 = tpu.vector_load %arg5[%parallel_loop3A_1225, %parallel_loop3A_1226] {strides = array<i32>} : memref<8x2048xf32, #tpu.memory_space<vmem>>, vector<16xf32>,
        %parallel_loop3A_1228 = arith.constant 1.500000e+01 : f32
        %parallel_loop3A_1229 = vector.broadcast %parallel_loop3A_1228 : f32 to vector<16xf32>
        %parallel_loop3A_1230 = arith.mulf %parallel_loop3A_1227, %parallel_loop3A_1229 : vector<16xf32>
        %parallel_loop3A_1231 = arith.fptosi %parallel_loop3A_1230 : vector<16xf32> to vector<16xi32>
        tpu.vector_store_idx %arg12[%iota3A, %parallel_loop3A_1231], %parallel_loop3A_1224 {add = true} : memref<16x17xi32, #tpu.memory_space<vmem>>[vector<16xi32>, vector<16xi32>], vector<16xi32>,
        %parallel_loop3A_1232 = arith.index_cast %scan3A_1212 : i32 to index
        %parallel_loop3A_1233 = arith.index_cast %parallel_loop3A_1215 : i32 to index
        %parallel_loop3A_1234 = tpu.vector_load %arg7[%parallel_loop3A_1232, %parallel_loop3A_1233] {strides = array<i32>} : memref<8x2048xf32, #tpu.memory_space<vmem>>, vector<16xf32>,
        %parallel_loop3A_1235 = arith.constant 1.500000e+01 : f32
        %parallel_loop3A_1236 = vector.broadcast %parallel_loop3A_1235 : f32 to vector<16xf32>
        %parallel_loop3A_1237 = arith.mulf %parallel_loop3A_1234, %parallel_loop3A_1236 : vector<16xf32>
        %parallel_loop3A_1238 = arith.fptosi %parallel_loop3A_1237 : vector<16xf32> to vector<16xi32>
        tpu.vector_store_idx %arg14[%iota3A, %parallel_loop3A_1238], %parallel_loop3A_1224 {add = true} : memref<16x17xi32, #tpu.memory_space<vmem>>[vector<16xi32>, vector<16xi32>], vector<16xi32>,
      } {sc.loop_unroll_factor = 8 : i64, sc.parallel_access}
    }
    %scan3A_339 = arith.constant 8 : i32
    %dma_wait3A_340 = arith.constant 0 : i32
    %dma_wait3A_341 = arith.constant 0 : i32
    %dma_wait3A_342 = arith.constant 0 : i32
    %dma_wait3A_343 = tpu.memref_slice %arg2[%dma_wait3A_340, %dma_wait3A_341, %add3A_310, %dma_wait3A_342] : memref<1x2x2048x2048xf32, #tpu.memory_space<hbm>> -> memref<1x1x8x2048xf32, #tpu.memory_space<hbm>>
    %dma_wait3A_344 = tpu.memref_squeeze %dma_wait3A_343 : memref<1x1x8x2048xf32, #tpu.memory_space<hbm>> -> memref<8x2048xf32, #tpu.memory_space<hbm>>
    %dma_wait3A_345 = arith.constant 0 : i32
    %dma_wait3A_346 = tpu.memref_slice %arg2[%dma_wait3A_340, %dma_wait3A_341, %add3A_310, %dma_wait3A_345] : memref<1x2x2048x2048xf32, #tpu.memory_space<hbm>> -> memref<1x1x8x2048xf32, #tpu.memory_space<hbm>>
    %dma_wait3A_347 = tpu.memref_squeeze %dma_wait3A_346 : memref<1x1x8x2048xf32, #tpu.memory_space<hbm>> -> memref<8x2048xf32, #tpu.memory_space<hbm>>
    tpu.wait_dma2 semaphore(%arg17 : memref<!tpu.dma_semaphore, #tpu.memory_space<semaphore_mem>>) src(%dma_wait3A_347 : memref<8x2048xf32, #tpu.memory_space<hbm>>) dst(%arg6 : memref<8x2048xf32, #tpu.memory_space<vmem>>)
    %dma_wait3A_348 = arith.constant 0 : i32
    %dma_wait3A_349 = arith.constant 1 : i32
    %dma_wait3A_350 = arith.constant 0 : i32
    %dma_wait3A_351 = tpu.memref_slice %arg2[%dma_wait3A_348, %dma_wait3A_349, %add3A_310, %dma_wait3A_350] : memref<1x2x2048x2048xf32, #tpu.memory_space<hbm>> -> memref<1x1x8x2048xf32, #tpu.memory_space<hbm>>
    %dma_wait3A_352 = tpu.memref_squeeze %dma_wait3A_351 : memref<1x1x8x2048xf32, #tpu.memory_space<hbm>> -> memref<8x2048xf32, #tpu.memory_space<hbm>>
    %dma_wait3A_353 = arith.constant 0 : i32
    %dma_wait3A_354 = tpu.memref_slice %arg2[%dma_wait3A_348, %dma_wait3A_349, %add3A_310, %dma_wait3A_353] : memref<1x2x2048x2048xf32, #tpu.memory_space<hbm>> -> memref<1x1x8x2048xf32, #tpu.memory_space<hbm>>
    %dma_wait3A_355 = tpu.memref_squeeze %dma_wait3A_354 : memref<1x1x8x2048xf32, #tpu.memory_space<hbm>> -> memref<8x2048xf32, #tpu.memory_space<hbm>>
    tpu.wait_dma2 semaphore(%arg17 : memref<!tpu.dma_semaphore, #tpu.memory_space<semaphore_mem>>) src(%dma_wait3A_355 : memref<8x2048xf32, #tpu.memory_space<hbm>>) dst(%arg8 : memref<8x2048xf32, #tpu.memory_space<vmem>>)
    %dma_wait3A_356 = arith.constant 0 : i32
    %dma_wait3A_357 = arith.constant 0 : i32
    %dma_wait3A_358 = arith.constant 0 : i32
    %dma_wait3A_359 = tpu.memref_slice %arg3[%dma_wait3A_356, %dma_wait3A_357, %add3A_310, %dma_wait3A_358] : memref<1x1x2048x2048xi32, #tpu.memory_space<hbm>> -> memref<1x1x8x2048xi32, #tpu.memory_space<hbm>>
    %dma_wait3A_360 = tpu.memref_squeeze %dma_wait3A_359 : memref<1x1x8x2048xi32, #tpu.memory_space<hbm>> -> memref<8x2048xi32, #tpu.memory_space<hbm>>
    %dma_wait3A_361 = arith.constant 0 : i32
    %dma_wait3A_362 = tpu.memref_slice %arg3[%dma_wait3A_356, %dma_wait3A_357, %add3A_310, %dma_wait3A_361] : memref<1x1x2048x2048xi32, #tpu.memory_space<hbm>> -> memref<1x1x8x2048xi32, #tpu.memory_space<hbm>>
    %dma_wait3A_363 = tpu.memref_squeeze %dma_wait3A_362 : memref<1x1x8x2048xi32, #tpu.memory_space<hbm>> -> memref<8x2048xi32, #tpu.memory_space<hbm>>
    tpu.wait_dma2 semaphore(%arg17 : memref<!tpu.dma_semaphore, #tpu.memory_space<semaphore_mem>>) src(%dma_wait3A_363 : memref<8x2048xi32, #tpu.memory_space<hbm>>) dst(%arg10 : memref<8x2048xi32, #tpu.memory_space<vmem>>)
    %add3A_364 = arith.constant 16 : i32
    %add3A_365 = arith.addi %mul3A_2, %add3A_364 : i32
    %dma_start3A_366 = arith.constant 0 : i32
    %dma_start3A_367 = arith.constant 0 : i32
    %dma_start3A_368 = arith.constant 0 : i32
    %dma_start3A_369 = tpu.memref_slice %arg2[%dma_start3A_366, %dma_start3A_367, %add3A_365, %dma_start3A_368] : memref<1x2x2048x2048xf32, #tpu.memory_space<hbm>> -> memref<1x1x8x2048xf32, #tpu.memory_space<hbm>>
    %dma_start3A_370 = tpu.memref_squeeze %dma_start3A_369 : memref<1x1x8x2048xf32, #tpu.memory_space<hbm>> -> memref<8x2048xf32, #tpu.memory_space<hbm>>
    %dma_start3A_371 = arith.constant 0 : i32
    %dma_start3A_372 = tpu.memref_slice %arg2[%dma_start3A_366, %dma_start3A_367, %add3A_365, %dma_start3A_371] : memref<1x2x2048x2048xf32, #tpu.memory_space<hbm>> -> memref<1x1x8x2048xf32, #tpu.memory_space<hbm>>
    %dma_start3A_373 = tpu.memref_squeeze %dma_start3A_372 : memref<1x1x8x2048xf32, #tpu.memory_space<hbm>> -> memref<8x2048xf32, #tpu.memory_space<hbm>>
    tpu.enqueue_dma source(%dma_start3A_373 : memref<8x2048xf32, #tpu.memory_space<hbm>>) target(%arg5 : memref<8x2048xf32, #tpu.memory_space<vmem>>) target_semaphore(%arg16 : memref<!tpu.dma_semaphore, #tpu.memory_space<semaphore_mem>>)
    %dma_start3A_374 = arith.constant 0 : i32
    %dma_start3A_375 = arith.constant 1 : i32
    %dma_start3A_376 = arith.constant 0 : i32
    %dma_start3A_377 = tpu.memref_slice %arg2[%dma_start3A_374, %dma_start3A_375, %add3A_365, %dma_start3A_376] : memref<1x2x2048x2048xf32, #tpu.memory_space<hbm>> -> memref<1x1x8x2048xf32, #tpu.memory_space<hbm>>
    %dma_start3A_378 = tpu.memref_squeeze %dma_start3A_377 : memref<1x1x8x2048xf32, #tpu.memory_space<hbm>> -> memref<8x2048xf32, #tpu.memory_space<hbm>>
    %dma_start3A_379 = arith.constant 0 : i32
    %dma_start3A_380 = tpu.memref_slice %arg2[%dma_start3A_374, %dma_start3A_375, %add3A_365, %dma_start3A_379] : memref<1x2x2048x2048xf32, #tpu.memory_space<hbm>> -> memref<1x1x8x2048xf32, #tpu.memory_space<hbm>>
    %dma_start3A_381 = tpu.memref_squeeze %dma_start3A_380 : memref<1x1x8x2048xf32, #tpu.memory_space<hbm>> -> memref<8x2048xf32, #tpu.memory_space<hbm>>
    tpu.enqueue_dma source(%dma_start3A_381 : memref<8x2048xf32, #tpu.memory_space<hbm>>) target(%arg7 : memref<8x2048xf32, #tpu.memory_space<vmem>>) target_semaphore(%arg16 : memref<!tpu.dma_semaphore, #tpu.memory_space<semaphore_mem>>)
    %dma_start3A_382 = arith.constant 0 : i32
    %dma_start3A_383 = arith.constant 0 : i32
    %dma_start3A_384 = arith.constant 0 : i32
    %dma_start3A_385 = tpu.memref_slice %arg3[%dma_start3A_382, %dma_start3A_383, %add3A_365, %dma_start3A_384] : memref<1x1x2048x2048xi32, #tpu.memory_space<hbm>> -> memref<1x1x8x2048xi32, #tpu.memory_space<hbm>>
    %dma_start3A_386 = tpu.memref_squeeze %dma_start3A_385 : memref<1x1x8x2048xi32, #tpu.memory_space<hbm>> -> memref<8x2048xi32, #tpu.memory_space<hbm>>
    %dma_start3A_387 = arith.constant 0 : i32
    %dma_start3A_388 = tpu.memref_slice %arg3[%dma_start3A_382, %dma_start3A_383, %add3A_365, %dma_start3A_387] : memref<1x1x2048x2048xi32, #tpu.memory_space<hbm>> -> memref<1x1x8x2048xi32, #tpu.memory_space<hbm>>
    %dma_start3A_389 = tpu.memref_squeeze %dma_start3A_388 : memref<1x1x8x2048xi32, #tpu.memory_space<hbm>> -> memref<8x2048xi32, #tpu.memory_space<hbm>>
    tpu.enqueue_dma source(%dma_start3A_389 : memref<8x2048xi32, #tpu.memory_space<hbm>>) target(%arg9 : memref<8x2048xi32, #tpu.memory_space<vmem>>) target_semaphore(%arg16 : memref<!tpu.dma_semaphore, #tpu.memory_space<semaphore_mem>>)
    %scan3A_390 = arith.constant 0 : i32
    %scan3A_391 = arith.constant 0 : i32
    %scan3A_392 = arith.constant 8 : i32
    %scan3A_393 = arith.addi %scan3A_391, %scan3A_392 : i32
    %scan3A_394 = arith.constant 1 : i32
    scf.for %scan3A_1212 = %scan3A_391 to %scan3A_393 step %scan3A_394  : i32 {
      %parallel_loop3A = arith.constant 0 : i32
      %parallel_loop3A_1213 = arith.constant 2048 : i32
      %parallel_loop3A_1214 = arith.constant 16 : i32
      scf.for %parallel_loop3A_1215 = %parallel_loop3A to %parallel_loop3A_1213 step %parallel_loop3A_1214  : i32 {
        %parallel_loop3A_1216 = arith.index_cast %scan3A_1212 : i32 to index
        %parallel_loop3A_1217 = arith.index_cast %parallel_loop3A_1215 : i32 to index
        %parallel_loop3A_1218 = tpu.vector_load %arg10[%parallel_loop3A_1216, %parallel_loop3A_1217] {strides = array<i32>} : memref<8x2048xi32, #tpu.memory_space<vmem>>, vector<16xi32>,
        %parallel_loop3A_1219 = arith.constant 14 : i32
        %parallel_loop3A_1220 = vector.broadcast %parallel_loop3A_1219 : i32 to vector<16xi32>
        %parallel_loop3A_1221 = arith.shli %parallel_loop3A_1218, %parallel_loop3A_1220 : vector<16xi32>
        %parallel_loop3A_1222 = arith.constant 1 : i32
        %parallel_loop3A_1223 = vector.broadcast %parallel_loop3A_1222 : i32 to vector<16xi32>
        %parallel_loop3A_1224 = arith.ori %parallel_loop3A_1221, %parallel_loop3A_1223 : vector<16xi32>
        %parallel_loop3A_1225 = arith.index_cast %scan3A_1212 : i32 to index
        %parallel_loop3A_1226 = arith.index_cast %parallel_loop3A_1215 : i32 to index
        %parallel_loop3A_1227 = tpu.vector_load %arg6[%parallel_loop3A_1225, %parallel_loop3A_1226] {strides = array<i32>} : memref<8x2048xf32, #tpu.memory_space<vmem>>, vector<16xf32>,
        %parallel_loop3A_1228 = arith.constant 1.500000e+01 : f32
        %parallel_loop3A_1229 = vector.broadcast %parallel_loop3A_1228 : f32 to vector<16xf32>
        %parallel_loop3A_1230 = arith.mulf %parallel_loop3A_1227, %parallel_loop3A_1229 : vector<16xf32>
        %parallel_loop3A_1231 = arith.fptosi %parallel_loop3A_1230 : vector<16xf32> to vector<16xi32>
        tpu.vector_store_idx %arg12[%iota3A, %parallel_loop3A_1231], %parallel_loop3A_1224 {add = true} : memref<16x17xi32, #tpu.memory_space<vmem>>[vector<16xi32>, vector<16xi32>], vector<16xi32>,
        %parallel_loop3A_1232 = arith.index_cast %scan3A_1212 : i32 to index
        %parallel_loop3A_1233 = arith.index_cast %parallel_loop3A_1215 : i32 to index
        %parallel_loop3A_1234 = tpu.vector_load %arg8[%parallel_loop3A_1232, %parallel_loop3A_1233] {strides = array<i32>} : memref<8x2048xf32, #tpu.memory_space<vmem>>, vector<16xf32>,
        %parallel_loop3A_1235 = arith.constant 1.500000e+01 : f32
        %parallel_loop3A_1236 = vector.broadcast %parallel_loop3A_1235 : f32 to vector<16xf32>
        %parallel_loop3A_1237 = arith.mulf %parallel_loop3A_1234, %parallel_loop3A_1236 : vector<16xf32>
        %parallel_loop3A_1238 = arith.fptosi %parallel_loop3A_1237 : vector<16xf32> to vector<16xi32>
        tpu.vector_store_idx %arg14[%iota3A, %parallel_loop3A_1238], %parallel_loop3A_1224 {add = true} : memref<16x17xi32, #tpu.memory_space<vmem>>[vector<16xi32>, vector<16xi32>], vector<16xi32>,
      } {sc.loop_unroll_factor = 8 : i64, sc.parallel_access}
    }
    %scan3A_395 = arith.constant 8 : i32
    %dma_wait3A_396 = arith.constant 0 : i32
    %dma_wait3A_397 = arith.constant 0 : i32
    %dma_wait3A_398 = arith.constant 0 : i32
    %dma_wait3A_399 = tpu.memref_slice %arg2[%dma_wait3A_396, %dma_wait3A_397, %add3A_365, %dma_wait3A_398] : memref<1x2x2048x2048xf32, #tpu.memory_space<hbm>> -> memref<1x1x8x2048xf32, #tpu.memory_space<hbm>>
    %dma_wait3A_400 = tpu.memref_squeeze %dma_wait3A_399 : memref<1x1x8x2048xf32, #tpu.memory_space<hbm>> -> memref<8x2048xf32, #tpu.memory_space<hbm>>
    %dma_wait3A_401 = arith.constant 0 : i32
    %dma_wait3A_402 = tpu.memref_slice %arg2[%dma_wait3A_396, %dma_wait3A_397, %add3A_365, %dma_wait3A_401] : memref<1x2x2048x2048xf32, #tpu.memory_space<hbm>> -> memref<1x1x8x2048xf32, #tpu.memory_space<hbm>>
    %dma_wait3A_403 = tpu.memref_squeeze %dma_wait3A_402 : memref<1x1x8x2048xf32, #tpu.memory_space<hbm>> -> memref<8x2048xf32, #tpu.memory_space<hbm>>
    tpu.wait_dma2 semaphore(%arg16 : memref<!tpu.dma_semaphore, #tpu.memory_space<semaphore_mem>>) src(%dma_wait3A_403 : memref<8x2048xf32, #tpu.memory_space<hbm>>) dst(%arg5 : memref<8x2048xf32, #tpu.memory_space<vmem>>)
    %dma_wait3A_404 = arith.constant 0 : i32
    %dma_wait3A_405 = arith.constant 1 : i32
    %dma_wait3A_406 = arith.constant 0 : i32
    %dma_wait3A_407 = tpu.memref_slice %arg2[%dma_wait3A_404, %dma_wait3A_405, %add3A_365, %dma_wait3A_406] : memref<1x2x2048x2048xf32, #tpu.memory_space<hbm>> -> memref<1x1x8x2048xf32, #tpu.memory_space<hbm>>
    %dma_wait3A_408 = tpu.memref_squeeze %dma_wait3A_407 : memref<1x1x8x2048xf32, #tpu.memory_space<hbm>> -> memref<8x2048xf32, #tpu.memory_space<hbm>>
    %dma_wait3A_409 = arith.constant 0 : i32
    %dma_wait3A_410 = tpu.memref_slice %arg2[%dma_wait3A_404, %dma_wait3A_405, %add3A_365, %dma_wait3A_409] : memref<1x2x2048x2048xf32, #tpu.memory_space<hbm>> -> memref<1x1x8x2048xf32, #tpu.memory_space<hbm>>
    %dma_wait3A_411 = tpu.memref_squeeze %dma_wait3A_410 : memref<1x1x8x2048xf32, #tpu.memory_space<hbm>> -> memref<8x2048xf32, #tpu.memory_space<hbm>>
    tpu.wait_dma2 semaphore(%arg16 : memref<!tpu.dma_semaphore, #tpu.memory_space<semaphore_mem>>) src(%dma_wait3A_411 : memref<8x2048xf32, #tpu.memory_space<hbm>>) dst(%arg7 : memref<8x2048xf32, #tpu.memory_space<vmem>>)
    %dma_wait3A_412 = arith.constant 0 : i32
    %dma_wait3A_413 = arith.constant 0 : i32
    %dma_wait3A_414 = arith.constant 0 : i32
    %dma_wait3A_415 = tpu.memref_slice %arg3[%dma_wait3A_412, %dma_wait3A_413, %add3A_365, %dma_wait3A_414] : memref<1x1x2048x2048xi32, #tpu.memory_space<hbm>> -> memref<1x1x8x2048xi32, #tpu.memory_space<hbm>>
    %dma_wait3A_416 = tpu.memref_squeeze %dma_wait3A_415 : memref<1x1x8x2048xi32, #tpu.memory_space<hbm>> -> memref<8x2048xi32, #tpu.memory_space<hbm>>
    %dma_wait3A_417 = arith.constant 0 : i32
    %dma_wait3A_418 = tpu.memref_slice %arg3[%dma_wait3A_412, %dma_wait3A_413, %add3A_365, %dma_wait3A_417] : memref<1x1x2048x2048xi32, #tpu.memory_space<hbm>> -> memref<1x1x8x2048xi32, #tpu.memory_space<hbm>>
    %dma_wait3A_419 = tpu.memref_squeeze %dma_wait3A_418 : memref<1x1x8x2048xi32, #tpu.memory_space<hbm>> -> memref<8x2048xi32, #tpu.memory_space<hbm>>
    tpu.wait_dma2 semaphore(%arg16 : memref<!tpu.dma_semaphore, #tpu.memory_space<semaphore_mem>>) src(%dma_wait3A_419 : memref<8x2048xi32, #tpu.memory_space<hbm>>) dst(%arg9 : memref<8x2048xi32, #tpu.memory_space<vmem>>)
    %add3A_420 = arith.constant 24 : i32
    %add3A_421 = arith.addi %mul3A_2, %add3A_420 : i32
    %dma_start3A_422 = arith.constant 0 : i32
    %dma_start3A_423 = arith.constant 0 : i32
    %dma_start3A_424 = arith.constant 0 : i32
    %dma_start3A_425 = tpu.memref_slice %arg2[%dma_start3A_422, %dma_start3A_423, %add3A_421, %dma_start3A_424] : memref<1x2x2048x2048xf32, #tpu.memory_space<hbm>> -> memref<1x1x8x2048xf32, #tpu.memory_space<hbm>>
    %dma_start3A_426 = tpu.memref_squeeze %dma_start3A_425 : memref<1x1x8x2048xf32, #tpu.memory_space<hbm>> -> memref<8x2048xf32, #tpu.memory_space<hbm>>
    %dma_start3A_427 = arith.constant 0 : i32
    %dma_start3A_428 = tpu.memref_slice %arg2[%dma_start3A_422, %dma_start3A_423, %add3A_421, %dma_start3A_427] : memref<1x2x2048x2048xf32, #tpu.memory_space<hbm>> -> memref<1x1x8x2048xf32, #tpu.memory_space<hbm>>
    %dma_start3A_429 = tpu.memref_squeeze %dma_start3A_428 : memref<1x1x8x2048xf32, #tpu.memory_space<hbm>> -> memref<8x2048xf32, #tpu.memory_space<hbm>>
    tpu.enqueue_dma source(%dma_start3A_429 : memref<8x2048xf32, #tpu.memory_space<hbm>>) target(%arg6 : memref<8x2048xf32, #tpu.memory_space<vmem>>) target_semaphore(%arg17 : memref<!tpu.dma_semaphore, #tpu.memory_space<semaphore_mem>>)
    %dma_start3A_430 = arith.constant 0 : i32
    %dma_start3A_431 = arith.constant 1 : i32
    %dma_start3A_432 = arith.constant 0 : i32
    %dma_start3A_433 = tpu.memref_slice %arg2[%dma_start3A_430, %dma_start3A_431, %add3A_421, %dma_start3A_432] : memref<1x2x2048x2048xf32, #tpu.memory_space<hbm>> -> memref<1x1x8x2048xf32, #tpu.memory_space<hbm>>
    %dma_start3A_434 = tpu.memref_squeeze %dma_start3A_433 : memref<1x1x8x2048xf32, #tpu.memory_space<hbm>> -> memref<8x2048xf32, #tpu.memory_space<hbm>>
    %dma_start3A_435 = arith.constant 0 : i32
    %dma_start3A_436 = tpu.memref_slice %arg2[%dma_start3A_430, %dma_start3A_431, %add3A_421, %dma_start3A_435] : memref<1x2x2048x2048xf32, #tpu.memory_space<hbm>> -> memref<1x1x8x2048xf32, #tpu.memory_space<hbm>>
    %dma_start3A_437 = tpu.memref_squeeze %dma_start3A_436 : memref<1x1x8x2048xf32, #tpu.memory_space<hbm>> -> memref<8x2048xf32, #tpu.memory_space<hbm>>
    tpu.enqueue_dma source(%dma_start3A_437 : memref<8x2048xf32, #tpu.memory_space<hbm>>) target(%arg8 : memref<8x2048xf32, #tpu.memory_space<vmem>>) target_semaphore(%arg17 : memref<!tpu.dma_semaphore, #tpu.memory_space<semaphore_mem>>)
    %dma_start3A_438 = arith.constant 0 : i32
    %dma_start3A_439 = arith.constant 0 : i32
    %dma_start3A_440 = arith.constant 0 : i32
    %dma_start3A_441 = tpu.memref_slice %arg3[%dma_start3A_438, %dma_start3A_439, %add3A_421, %dma_start3A_440] : memref<1x1x2048x2048xi32, #tpu.memory_space<hbm>> -> memref<1x1x8x2048xi32, #tpu.memory_space<hbm>>
    %dma_start3A_442 = tpu.memref_squeeze %dma_start3A_441 : memref<1x1x8x2048xi32, #tpu.memory_space<hbm>> -> memref<8x2048xi32, #tpu.memory_space<hbm>>
    %dma_start3A_443 = arith.constant 0 : i32
    %dma_start3A_444 = tpu.memref_slice %arg3[%dma_start3A_438, %dma_start3A_439, %add3A_421, %dma_start3A_443] : memref<1x1x2048x2048xi32, #tpu.memory_space<hbm>> -> memref<1x1x8x2048xi32, #tpu.memory_space<hbm>>
    %dma_start3A_445 = tpu.memref_squeeze %dma_start3A_444 : memref<1x1x8x2048xi32, #tpu.memory_space<hbm>> -> memref<8x2048xi32, #tpu.memory_space<hbm>>
    tpu.enqueue_dma source(%dma_start3A_445 : memref<8x2048xi32, #tpu.memory_space<hbm>>) target(%arg10 : memref<8x2048xi32, #tpu.memory_space<vmem>>) target_semaphore(%arg17 : memref<!tpu.dma_semaphore, #tpu.memory_space<semaphore_mem>>)
    %scan3A_446 = arith.constant 0 : i32
    %scan3A_447 = arith.constant 0 : i32
    %scan3A_448 = arith.constant 8 : i32
    %scan3A_449 = arith.addi %scan3A_447, %scan3A_448 : i32
    %scan3A_450 = arith.constant 1 : i32
    scf.for %scan3A_1212 = %scan3A_447 to %scan3A_449 step %scan3A_450  : i32 {
      %parallel_loop3A = arith.constant 0 : i32
      %parallel_loop3A_1213 = arith.constant 2048 : i32
      %parallel_loop3A_1214 = arith.constant 16 : i32
      scf.for %parallel_loop3A_1215 = %parallel_loop3A to %parallel_loop3A_1213 step %parallel_loop3A_1214  : i32 {
        %parallel_loop3A_1216 = arith.index_cast %scan3A_1212 : i32 to index
        %parallel_loop3A_1217 = arith.index_cast %parallel_loop3A_1215 : i32 to index
        %parallel_loop3A_1218 = tpu.vector_load %arg9[%parallel_loop3A_1216, %parallel_loop3A_1217] {strides = array<i32>} : memref<8x2048xi32, #tpu.memory_space<vmem>>, vector<16xi32>,
        %parallel_loop3A_1219 = arith.constant 14 : i32
        %parallel_loop3A_1220 = vector.broadcast %parallel_loop3A_1219 : i32 to vector<16xi32>
        %parallel_loop3A_1221 = arith.shli %parallel_loop3A_1218, %parallel_loop3A_1220 : vector<16xi32>
        %parallel_loop3A_1222 = arith.constant 1 : i32
        %parallel_loop3A_1223 = vector.broadcast %parallel_loop3A_1222 : i32 to vector<16xi32>
        %parallel_loop3A_1224 = arith.ori %parallel_loop3A_1221, %parallel_loop3A_1223 : vector<16xi32>
        %parallel_loop3A_1225 = arith.index_cast %scan3A_1212 : i32 to index
        %parallel_loop3A_1226 = arith.index_cast %parallel_loop3A_1215 : i32 to index
        %parallel_loop3A_1227 = tpu.vector_load %arg5[%parallel_loop3A_1225, %parallel_loop3A_1226] {strides = array<i32>} : memref<8x2048xf32, #tpu.memory_space<vmem>>, vector<16xf32>,
        %parallel_loop3A_1228 = arith.constant 1.500000e+01 : f32
        %parallel_loop3A_1229 = vector.broadcast %parallel_loop3A_1228 : f32 to vector<16xf32>
        %parallel_loop3A_1230 = arith.mulf %parallel_loop3A_1227, %parallel_loop3A_1229 : vector<16xf32>
        %parallel_loop3A_1231 = arith.fptosi %parallel_loop3A_1230 : vector<16xf32> to vector<16xi32>
        tpu.vector_store_idx %arg12[%iota3A, %parallel_loop3A_1231], %parallel_loop3A_1224 {add = true} : memref<16x17xi32, #tpu.memory_space<vmem>>[vector<16xi32>, vector<16xi32>], vector<16xi32>,
        %parallel_loop3A_1232 = arith.index_cast %scan3A_1212 : i32 to index
        %parallel_loop3A_1233 = arith.index_cast %parallel_loop3A_1215 : i32 to index
        %parallel_loop3A_1234 = tpu.vector_load %arg7[%parallel_loop3A_1232, %parallel_loop3A_1233] {strides = array<i32>} : memref<8x2048xf32, #tpu.memory_space<vmem>>, vector<16xf32>,
        %parallel_loop3A_1235 = arith.constant 1.500000e+01 : f32
        %parallel_loop3A_1236 = vector.broadcast %parallel_loop3A_1235 : f32 to vector<16xf32>
        %parallel_loop3A_1237 = arith.mulf %parallel_loop3A_1234, %parallel_loop3A_1236 : vector<16xf32>
        %parallel_loop3A_1238 = arith.fptosi %parallel_loop3A_1237 : vector<16xf32> to vector<16xi32>
        tpu.vector_store_idx %arg14[%iota3A, %parallel_loop3A_1238], %parallel_loop3A_1224 {add = true} : memref<16x17xi32, #tpu.memory_space<vmem>>[vector<16xi32>, vector<16xi32>], vector<16xi32>,
      } {sc.loop_unroll_factor = 8 : i64, sc.parallel_access}
    }
    %scan3A_451 = arith.constant 8 : i32
    %dma_wait3A_452 = arith.constant 0 : i32
    %dma_wait3A_453 = arith.constant 0 : i32
    %dma_wait3A_454 = arith.constant 0 : i32
    %dma_wait3A_455 = tpu.memref_slice %arg2[%dma_wait3A_452, %dma_wait3A_453, %add3A_421, %dma_wait3A_454] : memref<1x2x2048x2048xf32, #tpu.memory_space<hbm>> -> memref<1x1x8x2048xf32, #tpu.memory_space<hbm>>
    %dma_wait3A_456 = tpu.memref_squeeze %dma_wait3A_455 : memref<1x1x8x2048xf32, #tpu.memory_space<hbm>> -> memref<8x2048xf32, #tpu.memory_space<hbm>>
    %dma_wait3A_457 = arith.constant 0 : i32
    %dma_wait3A_458 = tpu.memref_slice %arg2[%dma_wait3A_452, %dma_wait3A_453, %add3A_421, %dma_wait3A_457] : memref<1x2x2048x2048xf32, #tpu.memory_space<hbm>> -> memref<1x1x8x2048xf32, #tpu.memory_space<hbm>>
    %dma_wait3A_459 = tpu.memref_squeeze %dma_wait3A_458 : memref<1x1x8x2048xf32, #tpu.memory_space<hbm>> -> memref<8x2048xf32, #tpu.memory_space<hbm>>
    tpu.wait_dma2 semaphore(%arg17 : memref<!tpu.dma_semaphore, #tpu.memory_space<semaphore_mem>>) src(%dma_wait3A_459 : memref<8x2048xf32, #tpu.memory_space<hbm>>) dst(%arg6 : memref<8x2048xf32, #tpu.memory_space<vmem>>)
    %dma_wait3A_460 = arith.constant 0 : i32
    %dma_wait3A_461 = arith.constant 1 : i32
    %dma_wait3A_462 = arith.constant 0 : i32
    %dma_wait3A_463 = tpu.memref_slice %arg2[%dma_wait3A_460, %dma_wait3A_461, %add3A_421, %dma_wait3A_462] : memref<1x2x2048x2048xf32, #tpu.memory_space<hbm>> -> memref<1x1x8x2048xf32, #tpu.memory_space<hbm>>
    %dma_wait3A_464 = tpu.memref_squeeze %dma_wait3A_463 : memref<1x1x8x2048xf32, #tpu.memory_space<hbm>> -> memref<8x2048xf32, #tpu.memory_space<hbm>>
    %dma_wait3A_465 = arith.constant 0 : i32
    %dma_wait3A_466 = tpu.memref_slice %arg2[%dma_wait3A_460, %dma_wait3A_461, %add3A_421, %dma_wait3A_465] : memref<1x2x2048x2048xf32, #tpu.memory_space<hbm>> -> memref<1x1x8x2048xf32, #tpu.memory_space<hbm>>
    %dma_wait3A_467 = tpu.memref_squeeze %dma_wait3A_466 : memref<1x1x8x2048xf32, #tpu.memory_space<hbm>> -> memref<8x2048xf32, #tpu.memory_space<hbm>>
    tpu.wait_dma2 semaphore(%arg17 : memref<!tpu.dma_semaphore, #tpu.memory_space<semaphore_mem>>) src(%dma_wait3A_467 : memref<8x2048xf32, #tpu.memory_space<hbm>>) dst(%arg8 : memref<8x2048xf32, #tpu.memory_space<vmem>>)
    %dma_wait3A_468 = arith.constant 0 : i32
    %dma_wait3A_469 = arith.constant 0 : i32
    %dma_wait3A_470 = arith.constant 0 : i32
    %dma_wait3A_471 = tpu.memref_slice %arg3[%dma_wait3A_468, %dma_wait3A_469, %add3A_421, %dma_wait3A_470] : memref<1x1x2048x2048xi32, #tpu.memory_space<hbm>> -> memref<1x1x8x2048xi32, #tpu.memory_space<hbm>>
    %dma_wait3A_472 = tpu.memref_squeeze %dma_wait3A_471 : memref<1x1x8x2048xi32, #tpu.memory_space<hbm>> -> memref<8x2048xi32, #tpu.memory_space<hbm>>
    %dma_wait3A_473 = arith.constant 0 : i32
    %dma_wait3A_474 = tpu.memref_slice %arg3[%dma_wait3A_468, %dma_wait3A_469, %add3A_421, %dma_wait3A_473] : memref<1x1x2048x2048xi32, #tpu.memory_space<hbm>> -> memref<1x1x8x2048xi32, #tpu.memory_space<hbm>>
    %dma_wait3A_475 = tpu.memref_squeeze %dma_wait3A_474 : memref<1x1x8x2048xi32, #tpu.memory_space<hbm>> -> memref<8x2048xi32, #tpu.memory_space<hbm>>
    tpu.wait_dma2 semaphore(%arg17 : memref<!tpu.dma_semaphore, #tpu.memory_space<semaphore_mem>>) src(%dma_wait3A_475 : memref<8x2048xi32, #tpu.memory_space<hbm>>) dst(%arg10 : memref<8x2048xi32, #tpu.memory_space<vmem>>)
    %add3A_476 = arith.constant 32 : i32
    %add3A_477 = arith.addi %mul3A_2, %add3A_476 : i32
    %dma_start3A_478 = arith.constant 0 : i32
    %dma_start3A_479 = arith.constant 0 : i32
    %dma_start3A_480 = arith.constant 0 : i32
    %dma_start3A_481 = tpu.memref_slice %arg2[%dma_start3A_478, %dma_start3A_479, %add3A_477, %dma_start3A_480] : memref<1x2x2048x2048xf32, #tpu.memory_space<hbm>> -> memref<1x1x8x2048xf32, #tpu.memory_space<hbm>>
    %dma_start3A_482 = tpu.memref_squeeze %dma_start3A_481 : memref<1x1x8x2048xf32, #tpu.memory_space<hbm>> -> memref<8x2048xf32, #tpu.memory_space<hbm>>
    %dma_start3A_483 = arith.constant 0 : i32
    %dma_start3A_484 = tpu.memref_slice %arg2[%dma_start3A_478, %dma_start3A_479, %add3A_477, %dma_start3A_483] : memref<1x2x2048x2048xf32, #tpu.memory_space<hbm>> -> memref<1x1x8x2048xf32, #tpu.memory_space<hbm>>
    %dma_start3A_485 = tpu.memref_squeeze %dma_start3A_484 : memref<1x1x8x2048xf32, #tpu.memory_space<hbm>> -> memref<8x2048xf32, #tpu.memory_space<hbm>>
    tpu.enqueue_dma source(%dma_start3A_485 : memref<8x2048xf32, #tpu.memory_space<hbm>>) target(%arg5 : memref<8x2048xf32, #tpu.memory_space<vmem>>) target_semaphore(%arg16 : memref<!tpu.dma_semaphore, #tpu.memory_space<semaphore_mem>>)
    %dma_start3A_486 = arith.constant 0 : i32
    %dma_start3A_487 = arith.constant 1 : i32
    %dma_start3A_488 = arith.constant 0 : i32
    %dma_start3A_489 = tpu.memref_slice %arg2[%dma_start3A_486, %dma_start3A_487, %add3A_477, %dma_start3A_488] : memref<1x2x2048x2048xf32, #tpu.memory_space<hbm>> -> memref<1x1x8x2048xf32, #tpu.memory_space<hbm>>
    %dma_start3A_490 = tpu.memref_squeeze %dma_start3A_489 : memref<1x1x8x2048xf32, #tpu.memory_space<hbm>> -> memref<8x2048xf32, #tpu.memory_space<hbm>>
    %dma_start3A_491 = arith.constant 0 : i32
    %dma_start3A_492 = tpu.memref_slice %arg2[%dma_start3A_486, %dma_start3A_487, %add3A_477, %dma_start3A_491] : memref<1x2x2048x2048xf32, #tpu.memory_space<hbm>> -> memref<1x1x8x2048xf32, #tpu.memory_space<hbm>>
    %dma_start3A_493 = tpu.memref_squeeze %dma_start3A_492 : memref<1x1x8x2048xf32, #tpu.memory_space<hbm>> -> memref<8x2048xf32, #tpu.memory_space<hbm>>
    tpu.enqueue_dma source(%dma_start3A_493 : memref<8x2048xf32, #tpu.memory_space<hbm>>) target(%arg7 : memref<8x2048xf32, #tpu.memory_space<vmem>>) target_semaphore(%arg16 : memref<!tpu.dma_semaphore, #tpu.memory_space<semaphore_mem>>)
    %dma_start3A_494 = arith.constant 0 : i32
    %dma_start3A_495 = arith.constant 0 : i32
    %dma_start3A_496 = arith.constant 0 : i32
    %dma_start3A_497 = tpu.memref_slice %arg3[%dma_start3A_494, %dma_start3A_495, %add3A_477, %dma_start3A_496] : memref<1x1x2048x2048xi32, #tpu.memory_space<hbm>> -> memref<1x1x8x2048xi32, #tpu.memory_space<hbm>>
    %dma_start3A_498 = tpu.memref_squeeze %dma_start3A_497 : memref<1x1x8x2048xi32, #tpu.memory_space<hbm>> -> memref<8x2048xi32, #tpu.memory_space<hbm>>
    %dma_start3A_499 = arith.constant 0 : i32
    %dma_start3A_500 = tpu.memref_slice %arg3[%dma_start3A_494, %dma_start3A_495, %add3A_477, %dma_start3A_499] : memref<1x1x2048x2048xi32, #tpu.memory_space<hbm>> -> memref<1x1x8x2048xi32, #tpu.memory_space<hbm>>
    %dma_start3A_501 = tpu.memref_squeeze %dma_start3A_500 : memref<1x1x8x2048xi32, #tpu.memory_space<hbm>> -> memref<8x2048xi32, #tpu.memory_space<hbm>>
    tpu.enqueue_dma source(%dma_start3A_501 : memref<8x2048xi32, #tpu.memory_space<hbm>>) target(%arg9 : memref<8x2048xi32, #tpu.memory_space<vmem>>) target_semaphore(%arg16 : memref<!tpu.dma_semaphore, #tpu.memory_space<semaphore_mem>>)
    %scan3A_502 = arith.constant 0 : i32
    %scan3A_503 = arith.constant 0 : i32
    %scan3A_504 = arith.constant 8 : i32
    %scan3A_505 = arith.addi %scan3A_503, %scan3A_504 : i32
    %scan3A_506 = arith.constant 1 : i32
    scf.for %scan3A_1212 = %scan3A_503 to %scan3A_505 step %scan3A_506  : i32 {
      %parallel_loop3A = arith.constant 0 : i32
      %parallel_loop3A_1213 = arith.constant 2048 : i32
      %parallel_loop3A_1214 = arith.constant 16 : i32
      scf.for %parallel_loop3A_1215 = %parallel_loop3A to %parallel_loop3A_1213 step %parallel_loop3A_1214  : i32 {
        %parallel_loop3A_1216 = arith.index_cast %scan3A_1212 : i32 to index
        %parallel_loop3A_1217 = arith.index_cast %parallel_loop3A_1215 : i32 to index
        %parallel_loop3A_1218 = tpu.vector_load %arg10[%parallel_loop3A_1216, %parallel_loop3A_1217] {strides = array<i32>} : memref<8x2048xi32, #tpu.memory_space<vmem>>, vector<16xi32>,
        %parallel_loop3A_1219 = arith.constant 14 : i32
        %parallel_loop3A_1220 = vector.broadcast %parallel_loop3A_1219 : i32 to vector<16xi32>
        %parallel_loop3A_1221 = arith.shli %parallel_loop3A_1218, %parallel_loop3A_1220 : vector<16xi32>
        %parallel_loop3A_1222 = arith.constant 1 : i32
        %parallel_loop3A_1223 = vector.broadcast %parallel_loop3A_1222 : i32 to vector<16xi32>
        %parallel_loop3A_1224 = arith.ori %parallel_loop3A_1221, %parallel_loop3A_1223 : vector<16xi32>
        %parallel_loop3A_1225 = arith.index_cast %scan3A_1212 : i32 to index
        %parallel_loop3A_1226 = arith.index_cast %parallel_loop3A_1215 : i32 to index
        %parallel_loop3A_1227 = tpu.vector_load %arg6[%parallel_loop3A_1225, %parallel_loop3A_1226] {strides = array<i32>} : memref<8x2048xf32, #tpu.memory_space<vmem>>, vector<16xf32>,
        %parallel_loop3A_1228 = arith.constant 1.500000e+01 : f32
        %parallel_loop3A_1229 = vector.broadcast %parallel_loop3A_1228 : f32 to vector<16xf32>
        %parallel_loop3A_1230 = arith.mulf %parallel_loop3A_1227, %parallel_loop3A_1229 : vector<16xf32>
        %parallel_loop3A_1231 = arith.fptosi %parallel_loop3A_1230 : vector<16xf32> to vector<16xi32>
        tpu.vector_store_idx %arg12[%iota3A, %parallel_loop3A_1231], %parallel_loop3A_1224 {add = true} : memref<16x17xi32, #tpu.memory_space<vmem>>[vector<16xi32>, vector<16xi32>], vector<16xi32>,
        %parallel_loop3A_1232 = arith.index_cast %scan3A_1212 : i32 to index
        %parallel_loop3A_1233 = arith.index_cast %parallel_loop3A_1215 : i32 to index
        %parallel_loop3A_1234 = tpu.vector_load %arg8[%parallel_loop3A_1232, %parallel_loop3A_1233] {strides = array<i32>} : memref<8x2048xf32, #tpu.memory_space<vmem>>, vector<16xf32>,
        %parallel_loop3A_1235 = arith.constant 1.500000e+01 : f32
        %parallel_loop3A_1236 = vector.broadcast %parallel_loop3A_1235 : f32 to vector<16xf32>
        %parallel_loop3A_1237 = arith.mulf %parallel_loop3A_1234, %parallel_loop3A_1236 : vector<16xf32>
        %parallel_loop3A_1238 = arith.fptosi %parallel_loop3A_1237 : vector<16xf32> to vector<16xi32>
        tpu.vector_store_idx %arg14[%iota3A, %parallel_loop3A_1238], %parallel_loop3A_1224 {add = true} : memref<16x17xi32, #tpu.memory_space<vmem>>[vector<16xi32>, vector<16xi32>], vector<16xi32>,
      } {sc.loop_unroll_factor = 8 : i64, sc.parallel_access}
    }
    %scan3A_507 = arith.constant 8 : i32
    %dma_wait3A_508 = arith.constant 0 : i32
    %dma_wait3A_509 = arith.constant 0 : i32
    %dma_wait3A_510 = arith.constant 0 : i32
    %dma_wait3A_511 = tpu.memref_slice %arg2[%dma_wait3A_508, %dma_wait3A_509, %add3A_477, %dma_wait3A_510] : memref<1x2x2048x2048xf32, #tpu.memory_space<hbm>> -> memref<1x1x8x2048xf32, #tpu.memory_space<hbm>>
    %dma_wait3A_512 = tpu.memref_squeeze %dma_wait3A_511 : memref<1x1x8x2048xf32, #tpu.memory_space<hbm>> -> memref<8x2048xf32, #tpu.memory_space<hbm>>
    %dma_wait3A_513 = arith.constant 0 : i32
    %dma_wait3A_514 = tpu.memref_slice %arg2[%dma_wait3A_508, %dma_wait3A_509, %add3A_477, %dma_wait3A_513] : memref<1x2x2048x2048xf32, #tpu.memory_space<hbm>> -> memref<1x1x8x2048xf32, #tpu.memory_space<hbm>>
    %dma_wait3A_515 = tpu.memref_squeeze %dma_wait3A_514 : memref<1x1x8x2048xf32, #tpu.memory_space<hbm>> -> memref<8x2048xf32, #tpu.memory_space<hbm>>
    tpu.wait_dma2 semaphore(%arg16 : memref<!tpu.dma_semaphore, #tpu.memory_space<semaphore_mem>>) src(%dma_wait3A_515 : memref<8x2048xf32, #tpu.memory_space<hbm>>) dst(%arg5 : memref<8x2048xf32, #tpu.memory_space<vmem>>)
    %dma_wait3A_516 = arith.constant 0 : i32
    %dma_wait3A_517 = arith.constant 1 : i32
    %dma_wait3A_518 = arith.constant 0 : i32
    %dma_wait3A_519 = tpu.memref_slice %arg2[%dma_wait3A_516, %dma_wait3A_517, %add3A_477, %dma_wait3A_518] : memref<1x2x2048x2048xf32, #tpu.memory_space<hbm>> -> memref<1x1x8x2048xf32, #tpu.memory_space<hbm>>
    %dma_wait3A_520 = tpu.memref_squeeze %dma_wait3A_519 : memref<1x1x8x2048xf32, #tpu.memory_space<hbm>> -> memref<8x2048xf32, #tpu.memory_space<hbm>>
    %dma_wait3A_521 = arith.constant 0 : i32
    %dma_wait3A_522 = tpu.memref_slice %arg2[%dma_wait3A_516, %dma_wait3A_517, %add3A_477, %dma_wait3A_521] : memref<1x2x2048x2048xf32, #tpu.memory_space<hbm>> -> memref<1x1x8x2048xf32, #tpu.memory_space<hbm>>
    %dma_wait3A_523 = tpu.memref_squeeze %dma_wait3A_522 : memref<1x1x8x2048xf32, #tpu.memory_space<hbm>> -> memref<8x2048xf32, #tpu.memory_space<hbm>>
    tpu.wait_dma2 semaphore(%arg16 : memref<!tpu.dma_semaphore, #tpu.memory_space<semaphore_mem>>) src(%dma_wait3A_523 : memref<8x2048xf32, #tpu.memory_space<hbm>>) dst(%arg7 : memref<8x2048xf32, #tpu.memory_space<vmem>>)
    %dma_wait3A_524 = arith.constant 0 : i32
    %dma_wait3A_525 = arith.constant 0 : i32
    %dma_wait3A_526 = arith.constant 0 : i32
    %dma_wait3A_527 = tpu.memref_slice %arg3[%dma_wait3A_524, %dma_wait3A_525, %add3A_477, %dma_wait3A_526] : memref<1x1x2048x2048xi32, #tpu.memory_space<hbm>> -> memref<1x1x8x2048xi32, #tpu.memory_space<hbm>>
    %dma_wait3A_528 = tpu.memref_squeeze %dma_wait3A_527 : memref<1x1x8x2048xi32, #tpu.memory_space<hbm>> -> memref<8x2048xi32, #tpu.memory_space<hbm>>
    %dma_wait3A_529 = arith.constant 0 : i32
    %dma_wait3A_530 = tpu.memref_slice %arg3[%dma_wait3A_524, %dma_wait3A_525, %add3A_477, %dma_wait3A_529] : memref<1x1x2048x2048xi32, #tpu.memory_space<hbm>> -> memref<1x1x8x2048xi32, #tpu.memory_space<hbm>>
    %dma_wait3A_531 = tpu.memref_squeeze %dma_wait3A_530 : memref<1x1x8x2048xi32, #tpu.memory_space<hbm>> -> memref<8x2048xi32, #tpu.memory_space<hbm>>
    tpu.wait_dma2 semaphore(%arg16 : memref<!tpu.dma_semaphore, #tpu.memory_space<semaphore_mem>>) src(%dma_wait3A_531 : memref<8x2048xi32, #tpu.memory_space<hbm>>) dst(%arg9 : memref<8x2048xi32, #tpu.memory_space<vmem>>)
    %add3A_532 = arith.constant 40 : i32
    %add3A_533 = arith.addi %mul3A_2, %add3A_532 : i32
    %dma_start3A_534 = arith.constant 0 : i32
    %dma_start3A_535 = arith.constant 0 : i32
    %dma_start3A_536 = arith.constant 0 : i32
    %dma_start3A_537 = tpu.memref_slice %arg2[%dma_start3A_534, %dma_start3A_535, %add3A_533, %dma_start3A_536] : memref<1x2x2048x2048xf32, #tpu.memory_space<hbm>> -> memref<1x1x8x2048xf32, #tpu.memory_space<hbm>>
    %dma_start3A_538 = tpu.memref_squeeze %dma_start3A_537 : memref<1x1x8x2048xf32, #tpu.memory_space<hbm>> -> memref<8x2048xf32, #tpu.memory_space<hbm>>
    %dma_start3A_539 = arith.constant 0 : i32
    %dma_start3A_540 = tpu.memref_slice %arg2[%dma_start3A_534, %dma_start3A_535, %add3A_533, %dma_start3A_539] : memref<1x2x2048x2048xf32, #tpu.memory_space<hbm>> -> memref<1x1x8x2048xf32, #tpu.memory_space<hbm>>
    %dma_start3A_541 = tpu.memref_squeeze %dma_start3A_540 : memref<1x1x8x2048xf32, #tpu.memory_space<hbm>> -> memref<8x2048xf32, #tpu.memory_space<hbm>>
    tpu.enqueue_dma source(%dma_start3A_541 : memref<8x2048xf32, #tpu.memory_space<hbm>>) target(%arg6 : memref<8x2048xf32, #tpu.memory_space<vmem>>) target_semaphore(%arg17 : memref<!tpu.dma_semaphore, #tpu.memory_space<semaphore_mem>>)
    %dma_start3A_542 = arith.constant 0 : i32
    %dma_start3A_543 = arith.constant 1 : i32
    %dma_start3A_544 = arith.constant 0 : i32
    %dma_start3A_545 = tpu.memref_slice %arg2[%dma_start3A_542, %dma_start3A_543, %add3A_533, %dma_start3A_544] : memref<1x2x2048x2048xf32, #tpu.memory_space<hbm>> -> memref<1x1x8x2048xf32, #tpu.memory_space<hbm>>
    %dma_start3A_546 = tpu.memref_squeeze %dma_start3A_545 : memref<1x1x8x2048xf32, #tpu.memory_space<hbm>> -> memref<8x2048xf32, #tpu.memory_space<hbm>>
    %dma_start3A_547 = arith.constant 0 : i32
    %dma_start3A_548 = tpu.memref_slice %arg2[%dma_start3A_542, %dma_start3A_543, %add3A_533, %dma_start3A_547] : memref<1x2x2048x2048xf32, #tpu.memory_space<hbm>> -> memref<1x1x8x2048xf32, #tpu.memory_space<hbm>>
    %dma_start3A_549 = tpu.memref_squeeze %dma_start3A_548 : memref<1x1x8x2048xf32, #tpu.memory_space<hbm>> -> memref<8x2048xf32, #tpu.memory_space<hbm>>
    tpu.enqueue_dma source(%dma_start3A_549 : memref<8x2048xf32, #tpu.memory_space<hbm>>) target(%arg8 : memref<8x2048xf32, #tpu.memory_space<vmem>>) target_semaphore(%arg17 : memref<!tpu.dma_semaphore, #tpu.memory_space<semaphore_mem>>)
    %dma_start3A_550 = arith.constant 0 : i32
    %dma_start3A_551 = arith.constant 0 : i32
    %dma_start3A_552 = arith.constant 0 : i32
    %dma_start3A_553 = tpu.memref_slice %arg3[%dma_start3A_550, %dma_start3A_551, %add3A_533, %dma_start3A_552] : memref<1x1x2048x2048xi32, #tpu.memory_space<hbm>> -> memref<1x1x8x2048xi32, #tpu.memory_space<hbm>>
    %dma_start3A_554 = tpu.memref_squeeze %dma_start3A_553 : memref<1x1x8x2048xi32, #tpu.memory_space<hbm>> -> memref<8x2048xi32, #tpu.memory_space<hbm>>
    %dma_start3A_555 = arith.constant 0 : i32
    %dma_start3A_556 = tpu.memref_slice %arg3[%dma_start3A_550, %dma_start3A_551, %add3A_533, %dma_start3A_555] : memref<1x1x2048x2048xi32, #tpu.memory_space<hbm>> -> memref<1x1x8x2048xi32, #tpu.memory_space<hbm>>
    %dma_start3A_557 = tpu.memref_squeeze %dma_start3A_556 : memref<1x1x8x2048xi32, #tpu.memory_space<hbm>> -> memref<8x2048xi32, #tpu.memory_space<hbm>>
    tpu.enqueue_dma source(%dma_start3A_557 : memref<8x2048xi32, #tpu.memory_space<hbm>>) target(%arg10 : memref<8x2048xi32, #tpu.memory_space<vmem>>) target_semaphore(%arg17 : memref<!tpu.dma_semaphore, #tpu.memory_space<semaphore_mem>>)
    %scan3A_558 = arith.constant 0 : i32
    %scan3A_559 = arith.constant 0 : i32
    %scan3A_560 = arith.constant 8 : i32
    %scan3A_561 = arith.addi %scan3A_559, %scan3A_560 : i32
    %scan3A_562 = arith.constant 1 : i32
    scf.for %scan3A_1212 = %scan3A_559 to %scan3A_561 step %scan3A_562  : i32 {
      %parallel_loop3A = arith.constant 0 : i32
      %parallel_loop3A_1213 = arith.constant 2048 : i32
      %parallel_loop3A_1214 = arith.constant 16 : i32
      scf.for %parallel_loop3A_1215 = %parallel_loop3A to %parallel_loop3A_1213 step %parallel_loop3A_1214  : i32 {
        %parallel_loop3A_1216 = arith.index_cast %scan3A_1212 : i32 to index
        %parallel_loop3A_1217 = arith.index_cast %parallel_loop3A_1215 : i32 to index
        %parallel_loop3A_1218 = tpu.vector_load %arg9[%parallel_loop3A_1216, %parallel_loop3A_1217] {strides = array<i32>} : memref<8x2048xi32, #tpu.memory_space<vmem>>, vector<16xi32>,
        %parallel_loop3A_1219 = arith.constant 14 : i32
        %parallel_loop3A_1220 = vector.broadcast %parallel_loop3A_1219 : i32 to vector<16xi32>
        %parallel_loop3A_1221 = arith.shli %parallel_loop3A_1218, %parallel_loop3A_1220 : vector<16xi32>
        %parallel_loop3A_1222 = arith.constant 1 : i32
        %parallel_loop3A_1223 = vector.broadcast %parallel_loop3A_1222 : i32 to vector<16xi32>
        %parallel_loop3A_1224 = arith.ori %parallel_loop3A_1221, %parallel_loop3A_1223 : vector<16xi32>
        %parallel_loop3A_1225 = arith.index_cast %scan3A_1212 : i32 to index
        %parallel_loop3A_1226 = arith.index_cast %parallel_loop3A_1215 : i32 to index
        %parallel_loop3A_1227 = tpu.vector_load %arg5[%parallel_loop3A_1225, %parallel_loop3A_1226] {strides = array<i32>} : memref<8x2048xf32, #tpu.memory_space<vmem>>, vector<16xf32>,
        %parallel_loop3A_1228 = arith.constant 1.500000e+01 : f32
        %parallel_loop3A_1229 = vector.broadcast %parallel_loop3A_1228 : f32 to vector<16xf32>
        %parallel_loop3A_1230 = arith.mulf %parallel_loop3A_1227, %parallel_loop3A_1229 : vector<16xf32>
        %parallel_loop3A_1231 = arith.fptosi %parallel_loop3A_1230 : vector<16xf32> to vector<16xi32>
        tpu.vector_store_idx %arg12[%iota3A, %parallel_loop3A_1231], %parallel_loop3A_1224 {add = true} : memref<16x17xi32, #tpu.memory_space<vmem>>[vector<16xi32>, vector<16xi32>], vector<16xi32>,
        %parallel_loop3A_1232 = arith.index_cast %scan3A_1212 : i32 to index
        %parallel_loop3A_1233 = arith.index_cast %parallel_loop3A_1215 : i32 to index
        %parallel_loop3A_1234 = tpu.vector_load %arg7[%parallel_loop3A_1232, %parallel_loop3A_1233] {strides = array<i32>} : memref<8x2048xf32, #tpu.memory_space<vmem>>, vector<16xf32>,
        %parallel_loop3A_1235 = arith.constant 1.500000e+01 : f32
        %parallel_loop3A_1236 = vector.broadcast %parallel_loop3A_1235 : f32 to vector<16xf32>
        %parallel_loop3A_1237 = arith.mulf %parallel_loop3A_1234, %parallel_loop3A_1236 : vector<16xf32>
        %parallel_loop3A_1238 = arith.fptosi %parallel_loop3A_1237 : vector<16xf32> to vector<16xi32>
        tpu.vector_store_idx %arg14[%iota3A, %parallel_loop3A_1238], %parallel_loop3A_1224 {add = true} : memref<16x17xi32, #tpu.memory_space<vmem>>[vector<16xi32>, vector<16xi32>], vector<16xi32>,
      } {sc.loop_unroll_factor = 8 : i64, sc.parallel_access}
    }
    %scan3A_563 = arith.constant 8 : i32
    %dma_wait3A_564 = arith.constant 0 : i32
    %dma_wait3A_565 = arith.constant 0 : i32
    %dma_wait3A_566 = arith.constant 0 : i32
    %dma_wait3A_567 = tpu.memref_slice %arg2[%dma_wait3A_564, %dma_wait3A_565, %add3A_533, %dma_wait3A_566] : memref<1x2x2048x2048xf32, #tpu.memory_space<hbm>> -> memref<1x1x8x2048xf32, #tpu.memory_space<hbm>>
    %dma_wait3A_568 = tpu.memref_squeeze %dma_wait3A_567 : memref<1x1x8x2048xf32, #tpu.memory_space<hbm>> -> memref<8x2048xf32, #tpu.memory_space<hbm>>
    %dma_wait3A_569 = arith.constant 0 : i32
    %dma_wait3A_570 = tpu.memref_slice %arg2[%dma_wait3A_564, %dma_wait3A_565, %add3A_533, %dma_wait3A_569] : memref<1x2x2048x2048xf32, #tpu.memory_space<hbm>> -> memref<1x1x8x2048xf32, #tpu.memory_space<hbm>>
    %dma_wait3A_571 = tpu.memref_squeeze %dma_wait3A_570 : memref<1x1x8x2048xf32, #tpu.memory_space<hbm>> -> memref<8x2048xf32, #tpu.memory_space<hbm>>
    tpu.wait_dma2 semaphore(%arg17 : memref<!tpu.dma_semaphore, #tpu.memory_space<semaphore_mem>>) src(%dma_wait3A_571 : memref<8x2048xf32, #tpu.memory_space<hbm>>) dst(%arg6 : memref<8x2048xf32, #tpu.memory_space<vmem>>)
    %dma_wait3A_572 = arith.constant 0 : i32
    %dma_wait3A_573 = arith.constant 1 : i32
    %dma_wait3A_574 = arith.constant 0 : i32
    %dma_wait3A_575 = tpu.memref_slice %arg2[%dma_wait3A_572, %dma_wait3A_573, %add3A_533, %dma_wait3A_574] : memref<1x2x2048x2048xf32, #tpu.memory_space<hbm>> -> memref<1x1x8x2048xf32, #tpu.memory_space<hbm>>
    %dma_wait3A_576 = tpu.memref_squeeze %dma_wait3A_575 : memref<1x1x8x2048xf32, #tpu.memory_space<hbm>> -> memref<8x2048xf32, #tpu.memory_space<hbm>>
    %dma_wait3A_577 = arith.constant 0 : i32
    %dma_wait3A_578 = tpu.memref_slice %arg2[%dma_wait3A_572, %dma_wait3A_573, %add3A_533, %dma_wait3A_577] : memref<1x2x2048x2048xf32, #tpu.memory_space<hbm>> -> memref<1x1x8x2048xf32, #tpu.memory_space<hbm>>
    %dma_wait3A_579 = tpu.memref_squeeze %dma_wait3A_578 : memref<1x1x8x2048xf32, #tpu.memory_space<hbm>> -> memref<8x2048xf32, #tpu.memory_space<hbm>>
    tpu.wait_dma2 semaphore(%arg17 : memref<!tpu.dma_semaphore, #tpu.memory_space<semaphore_mem>>) src(%dma_wait3A_579 : memref<8x2048xf32, #tpu.memory_space<hbm>>) dst(%arg8 : memref<8x2048xf32, #tpu.memory_space<vmem>>)
    %dma_wait3A_580 = arith.constant 0 : i32
    %dma_wait3A_581 = arith.constant 0 : i32
    %dma_wait3A_582 = arith.constant 0 : i32
    %dma_wait3A_583 = tpu.memref_slice %arg3[%dma_wait3A_580, %dma_wait3A_581, %add3A_533, %dma_wait3A_582] : memref<1x1x2048x2048xi32, #tpu.memory_space<hbm>> -> memref<1x1x8x2048xi32, #tpu.memory_space<hbm>>
    %dma_wait3A_584 = tpu.memref_squeeze %dma_wait3A_583 : memref<1x1x8x2048xi32, #tpu.memory_space<hbm>> -> memref<8x2048xi32, #tpu.memory_space<hbm>>
    %dma_wait3A_585 = arith.constant 0 : i32
    %dma_wait3A_586 = tpu.memref_slice %arg3[%dma_wait3A_580, %dma_wait3A_581, %add3A_533, %dma_wait3A_585] : memref<1x1x2048x2048xi32, #tpu.memory_space<hbm>> -> memref<1x1x8x2048xi32, #tpu.memory_space<hbm>>
    %dma_wait3A_587 = tpu.memref_squeeze %dma_wait3A_586 : memref<1x1x8x2048xi32, #tpu.memory_space<hbm>> -> memref<8x2048xi32, #tpu.memory_space<hbm>>
    tpu.wait_dma2 semaphore(%arg17 : memref<!tpu.dma_semaphore, #tpu.memory_space<semaphore_mem>>) src(%dma_wait3A_587 : memref<8x2048xi32, #tpu.memory_space<hbm>>) dst(%arg10 : memref<8x2048xi32, #tpu.memory_space<vmem>>)
    %add3A_588 = arith.constant 48 : i32
    %add3A_589 = arith.addi %mul3A_2, %add3A_588 : i32
    %dma_start3A_590 = arith.constant 0 : i32
    %dma_start3A_591 = arith.constant 0 : i32
    %dma_start3A_592 = arith.constant 0 : i32
    %dma_start3A_593 = tpu.memref_slice %arg2[%dma_start3A_590, %dma_start3A_591, %add3A_589, %dma_start3A_592] : memref<1x2x2048x2048xf32, #tpu.memory_space<hbm>> -> memref<1x1x8x2048xf32, #tpu.memory_space<hbm>>
    %dma_start3A_594 = tpu.memref_squeeze %dma_start3A_593 : memref<1x1x8x2048xf32, #tpu.memory_space<hbm>> -> memref<8x2048xf32, #tpu.memory_space<hbm>>
    %dma_start3A_595 = arith.constant 0 : i32
    %dma_start3A_596 = tpu.memref_slice %arg2[%dma_start3A_590, %dma_start3A_591, %add3A_589, %dma_start3A_595] : memref<1x2x2048x2048xf32, #tpu.memory_space<hbm>> -> memref<1x1x8x2048xf32, #tpu.memory_space<hbm>>
    %dma_start3A_597 = tpu.memref_squeeze %dma_start3A_596 : memref<1x1x8x2048xf32, #tpu.memory_space<hbm>> -> memref<8x2048xf32, #tpu.memory_space<hbm>>
    tpu.enqueue_dma source(%dma_start3A_597 : memref<8x2048xf32, #tpu.memory_space<hbm>>) target(%arg5 : memref<8x2048xf32, #tpu.memory_space<vmem>>) target_semaphore(%arg16 : memref<!tpu.dma_semaphore, #tpu.memory_space<semaphore_mem>>)
    %dma_start3A_598 = arith.constant 0 : i32
    %dma_start3A_599 = arith.constant 1 : i32
    %dma_start3A_600 = arith.constant 0 : i32
    %dma_start3A_601 = tpu.memref_slice %arg2[%dma_start3A_598, %dma_start3A_599, %add3A_589, %dma_start3A_600] : memref<1x2x2048x2048xf32, #tpu.memory_space<hbm>> -> memref<1x1x8x2048xf32, #tpu.memory_space<hbm>>
    %dma_start3A_602 = tpu.memref_squeeze %dma_start3A_601 : memref<1x1x8x2048xf32, #tpu.memory_space<hbm>> -> memref<8x2048xf32, #tpu.memory_space<hbm>>
    %dma_start3A_603 = arith.constant 0 : i32
    %dma_start3A_604 = tpu.memref_slice %arg2[%dma_start3A_598, %dma_start3A_599, %add3A_589, %dma_start3A_603] : memref<1x2x2048x2048xf32, #tpu.memory_space<hbm>> -> memref<1x1x8x2048xf32, #tpu.memory_space<hbm>>
    %dma_start3A_605 = tpu.memref_squeeze %dma_start3A_604 : memref<1x1x8x2048xf32, #tpu.memory_space<hbm>> -> memref<8x2048xf32, #tpu.memory_space<hbm>>
    tpu.enqueue_dma source(%dma_start3A_605 : memref<8x2048xf32, #tpu.memory_space<hbm>>) target(%arg7 : memref<8x2048xf32, #tpu.memory_space<vmem>>) target_semaphore(%arg16 : memref<!tpu.dma_semaphore, #tpu.memory_space<semaphore_mem>>)
    %dma_start3A_606 = arith.constant 0 : i32
    %dma_start3A_607 = arith.constant 0 : i32
    %dma_start3A_608 = arith.constant 0 : i32
    %dma_start3A_609 = tpu.memref_slice %arg3[%dma_start3A_606, %dma_start3A_607, %add3A_589, %dma_start3A_608] : memref<1x1x2048x2048xi32, #tpu.memory_space<hbm>> -> memref<1x1x8x2048xi32, #tpu.memory_space<hbm>>
    %dma_start3A_610 = tpu.memref_squeeze %dma_start3A_609 : memref<1x1x8x2048xi32, #tpu.memory_space<hbm>> -> memref<8x2048xi32, #tpu.memory_space<hbm>>
    %dma_start3A_611 = arith.constant 0 : i32
    %dma_start3A_612 = tpu.memref_slice %arg3[%dma_start3A_606, %dma_start3A_607, %add3A_589, %dma_start3A_611] : memref<1x1x2048x2048xi32, #tpu.memory_space<hbm>> -> memref<1x1x8x2048xi32, #tpu.memory_space<hbm>>
    %dma_start3A_613 = tpu.memref_squeeze %dma_start3A_612 : memref<1x1x8x2048xi32, #tpu.memory_space<hbm>> -> memref<8x2048xi32, #tpu.memory_space<hbm>>
    tpu.enqueue_dma source(%dma_start3A_613 : memref<8x2048xi32, #tpu.memory_space<hbm>>) target(%arg9 : memref<8x2048xi32, #tpu.memory_space<vmem>>) target_semaphore(%arg16 : memref<!tpu.dma_semaphore, #tpu.memory_space<semaphore_mem>>)
    %scan3A_614 = arith.constant 0 : i32
    %scan3A_615 = arith.constant 0 : i32
    %scan3A_616 = arith.constant 8 : i32
    %scan3A_617 = arith.addi %scan3A_615, %scan3A_616 : i32
    %scan3A_618 = arith.constant 1 : i32
    scf.for %scan3A_1212 = %scan3A_615 to %scan3A_617 step %scan3A_618  : i32 {
      %parallel_loop3A = arith.constant 0 : i32
      %parallel_loop3A_1213 = arith.constant 2048 : i32
      %parallel_loop3A_1214 = arith.constant 16 : i32
      scf.for %parallel_loop3A_1215 = %parallel_loop3A to %parallel_loop3A_1213 step %parallel_loop3A_1214  : i32 {
        %parallel_loop3A_1216 = arith.index_cast %scan3A_1212 : i32 to index
        %parallel_loop3A_1217 = arith.index_cast %parallel_loop3A_1215 : i32 to index
        %parallel_loop3A_1218 = tpu.vector_load %arg10[%parallel_loop3A_1216, %parallel_loop3A_1217] {strides = array<i32>} : memref<8x2048xi32, #tpu.memory_space<vmem>>, vector<16xi32>,
        %parallel_loop3A_1219 = arith.constant 14 : i32
        %parallel_loop3A_1220 = vector.broadcast %parallel_loop3A_1219 : i32 to vector<16xi32>
        %parallel_loop3A_1221 = arith.shli %parallel_loop3A_1218, %parallel_loop3A_1220 : vector<16xi32>
        %parallel_loop3A_1222 = arith.constant 1 : i32
        %parallel_loop3A_1223 = vector.broadcast %parallel_loop3A_1222 : i32 to vector<16xi32>
        %parallel_loop3A_1224 = arith.ori %parallel_loop3A_1221, %parallel_loop3A_1223 : vector<16xi32>
        %parallel_loop3A_1225 = arith.index_cast %scan3A_1212 : i32 to index
        %parallel_loop3A_1226 = arith.index_cast %parallel_loop3A_1215 : i32 to index
        %parallel_loop3A_1227 = tpu.vector_load %arg6[%parallel_loop3A_1225, %parallel_loop3A_1226] {strides = array<i32>} : memref<8x2048xf32, #tpu.memory_space<vmem>>, vector<16xf32>,
        %parallel_loop3A_1228 = arith.constant 1.500000e+01 : f32
        %parallel_loop3A_1229 = vector.broadcast %parallel_loop3A_1228 : f32 to vector<16xf32>
        %parallel_loop3A_1230 = arith.mulf %parallel_loop3A_1227, %parallel_loop3A_1229 : vector<16xf32>
        %parallel_loop3A_1231 = arith.fptosi %parallel_loop3A_1230 : vector<16xf32> to vector<16xi32>
        tpu.vector_store_idx %arg12[%iota3A, %parallel_loop3A_1231], %parallel_loop3A_1224 {add = true} : memref<16x17xi32, #tpu.memory_space<vmem>>[vector<16xi32>, vector<16xi32>], vector<16xi32>,
        %parallel_loop3A_1232 = arith.index_cast %scan3A_1212 : i32 to index
        %parallel_loop3A_1233 = arith.index_cast %parallel_loop3A_1215 : i32 to index
        %parallel_loop3A_1234 = tpu.vector_load %arg8[%parallel_loop3A_1232, %parallel_loop3A_1233] {strides = array<i32>} : memref<8x2048xf32, #tpu.memory_space<vmem>>, vector<16xf32>,
        %parallel_loop3A_1235 = arith.constant 1.500000e+01 : f32
        %parallel_loop3A_1236 = vector.broadcast %parallel_loop3A_1235 : f32 to vector<16xf32>
        %parallel_loop3A_1237 = arith.mulf %parallel_loop3A_1234, %parallel_loop3A_1236 : vector<16xf32>
        %parallel_loop3A_1238 = arith.fptosi %parallel_loop3A_1237 : vector<16xf32> to vector<16xi32>
        tpu.vector_store_idx %arg14[%iota3A, %parallel_loop3A_1238], %parallel_loop3A_1224 {add = true} : memref<16x17xi32, #tpu.memory_space<vmem>>[vector<16xi32>, vector<16xi32>], vector<16xi32>,
      } {sc.loop_unroll_factor = 8 : i64, sc.parallel_access}
    }
    %scan3A_619 = arith.constant 8 : i32
    %dma_wait3A_620 = arith.constant 0 : i32
    %dma_wait3A_621 = arith.constant 0 : i32
    %dma_wait3A_622 = arith.constant 0 : i32
    %dma_wait3A_623 = tpu.memref_slice %arg2[%dma_wait3A_620, %dma_wait3A_621, %add3A_589, %dma_wait3A_622] : memref<1x2x2048x2048xf32, #tpu.memory_space<hbm>> -> memref<1x1x8x2048xf32, #tpu.memory_space<hbm>>
    %dma_wait3A_624 = tpu.memref_squeeze %dma_wait3A_623 : memref<1x1x8x2048xf32, #tpu.memory_space<hbm>> -> memref<8x2048xf32, #tpu.memory_space<hbm>>
    %dma_wait3A_625 = arith.constant 0 : i32
    %dma_wait3A_626 = tpu.memref_slice %arg2[%dma_wait3A_620, %dma_wait3A_621, %add3A_589, %dma_wait3A_625] : memref<1x2x2048x2048xf32, #tpu.memory_space<hbm>> -> memref<1x1x8x2048xf32, #tpu.memory_space<hbm>>
    %dma_wait3A_627 = tpu.memref_squeeze %dma_wait3A_626 : memref<1x1x8x2048xf32, #tpu.memory_space<hbm>> -> memref<8x2048xf32, #tpu.memory_space<hbm>>
    tpu.wait_dma2 semaphore(%arg16 : memref<!tpu.dma_semaphore, #tpu.memory_space<semaphore_mem>>) src(%dma_wait3A_627 : memref<8x2048xf32, #tpu.memory_space<hbm>>) dst(%arg5 : memref<8x2048xf32, #tpu.memory_space<vmem>>)
    %dma_wait3A_628 = arith.constant 0 : i32
    %dma_wait3A_629 = arith.constant 1 : i32
    %dma_wait3A_630 = arith.constant 0 : i32
    %dma_wait3A_631 = tpu.memref_slice %arg2[%dma_wait3A_628, %dma_wait3A_629, %add3A_589, %dma_wait3A_630] : memref<1x2x2048x2048xf32, #tpu.memory_space<hbm>> -> memref<1x1x8x2048xf32, #tpu.memory_space<hbm>>
    %dma_wait3A_632 = tpu.memref_squeeze %dma_wait3A_631 : memref<1x1x8x2048xf32, #tpu.memory_space<hbm>> -> memref<8x2048xf32, #tpu.memory_space<hbm>>
    %dma_wait3A_633 = arith.constant 0 : i32
    %dma_wait3A_634 = tpu.memref_slice %arg2[%dma_wait3A_628, %dma_wait3A_629, %add3A_589, %dma_wait3A_633] : memref<1x2x2048x2048xf32, #tpu.memory_space<hbm>> -> memref<1x1x8x2048xf32, #tpu.memory_space<hbm>>
    %dma_wait3A_635 = tpu.memref_squeeze %dma_wait3A_634 : memref<1x1x8x2048xf32, #tpu.memory_space<hbm>> -> memref<8x2048xf32, #tpu.memory_space<hbm>>
    tpu.wait_dma2 semaphore(%arg16 : memref<!tpu.dma_semaphore, #tpu.memory_space<semaphore_mem>>) src(%dma_wait3A_635 : memref<8x2048xf32, #tpu.memory_space<hbm>>) dst(%arg7 : memref<8x2048xf32, #tpu.memory_space<vmem>>)
    %dma_wait3A_636 = arith.constant 0 : i32
    %dma_wait3A_637 = arith.constant 0 : i32
    %dma_wait3A_638 = arith.constant 0 : i32
    %dma_wait3A_639 = tpu.memref_slice %arg3[%dma_wait3A_636, %dma_wait3A_637, %add3A_589, %dma_wait3A_638] : memref<1x1x2048x2048xi32, #tpu.memory_space<hbm>> -> memref<1x1x8x2048xi32, #tpu.memory_space<hbm>>
    %dma_wait3A_640 = tpu.memref_squeeze %dma_wait3A_639 : memref<1x1x8x2048xi32, #tpu.memory_space<hbm>> -> memref<8x2048xi32, #tpu.memory_space<hbm>>
    %dma_wait3A_641 = arith.constant 0 : i32
    %dma_wait3A_642 = tpu.memref_slice %arg3[%dma_wait3A_636, %dma_wait3A_637, %add3A_589, %dma_wait3A_641] : memref<1x1x2048x2048xi32, #tpu.memory_space<hbm>> -> memref<1x1x8x2048xi32, #tpu.memory_space<hbm>>
    %dma_wait3A_643 = tpu.memref_squeeze %dma_wait3A_642 : memref<1x1x8x2048xi32, #tpu.memory_space<hbm>> -> memref<8x2048xi32, #tpu.memory_space<hbm>>
    tpu.wait_dma2 semaphore(%arg16 : memref<!tpu.dma_semaphore, #tpu.memory_space<semaphore_mem>>) src(%dma_wait3A_643 : memref<8x2048xi32, #tpu.memory_space<hbm>>) dst(%arg9 : memref<8x2048xi32, #tpu.memory_space<vmem>>)
    %add3A_644 = arith.constant 56 : i32
    %add3A_645 = arith.addi %mul3A_2, %add3A_644 : i32
    %dma_start3A_646 = arith.constant 0 : i32
    %dma_start3A_647 = arith.constant 0 : i32
    %dma_start3A_648 = arith.constant 0 : i32
    %dma_start3A_649 = tpu.memref_slice %arg2[%dma_start3A_646, %dma_start3A_647, %add3A_645, %dma_start3A_648] : memref<1x2x2048x2048xf32, #tpu.memory_space<hbm>> -> memref<1x1x8x2048xf32, #tpu.memory_space<hbm>>
    %dma_start3A_650 = tpu.memref_squeeze %dma_start3A_649 : memref<1x1x8x2048xf32, #tpu.memory_space<hbm>> -> memref<8x2048xf32, #tpu.memory_space<hbm>>
    %dma_start3A_651 = arith.constant 0 : i32
    %dma_start3A_652 = tpu.memref_slice %arg2[%dma_start3A_646, %dma_start3A_647, %add3A_645, %dma_start3A_651] : memref<1x2x2048x2048xf32, #tpu.memory_space<hbm>> -> memref<1x1x8x2048xf32, #tpu.memory_space<hbm>>
    %dma_start3A_653 = tpu.memref_squeeze %dma_start3A_652 : memref<1x1x8x2048xf32, #tpu.memory_space<hbm>> -> memref<8x2048xf32, #tpu.memory_space<hbm>>
    tpu.enqueue_dma source(%dma_start3A_653 : memref<8x2048xf32, #tpu.memory_space<hbm>>) target(%arg6 : memref<8x2048xf32, #tpu.memory_space<vmem>>) target_semaphore(%arg17 : memref<!tpu.dma_semaphore, #tpu.memory_space<semaphore_mem>>)
    %dma_start3A_654 = arith.constant 0 : i32
    %dma_start3A_655 = arith.constant 1 : i32
    %dma_start3A_656 = arith.constant 0 : i32
    %dma_start3A_657 = tpu.memref_slice %arg2[%dma_start3A_654, %dma_start3A_655, %add3A_645, %dma_start3A_656] : memref<1x2x2048x2048xf32, #tpu.memory_space<hbm>> -> memref<1x1x8x2048xf32, #tpu.memory_space<hbm>>
    %dma_start3A_658 = tpu.memref_squeeze %dma_start3A_657 : memref<1x1x8x2048xf32, #tpu.memory_space<hbm>> -> memref<8x2048xf32, #tpu.memory_space<hbm>>
    %dma_start3A_659 = arith.constant 0 : i32
    %dma_start3A_660 = tpu.memref_slice %arg2[%dma_start3A_654, %dma_start3A_655, %add3A_645, %dma_start3A_659] : memref<1x2x2048x2048xf32, #tpu.memory_space<hbm>> -> memref<1x1x8x2048xf32, #tpu.memory_space<hbm>>
    %dma_start3A_661 = tpu.memref_squeeze %dma_start3A_660 : memref<1x1x8x2048xf32, #tpu.memory_space<hbm>> -> memref<8x2048xf32, #tpu.memory_space<hbm>>
    tpu.enqueue_dma source(%dma_start3A_661 : memref<8x2048xf32, #tpu.memory_space<hbm>>) target(%arg8 : memref<8x2048xf32, #tpu.memory_space<vmem>>) target_semaphore(%arg17 : memref<!tpu.dma_semaphore, #tpu.memory_space<semaphore_mem>>)
    %dma_start3A_662 = arith.constant 0 : i32
    %dma_start3A_663 = arith.constant 0 : i32
    %dma_start3A_664 = arith.constant 0 : i32
    %dma_start3A_665 = tpu.memref_slice %arg3[%dma_start3A_662, %dma_start3A_663, %add3A_645, %dma_start3A_664] : memref<1x1x2048x2048xi32, #tpu.memory_space<hbm>> -> memref<1x1x8x2048xi32, #tpu.memory_space<hbm>>
    %dma_start3A_666 = tpu.memref_squeeze %dma_start3A_665 : memref<1x1x8x2048xi32, #tpu.memory_space<hbm>> -> memref<8x2048xi32, #tpu.memory_space<hbm>>
    %dma_start3A_667 = arith.constant 0 : i32
    %dma_start3A_668 = tpu.memref_slice %arg3[%dma_start3A_662, %dma_start3A_663, %add3A_645, %dma_start3A_667] : memref<1x1x2048x2048xi32, #tpu.memory_space<hbm>> -> memref<1x1x8x2048xi32, #tpu.memory_space<hbm>>
    %dma_start3A_669 = tpu.memref_squeeze %dma_start3A_668 : memref<1x1x8x2048xi32, #tpu.memory_space<hbm>> -> memref<8x2048xi32, #tpu.memory_space<hbm>>
    tpu.enqueue_dma source(%dma_start3A_669 : memref<8x2048xi32, #tpu.memory_space<hbm>>) target(%arg10 : memref<8x2048xi32, #tpu.memory_space<vmem>>) target_semaphore(%arg17 : memref<!tpu.dma_semaphore, #tpu.memory_space<semaphore_mem>>)
    %scan3A_670 = arith.constant 0 : i32
    %scan3A_671 = arith.constant 0 : i32
    %scan3A_672 = arith.constant 8 : i32
    %scan3A_673 = arith.addi %scan3A_671, %scan3A_672 : i32
    %scan3A_674 = arith.constant 1 : i32
    scf.for %scan3A_1212 = %scan3A_671 to %scan3A_673 step %scan3A_674  : i32 {
      %parallel_loop3A = arith.constant 0 : i32
      %parallel_loop3A_1213 = arith.constant 2048 : i32
      %parallel_loop3A_1214 = arith.constant 16 : i32
      scf.for %parallel_loop3A_1215 = %parallel_loop3A to %parallel_loop3A_1213 step %parallel_loop3A_1214  : i32 {
        %parallel_loop3A_1216 = arith.index_cast %scan3A_1212 : i32 to index
        %parallel_loop3A_1217 = arith.index_cast %parallel_loop3A_1215 : i32 to index
        %parallel_loop3A_1218 = tpu.vector_load %arg9[%parallel_loop3A_1216, %parallel_loop3A_1217] {strides = array<i32>} : memref<8x2048xi32, #tpu.memory_space<vmem>>, vector<16xi32>,
        %parallel_loop3A_1219 = arith.constant 14 : i32
        %parallel_loop3A_1220 = vector.broadcast %parallel_loop3A_1219 : i32 to vector<16xi32>
        %parallel_loop3A_1221 = arith.shli %parallel_loop3A_1218, %parallel_loop3A_1220 : vector<16xi32>
        %parallel_loop3A_1222 = arith.constant 1 : i32
        %parallel_loop3A_1223 = vector.broadcast %parallel_loop3A_1222 : i32 to vector<16xi32>
        %parallel_loop3A_1224 = arith.ori %parallel_loop3A_1221, %parallel_loop3A_1223 : vector<16xi32>
        %parallel_loop3A_1225 = arith.index_cast %scan3A_1212 : i32 to index
        %parallel_loop3A_1226 = arith.index_cast %parallel_loop3A_1215 : i32 to index
        %parallel_loop3A_1227 = tpu.vector_load %arg5[%parallel_loop3A_1225, %parallel_loop3A_1226] {strides = array<i32>} : memref<8x2048xf32, #tpu.memory_space<vmem>>, vector<16xf32>,
        %parallel_loop3A_1228 = arith.constant 1.500000e+01 : f32
        %parallel_loop3A_1229 = vector.broadcast %parallel_loop3A_1228 : f32 to vector<16xf32>
        %parallel_loop3A_1230 = arith.mulf %parallel_loop3A_1227, %parallel_loop3A_1229 : vector<16xf32>
        %parallel_loop3A_1231 = arith.fptosi %parallel_loop3A_1230 : vector<16xf32> to vector<16xi32>
        tpu.vector_store_idx %arg12[%iota3A, %parallel_loop3A_1231], %parallel_loop3A_1224 {add = true} : memref<16x17xi32, #tpu.memory_space<vmem>>[vector<16xi32>, vector<16xi32>], vector<16xi32>,
        %parallel_loop3A_1232 = arith.index_cast %scan3A_1212 : i32 to index
        %parallel_loop3A_1233 = arith.index_cast %parallel_loop3A_1215 : i32 to index
        %parallel_loop3A_1234 = tpu.vector_load %arg7[%parallel_loop3A_1232, %parallel_loop3A_1233] {strides = array<i32>} : memref<8x2048xf32, #tpu.memory_space<vmem>>, vector<16xf32>,
        %parallel_loop3A_1235 = arith.constant 1.500000e+01 : f32
        %parallel_loop3A_1236 = vector.broadcast %parallel_loop3A_1235 : f32 to vector<16xf32>
        %parallel_loop3A_1237 = arith.mulf %parallel_loop3A_1234, %parallel_loop3A_1236 : vector<16xf32>
        %parallel_loop3A_1238 = arith.fptosi %parallel_loop3A_1237 : vector<16xf32> to vector<16xi32>
        tpu.vector_store_idx %arg14[%iota3A, %parallel_loop3A_1238], %parallel_loop3A_1224 {add = true} : memref<16x17xi32, #tpu.memory_space<vmem>>[vector<16xi32>, vector<16xi32>], vector<16xi32>,
      } {sc.loop_unroll_factor = 8 : i64, sc.parallel_access}
    }
    %scan3A_675 = arith.constant 8 : i32
    %dma_wait3A_676 = arith.constant 0 : i32
    %dma_wait3A_677 = arith.constant 0 : i32
    %dma_wait3A_678 = arith.constant 0 : i32
    %dma_wait3A_679 = tpu.memref_slice %arg2[%dma_wait3A_676, %dma_wait3A_677, %add3A_645, %dma_wait3A_678] : memref<1x2x2048x2048xf32, #tpu.memory_space<hbm>> -> memref<1x1x8x2048xf32, #tpu.memory_space<hbm>>
    %dma_wait3A_680 = tpu.memref_squeeze %dma_wait3A_679 : memref<1x1x8x2048xf32, #tpu.memory_space<hbm>> -> memref<8x2048xf32, #tpu.memory_space<hbm>>
    %dma_wait3A_681 = arith.constant 0 : i32
    %dma_wait3A_682 = tpu.memref_slice %arg2[%dma_wait3A_676, %dma_wait3A_677, %add3A_645, %dma_wait3A_681] : memref<1x2x2048x2048xf32, #tpu.memory_space<hbm>> -> memref<1x1x8x2048xf32, #tpu.memory_space<hbm>>
    %dma_wait3A_683 = tpu.memref_squeeze %dma_wait3A_682 : memref<1x1x8x2048xf32, #tpu.memory_space<hbm>> -> memref<8x2048xf32, #tpu.memory_space<hbm>>
    tpu.wait_dma2 semaphore(%arg17 : memref<!tpu.dma_semaphore, #tpu.memory_space<semaphore_mem>>) src(%dma_wait3A_683 : memref<8x2048xf32, #tpu.memory_space<hbm>>) dst(%arg6 : memref<8x2048xf32, #tpu.memory_space<vmem>>)
    %dma_wait3A_684 = arith.constant 0 : i32
    %dma_wait3A_685 = arith.constant 1 : i32
    %dma_wait3A_686 = arith.constant 0 : i32
    %dma_wait3A_687 = tpu.memref_slice %arg2[%dma_wait3A_684, %dma_wait3A_685, %add3A_645, %dma_wait3A_686] : memref<1x2x2048x2048xf32, #tpu.memory_space<hbm>> -> memref<1x1x8x2048xf32, #tpu.memory_space<hbm>>
    %dma_wait3A_688 = tpu.memref_squeeze %dma_wait3A_687 : memref<1x1x8x2048xf32, #tpu.memory_space<hbm>> -> memref<8x2048xf32, #tpu.memory_space<hbm>>
    %dma_wait3A_689 = arith.constant 0 : i32
    %dma_wait3A_690 = tpu.memref_slice %arg2[%dma_wait3A_684, %dma_wait3A_685, %add3A_645, %dma_wait3A_689] : memref<1x2x2048x2048xf32, #tpu.memory_space<hbm>> -> memref<1x1x8x2048xf32, #tpu.memory_space<hbm>>
    %dma_wait3A_691 = tpu.memref_squeeze %dma_wait3A_690 : memref<1x1x8x2048xf32, #tpu.memory_space<hbm>> -> memref<8x2048xf32, #tpu.memory_space<hbm>>
    tpu.wait_dma2 semaphore(%arg17 : memref<!tpu.dma_semaphore, #tpu.memory_space<semaphore_mem>>) src(%dma_wait3A_691 : memref<8x2048xf32, #tpu.memory_space<hbm>>) dst(%arg8 : memref<8x2048xf32, #tpu.memory_space<vmem>>)
    %dma_wait3A_692 = arith.constant 0 : i32
    %dma_wait3A_693 = arith.constant 0 : i32
    %dma_wait3A_694 = arith.constant 0 : i32
    %dma_wait3A_695 = tpu.memref_slice %arg3[%dma_wait3A_692, %dma_wait3A_693, %add3A_645, %dma_wait3A_694] : memref<1x1x2048x2048xi32, #tpu.memory_space<hbm>> -> memref<1x1x8x2048xi32, #tpu.memory_space<hbm>>
    %dma_wait3A_696 = tpu.memref_squeeze %dma_wait3A_695 : memref<1x1x8x2048xi32, #tpu.memory_space<hbm>> -> memref<8x2048xi32, #tpu.memory_space<hbm>>
    %dma_wait3A_697 = arith.constant 0 : i32
    %dma_wait3A_698 = tpu.memref_slice %arg3[%dma_wait3A_692, %dma_wait3A_693, %add3A_645, %dma_wait3A_697] : memref<1x1x2048x2048xi32, #tpu.memory_space<hbm>> -> memref<1x1x8x2048xi32, #tpu.memory_space<hbm>>
    %dma_wait3A_699 = tpu.memref_squeeze %dma_wait3A_698 : memref<1x1x8x2048xi32, #tpu.memory_space<hbm>> -> memref<8x2048xi32, #tpu.memory_space<hbm>>
    tpu.wait_dma2 semaphore(%arg17 : memref<!tpu.dma_semaphore, #tpu.memory_space<semaphore_mem>>) src(%dma_wait3A_699 : memref<8x2048xi32, #tpu.memory_space<hbm>>) dst(%arg10 : memref<8x2048xi32, #tpu.memory_space<vmem>>)
    %scan3A_700 = arith.constant 0 : i32
    %scan3A_701 = arith.constant 0 : i32
    %scan3A_702 = arith.constant 8 : i32
    %scan3A_703 = arith.addi %scan3A_701, %scan3A_702 : i32
    %scan3A_704 = arith.constant 1 : i32
    scf.for %scan3A_1212 = %scan3A_701 to %scan3A_703 step %scan3A_704  : i32 {
      %parallel_loop3A = arith.constant 0 : i32
      %parallel_loop3A_1213 = arith.constant 2048 : i32
      %parallel_loop3A_1214 = arith.constant 16 : i32
      scf.for %parallel_loop3A_1215 = %parallel_loop3A to %parallel_loop3A_1213 step %parallel_loop3A_1214  : i32 {
        %parallel_loop3A_1216 = arith.index_cast %scan3A_1212 : i32 to index
        %parallel_loop3A_1217 = arith.index_cast %parallel_loop3A_1215 : i32 to index
        %parallel_loop3A_1218 = tpu.vector_load %arg10[%parallel_loop3A_1216, %parallel_loop3A_1217] {strides = array<i32>} : memref<8x2048xi32, #tpu.memory_space<vmem>>, vector<16xi32>,
        %parallel_loop3A_1219 = arith.constant 14 : i32
        %parallel_loop3A_1220 = vector.broadcast %parallel_loop3A_1219 : i32 to vector<16xi32>
        %parallel_loop3A_1221 = arith.shli %parallel_loop3A_1218, %parallel_loop3A_1220 : vector<16xi32>
        %parallel_loop3A_1222 = arith.constant 1 : i32
        %parallel_loop3A_1223 = vector.broadcast %parallel_loop3A_1222 : i32 to vector<16xi32>
        %parallel_loop3A_1224 = arith.ori %parallel_loop3A_1221, %parallel_loop3A_1223 : vector<16xi32>
        %parallel_loop3A_1225 = arith.index_cast %scan3A_1212 : i32 to index
        %parallel_loop3A_1226 = arith.index_cast %parallel_loop3A_1215 : i32 to index
        %parallel_loop3A_1227 = tpu.vector_load %arg6[%parallel_loop3A_1225, %parallel_loop3A_1226] {strides = array<i32>} : memref<8x2048xf32, #tpu.memory_space<vmem>>, vector<16xf32>,
        %parallel_loop3A_1228 = arith.constant 1.500000e+01 : f32
        %parallel_loop3A_1229 = vector.broadcast %parallel_loop3A_1228 : f32 to vector<16xf32>
        %parallel_loop3A_1230 = arith.mulf %parallel_loop3A_1227, %parallel_loop3A_1229 : vector<16xf32>
        %parallel_loop3A_1231 = arith.fptosi %parallel_loop3A_1230 : vector<16xf32> to vector<16xi32>
        tpu.vector_store_idx %arg12[%iota3A, %parallel_loop3A_1231], %parallel_loop3A_1224 {add = true} : memref<16x17xi32, #tpu.memory_space<vmem>>[vector<16xi32>, vector<16xi32>], vector<16xi32>,
        %parallel_loop3A_1232 = arith.index_cast %scan3A_1212 : i32 to index
        %parallel_loop3A_1233 = arith.index_cast %parallel_loop3A_1215 : i32 to index
        %parallel_loop3A_1234 = tpu.vector_load %arg8[%parallel_loop3A_1232, %parallel_loop3A_1233] {strides = array<i32>} : memref<8x2048xf32, #tpu.memory_space<vmem>>, vector<16xf32>,
        %parallel_loop3A_1235 = arith.constant 1.500000e+01 : f32
        %parallel_loop3A_1236 = vector.broadcast %parallel_loop3A_1235 : f32 to vector<16xf32>
        %parallel_loop3A_1237 = arith.mulf %parallel_loop3A_1234, %parallel_loop3A_1236 : vector<16xf32>
        %parallel_loop3A_1238 = arith.fptosi %parallel_loop3A_1237 : vector<16xf32> to vector<16xi32>
        tpu.vector_store_idx %arg14[%iota3A, %parallel_loop3A_1238], %parallel_loop3A_1224 {add = true} : memref<16x17xi32, #tpu.memory_space<vmem>>[vector<16xi32>, vector<16xi32>], vector<16xi32>,
      } {sc.loop_unroll_factor = 8 : i64, sc.parallel_access}
    }
    %scan3A_705 = arith.constant 8 : i32
    %broadcast_in_dim3A_706 = arith.constant 16383 : i32
    %broadcast_in_dim3A_707 = vector.broadcast %broadcast_in_dim3A_706 : i32 to vector<16xi32>
    %get3A = arith.constant 0 : i32
    %get3A_708 = arith.index_cast %get3A : i32 to index
    %get3A_709 = arith.constant 0 : index
    %get3A_710 = tpu.vector_load %arg12[%get3A_708, %get3A_709] {strides = array<i32>} : memref<16x17xi32, #tpu.memory_space<vmem>>, vector<16xi32>,
    %and3A = arith.andi %get3A_710, %broadcast_in_dim3A_707 : vector<16xi32>
    %add3A_711 = arith.addi %broadcast_in_dim3A_5, %and3A : vector<16xi32>
    %shift_right_arithmetic3A = arith.constant 14 : i32
    %shift_right_arithmetic3A_712 = vector.broadcast %shift_right_arithmetic3A : i32 to vector<16xi32>
    %shift_right_arithmetic3A_713 = arith.shrsi %get3A_710, %shift_right_arithmetic3A_712 : vector<16xi32>
    %add3A_714 = arith.addi %broadcast_in_dim3A_5, %shift_right_arithmetic3A_713 : vector<16xi32>
    %get3A_715 = arith.constant 0 : i32
    %get3A_716 = arith.index_cast %get3A_715 : i32 to index
    %get3A_717 = arith.constant 0 : index
    %get3A_718 = tpu.vector_load %arg13[%get3A_716, %get3A_717] {strides = array<i32>} : memref<16x17xf32, #tpu.memory_space<vmem>>, vector<16xf32>,
    %add3A_719 = arith.addf %broadcast_in_dim3A_3, %get3A_718 : vector<16xf32>
    %get3A_720 = arith.constant 1 : i32
    %get3A_721 = arith.index_cast %get3A_720 : i32 to index
    %get3A_722 = arith.constant 0 : index
    %get3A_723 = tpu.vector_load %arg12[%get3A_721, %get3A_722] {strides = array<i32>} : memref<16x17xi32, #tpu.memory_space<vmem>>, vector<16xi32>,
    %and3A_724 = arith.andi %get3A_723, %broadcast_in_dim3A_707 : vector<16xi32>
    %add3A_725 = arith.addi %add3A_711, %and3A_724 : vector<16xi32>
    %shift_right_arithmetic3A_726 = arith.constant 14 : i32
    %shift_right_arithmetic3A_727 = vector.broadcast %shift_right_arithmetic3A_726 : i32 to vector<16xi32>
    %shift_right_arithmetic3A_728 = arith.shrsi %get3A_723, %shift_right_arithmetic3A_727 : vector<16xi32>
    %add3A_729 = arith.addi %add3A_714, %shift_right_arithmetic3A_728 : vector<16xi32>
    %get3A_730 = arith.constant 1 : i32
    %get3A_731 = arith.index_cast %get3A_730 : i32 to index
    %get3A_732 = arith.constant 0 : index
    %get3A_733 = tpu.vector_load %arg13[%get3A_731, %get3A_732] {strides = array<i32>} : memref<16x17xf32, #tpu.memory_space<vmem>>, vector<16xf32>,
    %add3A_734 = arith.addf %add3A_719, %get3A_733 : vector<16xf32>
    %get3A_735 = arith.constant 2 : i32
    %get3A_736 = arith.index_cast %get3A_735 : i32 to index
    %get3A_737 = arith.constant 0 : index
    %get3A_738 = tpu.vector_load %arg12[%get3A_736, %get3A_737] {strides = array<i32>} : memref<16x17xi32, #tpu.memory_space<vmem>>, vector<16xi32>,
    %and3A_739 = arith.andi %get3A_738, %broadcast_in_dim3A_707 : vector<16xi32>
    %add3A_740 = arith.addi %add3A_725, %and3A_739 : vector<16xi32>
    %shift_right_arithmetic3A_741 = arith.constant 14 : i32
    %shift_right_arithmetic3A_742 = vector.broadcast %shift_right_arithmetic3A_741 : i32 to vector<16xi32>
    %shift_right_arithmetic3A_743 = arith.shrsi %get3A_738, %shift_right_arithmetic3A_742 : vector<16xi32>
    %add3A_744 = arith.addi %add3A_729, %shift_right_arithmetic3A_743 : vector<16xi32>
    %get3A_745 = arith.constant 2 : i32
    %get3A_746 = arith.index_cast %get3A_745 : i32 to index
    %get3A_747 = arith.constant 0 : index
    %get3A_748 = tpu.vector_load %arg13[%get3A_746, %get3A_747] {strides = array<i32>} : memref<16x17xf32, #tpu.memory_space<vmem>>, vector<16xf32>,
    %add3A_749 = arith.addf %add3A_734, %get3A_748 : vector<16xf32>
    %get3A_750 = arith.constant 3 : i32
    %get3A_751 = arith.index_cast %get3A_750 : i32 to index
    %get3A_752 = arith.constant 0 : index
    %get3A_753 = tpu.vector_load %arg12[%get3A_751, %get3A_752] {strides = array<i32>} : memref<16x17xi32, #tpu.memory_space<vmem>>, vector<16xi32>,
    %and3A_754 = arith.andi %get3A_753, %broadcast_in_dim3A_707 : vector<16xi32>
    %add3A_755 = arith.addi %add3A_740, %and3A_754 : vector<16xi32>
    %shift_right_arithmetic3A_756 = arith.constant 14 : i32
    %shift_right_arithmetic3A_757 = vector.broadcast %shift_right_arithmetic3A_756 : i32 to vector<16xi32>
    %shift_right_arithmetic3A_758 = arith.shrsi %get3A_753, %shift_right_arithmetic3A_757 : vector<16xi32>
    %add3A_759 = arith.addi %add3A_744, %shift_right_arithmetic3A_758 : vector<16xi32>
    %get3A_760 = arith.constant 3 : i32
    %get3A_761 = arith.index_cast %get3A_760 : i32 to index
    %get3A_762 = arith.constant 0 : index
    %get3A_763 = tpu.vector_load %arg13[%get3A_761, %get3A_762] {strides = array<i32>} : memref<16x17xf32, #tpu.memory_space<vmem>>, vector<16xf32>,
    %add3A_764 = arith.addf %add3A_749, %get3A_763 : vector<16xf32>
    %get3A_765 = arith.constant 4 : i32
    %get3A_766 = arith.index_cast %get3A_765 : i32 to index
    %get3A_767 = arith.constant 0 : index
    %get3A_768 = tpu.vector_load %arg12[%get3A_766, %get3A_767] {strides = array<i32>} : memref<16x17xi32, #tpu.memory_space<vmem>>, vector<16xi32>,
    %and3A_769 = arith.andi %get3A_768, %broadcast_in_dim3A_707 : vector<16xi32>
    %add3A_770 = arith.addi %add3A_755, %and3A_769 : vector<16xi32>
    %shift_right_arithmetic3A_771 = arith.constant 14 : i32
    %shift_right_arithmetic3A_772 = vector.broadcast %shift_right_arithmetic3A_771 : i32 to vector<16xi32>
    %shift_right_arithmetic3A_773 = arith.shrsi %get3A_768, %shift_right_arithmetic3A_772 : vector<16xi32>
    %add3A_774 = arith.addi %add3A_759, %shift_right_arithmetic3A_773 : vector<16xi32>
    %get3A_775 = arith.constant 4 : i32
    %get3A_776 = arith.index_cast %get3A_775 : i32 to index
    %get3A_777 = arith.constant 0 : index
    %get3A_778 = tpu.vector_load %arg13[%get3A_776, %get3A_777] {strides = array<i32>} : memref<16x17xf32, #tpu.memory_space<vmem>>, vector<16xf32>,
    %add3A_779 = arith.addf %add3A_764, %get3A_778 : vector<16xf32>
    %get3A_780 = arith.constant 5 : i32
    %get3A_781 = arith.index_cast %get3A_780 : i32 to index
    %get3A_782 = arith.constant 0 : index
    %get3A_783 = tpu.vector_load %arg12[%get3A_781, %get3A_782] {strides = array<i32>} : memref<16x17xi32, #tpu.memory_space<vmem>>, vector<16xi32>,
    %and3A_784 = arith.andi %get3A_783, %broadcast_in_dim3A_707 : vector<16xi32>
    %add3A_785 = arith.addi %add3A_770, %and3A_784 : vector<16xi32>
    %shift_right_arithmetic3A_786 = arith.constant 14 : i32
    %shift_right_arithmetic3A_787 = vector.broadcast %shift_right_arithmetic3A_786 : i32 to vector<16xi32>
    %shift_right_arithmetic3A_788 = arith.shrsi %get3A_783, %shift_right_arithmetic3A_787 : vector<16xi32>
    %add3A_789 = arith.addi %add3A_774, %shift_right_arithmetic3A_788 : vector<16xi32>
    %get3A_790 = arith.constant 5 : i32
    %get3A_791 = arith.index_cast %get3A_790 : i32 to index
    %get3A_792 = arith.constant 0 : index
    %get3A_793 = tpu.vector_load %arg13[%get3A_791, %get3A_792] {strides = array<i32>} : memref<16x17xf32, #tpu.memory_space<vmem>>, vector<16xf32>,
    %add3A_794 = arith.addf %add3A_779, %get3A_793 : vector<16xf32>
    %get3A_795 = arith.constant 6 : i32
    %get3A_796 = arith.index_cast %get3A_795 : i32 to index
    %get3A_797 = arith.constant 0 : index
    %get3A_798 = tpu.vector_load %arg12[%get3A_796, %get3A_797] {strides = array<i32>} : memref<16x17xi32, #tpu.memory_space<vmem>>, vector<16xi32>,
    %and3A_799 = arith.andi %get3A_798, %broadcast_in_dim3A_707 : vector<16xi32>
    %add3A_800 = arith.addi %add3A_785, %and3A_799 : vector<16xi32>
    %shift_right_arithmetic3A_801 = arith.constant 14 : i32
    %shift_right_arithmetic3A_802 = vector.broadcast %shift_right_arithmetic3A_801 : i32 to vector<16xi32>
    %shift_right_arithmetic3A_803 = arith.shrsi %get3A_798, %shift_right_arithmetic3A_802 : vector<16xi32>
    %add3A_804 = arith.addi %add3A_789, %shift_right_arithmetic3A_803 : vector<16xi32>
    %get3A_805 = arith.constant 6 : i32
    %get3A_806 = arith.index_cast %get3A_805 : i32 to index
    %get3A_807 = arith.constant 0 : index
    %get3A_808 = tpu.vector_load %arg13[%get3A_806, %get3A_807] {strides = array<i32>} : memref<16x17xf32, #tpu.memory_space<vmem>>, vector<16xf32>,
    %add3A_809 = arith.addf %add3A_794, %get3A_808 : vector<16xf32>
    %get3A_810 = arith.constant 7 : i32
    %get3A_811 = arith.index_cast %get3A_810 : i32 to index
    %get3A_812 = arith.constant 0 : index
    %get3A_813 = tpu.vector_load %arg12[%get3A_811, %get3A_812] {strides = array<i32>} : memref<16x17xi32, #tpu.memory_space<vmem>>, vector<16xi32>,
    %and3A_814 = arith.andi %get3A_813, %broadcast_in_dim3A_707 : vector<16xi32>
    %add3A_815 = arith.addi %add3A_800, %and3A_814 : vector<16xi32>
    %shift_right_arithmetic3A_816 = arith.constant 14 : i32
    %shift_right_arithmetic3A_817 = vector.broadcast %shift_right_arithmetic3A_816 : i32 to vector<16xi32>
    %shift_right_arithmetic3A_818 = arith.shrsi %get3A_813, %shift_right_arithmetic3A_817 : vector<16xi32>
    %add3A_819 = arith.addi %add3A_804, %shift_right_arithmetic3A_818 : vector<16xi32>
    %get3A_820 = arith.constant 7 : i32
    %get3A_821 = arith.index_cast %get3A_820 : i32 to index
    %get3A_822 = arith.constant 0 : index
    %get3A_823 = tpu.vector_load %arg13[%get3A_821, %get3A_822] {strides = array<i32>} : memref<16x17xf32, #tpu.memory_space<vmem>>, vector<16xf32>,
    %add3A_824 = arith.addf %add3A_809, %get3A_823 : vector<16xf32>
    %get3A_825 = arith.constant 8 : i32
    %get3A_826 = arith.index_cast %get3A_825 : i32 to index
    %get3A_827 = arith.constant 0 : index
    %get3A_828 = tpu.vector_load %arg12[%get3A_826, %get3A_827] {strides = array<i32>} : memref<16x17xi32, #tpu.memory_space<vmem>>, vector<16xi32>,
    %and3A_829 = arith.andi %get3A_828, %broadcast_in_dim3A_707 : vector<16xi32>
    %add3A_830 = arith.addi %add3A_815, %and3A_829 : vector<16xi32>
    %shift_right_arithmetic3A_831 = arith.constant 14 : i32
    %shift_right_arithmetic3A_832 = vector.broadcast %shift_right_arithmetic3A_831 : i32 to vector<16xi32>
    %shift_right_arithmetic3A_833 = arith.shrsi %get3A_828, %shift_right_arithmetic3A_832 : vector<16xi32>
    %add3A_834 = arith.addi %add3A_819, %shift_right_arithmetic3A_833 : vector<16xi32>
    %get3A_835 = arith.constant 8 : i32
    %get3A_836 = arith.index_cast %get3A_835 : i32 to index
    %get3A_837 = arith.constant 0 : index
    %get3A_838 = tpu.vector_load %arg13[%get3A_836, %get3A_837] {strides = array<i32>} : memref<16x17xf32, #tpu.memory_space<vmem>>, vector<16xf32>,
    %add3A_839 = arith.addf %add3A_824, %get3A_838 : vector<16xf32>
    %get3A_840 = arith.constant 9 : i32
    %get3A_841 = arith.index_cast %get3A_840 : i32 to index
    %get3A_842 = arith.constant 0 : index
    %get3A_843 = tpu.vector_load %arg12[%get3A_841, %get3A_842] {strides = array<i32>} : memref<16x17xi32, #tpu.memory_space<vmem>>, vector<16xi32>,
    %and3A_844 = arith.andi %get3A_843, %broadcast_in_dim3A_707 : vector<16xi32>
    %add3A_845 = arith.addi %add3A_830, %and3A_844 : vector<16xi32>
    %shift_right_arithmetic3A_846 = arith.constant 14 : i32
    %shift_right_arithmetic3A_847 = vector.broadcast %shift_right_arithmetic3A_846 : i32 to vector<16xi32>
    %shift_right_arithmetic3A_848 = arith.shrsi %get3A_843, %shift_right_arithmetic3A_847 : vector<16xi32>
    %add3A_849 = arith.addi %add3A_834, %shift_right_arithmetic3A_848 : vector<16xi32>
    %get3A_850 = arith.constant 9 : i32
    %get3A_851 = arith.index_cast %get3A_850 : i32 to index
    %get3A_852 = arith.constant 0 : index
    %get3A_853 = tpu.vector_load %arg13[%get3A_851, %get3A_852] {strides = array<i32>} : memref<16x17xf32, #tpu.memory_space<vmem>>, vector<16xf32>,
    %add3A_854 = arith.addf %add3A_839, %get3A_853 : vector<16xf32>
    %get3A_855 = arith.constant 10 : i32
    %get3A_856 = arith.index_cast %get3A_855 : i32 to index
    %get3A_857 = arith.constant 0 : index
    %get3A_858 = tpu.vector_load %arg12[%get3A_856, %get3A_857] {strides = array<i32>} : memref<16x17xi32, #tpu.memory_space<vmem>>, vector<16xi32>,
    %and3A_859 = arith.andi %get3A_858, %broadcast_in_dim3A_707 : vector<16xi32>
    %add3A_860 = arith.addi %add3A_845, %and3A_859 : vector<16xi32>
    %shift_right_arithmetic3A_861 = arith.constant 14 : i32
    %shift_right_arithmetic3A_862 = vector.broadcast %shift_right_arithmetic3A_861 : i32 to vector<16xi32>
    %shift_right_arithmetic3A_863 = arith.shrsi %get3A_858, %shift_right_arithmetic3A_862 : vector<16xi32>
    %add3A_864 = arith.addi %add3A_849, %shift_right_arithmetic3A_863 : vector<16xi32>
    %get3A_865 = arith.constant 10 : i32
    %get3A_866 = arith.index_cast %get3A_865 : i32 to index
    %get3A_867 = arith.constant 0 : index
    %get3A_868 = tpu.vector_load %arg13[%get3A_866, %get3A_867] {strides = array<i32>} : memref<16x17xf32, #tpu.memory_space<vmem>>, vector<16xf32>,
    %add3A_869 = arith.addf %add3A_854, %get3A_868 : vector<16xf32>
    %get3A_870 = arith.constant 11 : i32
    %get3A_871 = arith.index_cast %get3A_870 : i32 to index
    %get3A_872 = arith.constant 0 : index
    %get3A_873 = tpu.vector_load %arg12[%get3A_871, %get3A_872] {strides = array<i32>} : memref<16x17xi32, #tpu.memory_space<vmem>>, vector<16xi32>,
    %and3A_874 = arith.andi %get3A_873, %broadcast_in_dim3A_707 : vector<16xi32>
    %add3A_875 = arith.addi %add3A_860, %and3A_874 : vector<16xi32>
    %shift_right_arithmetic3A_876 = arith.constant 14 : i32
    %shift_right_arithmetic3A_877 = vector.broadcast %shift_right_arithmetic3A_876 : i32 to vector<16xi32>
    %shift_right_arithmetic3A_878 = arith.shrsi %get3A_873, %shift_right_arithmetic3A_877 : vector<16xi32>
    %add3A_879 = arith.addi %add3A_864, %shift_right_arithmetic3A_878 : vector<16xi32>
    %get3A_880 = arith.constant 11 : i32
    %get3A_881 = arith.index_cast %get3A_880 : i32 to index
    %get3A_882 = arith.constant 0 : index
    %get3A_883 = tpu.vector_load %arg13[%get3A_881, %get3A_882] {strides = array<i32>} : memref<16x17xf32, #tpu.memory_space<vmem>>, vector<16xf32>,
    %add3A_884 = arith.addf %add3A_869, %get3A_883 : vector<16xf32>
    %get3A_885 = arith.constant 12 : i32
    %get3A_886 = arith.index_cast %get3A_885 : i32 to index
    %get3A_887 = arith.constant 0 : index
    %get3A_888 = tpu.vector_load %arg12[%get3A_886, %get3A_887] {strides = array<i32>} : memref<16x17xi32, #tpu.memory_space<vmem>>, vector<16xi32>,
    %and3A_889 = arith.andi %get3A_888, %broadcast_in_dim3A_707 : vector<16xi32>
    %add3A_890 = arith.addi %add3A_875, %and3A_889 : vector<16xi32>
    %shift_right_arithmetic3A_891 = arith.constant 14 : i32
    %shift_right_arithmetic3A_892 = vector.broadcast %shift_right_arithmetic3A_891 : i32 to vector<16xi32>
    %shift_right_arithmetic3A_893 = arith.shrsi %get3A_888, %shift_right_arithmetic3A_892 : vector<16xi32>
    %add3A_894 = arith.addi %add3A_879, %shift_right_arithmetic3A_893 : vector<16xi32>
    %get3A_895 = arith.constant 12 : i32
    %get3A_896 = arith.index_cast %get3A_895 : i32 to index
    %get3A_897 = arith.constant 0 : index
    %get3A_898 = tpu.vector_load %arg13[%get3A_896, %get3A_897] {strides = array<i32>} : memref<16x17xf32, #tpu.memory_space<vmem>>, vector<16xf32>,
    %add3A_899 = arith.addf %add3A_884, %get3A_898 : vector<16xf32>
    %get3A_900 = arith.constant 13 : i32
    %get3A_901 = arith.index_cast %get3A_900 : i32 to index
    %get3A_902 = arith.constant 0 : index
    %get3A_903 = tpu.vector_load %arg12[%get3A_901, %get3A_902] {strides = array<i32>} : memref<16x17xi32, #tpu.memory_space<vmem>>, vector<16xi32>,
    %and3A_904 = arith.andi %get3A_903, %broadcast_in_dim3A_707 : vector<16xi32>
    %add3A_905 = arith.addi %add3A_890, %and3A_904 : vector<16xi32>
    %shift_right_arithmetic3A_906 = arith.constant 14 : i32
    %shift_right_arithmetic3A_907 = vector.broadcast %shift_right_arithmetic3A_906 : i32 to vector<16xi32>
    %shift_right_arithmetic3A_908 = arith.shrsi %get3A_903, %shift_right_arithmetic3A_907 : vector<16xi32>
    %add3A_909 = arith.addi %add3A_894, %shift_right_arithmetic3A_908 : vector<16xi32>
    %get3A_910 = arith.constant 13 : i32
    %get3A_911 = arith.index_cast %get3A_910 : i32 to index
    %get3A_912 = arith.constant 0 : index
    %get3A_913 = tpu.vector_load %arg13[%get3A_911, %get3A_912] {strides = array<i32>} : memref<16x17xf32, #tpu.memory_space<vmem>>, vector<16xf32>,
    %add3A_914 = arith.addf %add3A_899, %get3A_913 : vector<16xf32>
    %get3A_915 = arith.constant 14 : i32
    %get3A_916 = arith.index_cast %get3A_915 : i32 to index
    %get3A_917 = arith.constant 0 : index
    %get3A_918 = tpu.vector_load %arg12[%get3A_916, %get3A_917] {strides = array<i32>} : memref<16x17xi32, #tpu.memory_space<vmem>>, vector<16xi32>,
    %and3A_919 = arith.andi %get3A_918, %broadcast_in_dim3A_707 : vector<16xi32>
    %add3A_920 = arith.addi %add3A_905, %and3A_919 : vector<16xi32>
    %shift_right_arithmetic3A_921 = arith.constant 14 : i32
    %shift_right_arithmetic3A_922 = vector.broadcast %shift_right_arithmetic3A_921 : i32 to vector<16xi32>
    %shift_right_arithmetic3A_923 = arith.shrsi %get3A_918, %shift_right_arithmetic3A_922 : vector<16xi32>
    %add3A_924 = arith.addi %add3A_909, %shift_right_arithmetic3A_923 : vector<16xi32>
    %get3A_925 = arith.constant 14 : i32
    %get3A_926 = arith.index_cast %get3A_925 : i32 to index
    %get3A_927 = arith.constant 0 : index
    %get3A_928 = tpu.vector_load %arg13[%get3A_926, %get3A_927] {strides = array<i32>} : memref<16x17xf32, #tpu.memory_space<vmem>>, vector<16xf32>,
    %add3A_929 = arith.addf %add3A_914, %get3A_928 : vector<16xf32>
    %get3A_930 = arith.constant 15 : i32
    %get3A_931 = arith.index_cast %get3A_930 : i32 to index
    %get3A_932 = arith.constant 0 : index
    %get3A_933 = tpu.vector_load %arg12[%get3A_931, %get3A_932] {strides = array<i32>} : memref<16x17xi32, #tpu.memory_space<vmem>>, vector<16xi32>,
    %and3A_934 = arith.andi %get3A_933, %broadcast_in_dim3A_707 : vector<16xi32>
    %add3A_935 = arith.addi %add3A_920, %and3A_934 : vector<16xi32>
    %shift_right_arithmetic3A_936 = arith.constant 14 : i32
    %shift_right_arithmetic3A_937 = vector.broadcast %shift_right_arithmetic3A_936 : i32 to vector<16xi32>
    %shift_right_arithmetic3A_938 = arith.shrsi %get3A_933, %shift_right_arithmetic3A_937 : vector<16xi32>
    %add3A_939 = arith.addi %add3A_924, %shift_right_arithmetic3A_938 : vector<16xi32>
    %get3A_940 = arith.constant 15 : i32
    %get3A_941 = arith.index_cast %get3A_940 : i32 to index
    %get3A_942 = arith.constant 0 : index
    %get3A_943 = tpu.vector_load %arg13[%get3A_941, %get3A_942] {strides = array<i32>} : memref<16x17xf32, #tpu.memory_space<vmem>>, vector<16xf32>,
    %add3A_944 = arith.addf %add3A_929, %get3A_943 : vector<16xf32>
    %sub3A = arith.subi %add3A_935, %add3A_939 : vector<16xi32>
    %convert_element_type3A = arith.sitofp %add3A_935 : vector<16xi32> to vector<16xf32>
    %swap3A_945 = arith.constant 0 : i32
    %swap3A_946 = arith.index_cast %swap3A_945 : i32 to index
    %swap3A_947 = arith.constant 0 : index
    %swap3A_948 = tpu.vector_load %arg11[%swap3A_946, %swap3A_947] {strides = array<i32>} : memref<6x16xf32, #tpu.memory_space<vmem>>, vector<16xf32>,
    tpu.vector_store %arg11[%swap3A_946, %swap3A_947], %convert_element_type3A {strides = array<i32>} : memref<6x16xf32, #tpu.memory_space<vmem>>, vector<16xf32>,
    %swap3A_949 = arith.constant 1 : i32
    %swap3A_950 = arith.index_cast %swap3A_949 : i32 to index
    %swap3A_951 = arith.constant 0 : index
    %swap3A_952 = tpu.vector_load %arg11[%swap3A_950, %swap3A_951] {strides = array<i32>} : memref<6x16xf32, #tpu.memory_space<vmem>>, vector<16xf32>,
    tpu.vector_store %arg11[%swap3A_950, %swap3A_951], %add3A_944 {strides = array<i32>} : memref<6x16xf32, #tpu.memory_space<vmem>>, vector<16xf32>,
    %convert_element_type3A_953 = arith.sitofp %sub3A : vector<16xi32> to vector<16xf32>
    %swap3A_954 = arith.constant 2 : i32
    %swap3A_955 = arith.index_cast %swap3A_954 : i32 to index
    %swap3A_956 = arith.constant 0 : index
    %swap3A_957 = tpu.vector_load %arg11[%swap3A_955, %swap3A_956] {strides = array<i32>} : memref<6x16xf32, #tpu.memory_space<vmem>>, vector<16xf32>,
    tpu.vector_store %arg11[%swap3A_955, %swap3A_956], %convert_element_type3A_953 {strides = array<i32>} : memref<6x16xf32, #tpu.memory_space<vmem>>, vector<16xf32>,
    %get3A_958 = arith.constant 0 : i32
    %get3A_959 = arith.index_cast %get3A_958 : i32 to index
    %get3A_960 = arith.constant 0 : index
    %get3A_961 = tpu.vector_load %arg14[%get3A_959, %get3A_960] {strides = array<i32>} : memref<16x17xi32, #tpu.memory_space<vmem>>, vector<16xi32>,
    %and3A_962 = arith.andi %get3A_961, %broadcast_in_dim3A_707 : vector<16xi32>
    %add3A_963 = arith.addi %broadcast_in_dim3A_5, %and3A_962 : vector<16xi32>
    %shift_right_arithmetic3A_964 = arith.constant 14 : i32
    %shift_right_arithmetic3A_965 = vector.broadcast %shift_right_arithmetic3A_964 : i32 to vector<16xi32>
    %shift_right_arithmetic3A_966 = arith.shrsi %get3A_961, %shift_right_arithmetic3A_965 : vector<16xi32>
    %add3A_967 = arith.addi %broadcast_in_dim3A_5, %shift_right_arithmetic3A_966 : vector<16xi32>
    %get3A_968 = arith.constant 0 : i32
    %get3A_969 = arith.index_cast %get3A_968 : i32 to index
    %get3A_970 = arith.constant 0 : index
    %get3A_971 = tpu.vector_load %arg15[%get3A_969, %get3A_970] {strides = array<i32>} : memref<16x17xf32, #tpu.memory_space<vmem>>, vector<16xf32>,
    %add3A_972 = arith.addf %broadcast_in_dim3A_3, %get3A_971 : vector<16xf32>
    %get3A_973 = arith.constant 1 : i32
    %get3A_974 = arith.index_cast %get3A_973 : i32 to index
    %get3A_975 = arith.constant 0 : index
    %get3A_976 = tpu.vector_load %arg14[%get3A_974, %get3A_975] {strides = array<i32>} : memref<16x17xi32, #tpu.memory_space<vmem>>, vector<16xi32>,
    %and3A_977 = arith.andi %get3A_976, %broadcast_in_dim3A_707 : vector<16xi32>
    %add3A_978 = arith.addi %add3A_963, %and3A_977 : vector<16xi32>
    %shift_right_arithmetic3A_979 = arith.constant 14 : i32
    %shift_right_arithmetic3A_980 = vector.broadcast %shift_right_arithmetic3A_979 : i32 to vector<16xi32>
    %shift_right_arithmetic3A_981 = arith.shrsi %get3A_976, %shift_right_arithmetic3A_980 : vector<16xi32>
    %add3A_982 = arith.addi %add3A_967, %shift_right_arithmetic3A_981 : vector<16xi32>
    %get3A_983 = arith.constant 1 : i32
    %get3A_984 = arith.index_cast %get3A_983 : i32 to index
    %get3A_985 = arith.constant 0 : index
    %get3A_986 = tpu.vector_load %arg15[%get3A_984, %get3A_985] {strides = array<i32>} : memref<16x17xf32, #tpu.memory_space<vmem>>, vector<16xf32>,
    %add3A_987 = arith.addf %add3A_972, %get3A_986 : vector<16xf32>
    %get3A_988 = arith.constant 2 : i32
    %get3A_989 = arith.index_cast %get3A_988 : i32 to index
    %get3A_990 = arith.constant 0 : index
    %get3A_991 = tpu.vector_load %arg14[%get3A_989, %get3A_990] {strides = array<i32>} : memref<16x17xi32, #tpu.memory_space<vmem>>, vector<16xi32>,
    %and3A_992 = arith.andi %get3A_991, %broadcast_in_dim3A_707 : vector<16xi32>
    %add3A_993 = arith.addi %add3A_978, %and3A_992 : vector<16xi32>
    %shift_right_arithmetic3A_994 = arith.constant 14 : i32
    %shift_right_arithmetic3A_995 = vector.broadcast %shift_right_arithmetic3A_994 : i32 to vector<16xi32>
    %shift_right_arithmetic3A_996 = arith.shrsi %get3A_991, %shift_right_arithmetic3A_995 : vector<16xi32>
    %add3A_997 = arith.addi %add3A_982, %shift_right_arithmetic3A_996 : vector<16xi32>
    %get3A_998 = arith.constant 2 : i32
    %get3A_999 = arith.index_cast %get3A_998 : i32 to index
    %get3A_1000 = arith.constant 0 : index
    %get3A_1001 = tpu.vector_load %arg15[%get3A_999, %get3A_1000] {strides = array<i32>} : memref<16x17xf32, #tpu.memory_space<vmem>>, vector<16xf32>,
    %add3A_1002 = arith.addf %add3A_987, %get3A_1001 : vector<16xf32>
    %get3A_1003 = arith.constant 3 : i32
    %get3A_1004 = arith.index_cast %get3A_1003 : i32 to index
    %get3A_1005 = arith.constant 0 : index
    %get3A_1006 = tpu.vector_load %arg14[%get3A_1004, %get3A_1005] {strides = array<i32>} : memref<16x17xi32, #tpu.memory_space<vmem>>, vector<16xi32>,
    %and3A_1007 = arith.andi %get3A_1006, %broadcast_in_dim3A_707 : vector<16xi32>
    %add3A_1008 = arith.addi %add3A_993, %and3A_1007 : vector<16xi32>
    %shift_right_arithmetic3A_1009 = arith.constant 14 : i32
    %shift_right_arithmetic3A_1010 = vector.broadcast %shift_right_arithmetic3A_1009 : i32 to vector<16xi32>
    %shift_right_arithmetic3A_1011 = arith.shrsi %get3A_1006, %shift_right_arithmetic3A_1010 : vector<16xi32>
    %add3A_1012 = arith.addi %add3A_997, %shift_right_arithmetic3A_1011 : vector<16xi32>
    %get3A_1013 = arith.constant 3 : i32
    %get3A_1014 = arith.index_cast %get3A_1013 : i32 to index
    %get3A_1015 = arith.constant 0 : index
    %get3A_1016 = tpu.vector_load %arg15[%get3A_1014, %get3A_1015] {strides = array<i32>} : memref<16x17xf32, #tpu.memory_space<vmem>>, vector<16xf32>,
    %add3A_1017 = arith.addf %add3A_1002, %get3A_1016 : vector<16xf32>
    %get3A_1018 = arith.constant 4 : i32
    %get3A_1019 = arith.index_cast %get3A_1018 : i32 to index
    %get3A_1020 = arith.constant 0 : index
    %get3A_1021 = tpu.vector_load %arg14[%get3A_1019, %get3A_1020] {strides = array<i32>} : memref<16x17xi32, #tpu.memory_space<vmem>>, vector<16xi32>,
    %and3A_1022 = arith.andi %get3A_1021, %broadcast_in_dim3A_707 : vector<16xi32>
    %add3A_1023 = arith.addi %add3A_1008, %and3A_1022 : vector<16xi32>
    %shift_right_arithmetic3A_1024 = arith.constant 14 : i32
    %shift_right_arithmetic3A_1025 = vector.broadcast %shift_right_arithmetic3A_1024 : i32 to vector<16xi32>
    %shift_right_arithmetic3A_1026 = arith.shrsi %get3A_1021, %shift_right_arithmetic3A_1025 : vector<16xi32>
    %add3A_1027 = arith.addi %add3A_1012, %shift_right_arithmetic3A_1026 : vector<16xi32>
    %get3A_1028 = arith.constant 4 : i32
    %get3A_1029 = arith.index_cast %get3A_1028 : i32 to index
    %get3A_1030 = arith.constant 0 : index
    %get3A_1031 = tpu.vector_load %arg15[%get3A_1029, %get3A_1030] {strides = array<i32>} : memref<16x17xf32, #tpu.memory_space<vmem>>, vector<16xf32>,
    %add3A_1032 = arith.addf %add3A_1017, %get3A_1031 : vector<16xf32>
    %get3A_1033 = arith.constant 5 : i32
    %get3A_1034 = arith.index_cast %get3A_1033 : i32 to index
    %get3A_1035 = arith.constant 0 : index
    %get3A_1036 = tpu.vector_load %arg14[%get3A_1034, %get3A_1035] {strides = array<i32>} : memref<16x17xi32, #tpu.memory_space<vmem>>, vector<16xi32>,
    %and3A_1037 = arith.andi %get3A_1036, %broadcast_in_dim3A_707 : vector<16xi32>
    %add3A_1038 = arith.addi %add3A_1023, %and3A_1037 : vector<16xi32>
    %shift_right_arithmetic3A_1039 = arith.constant 14 : i32
    %shift_right_arithmetic3A_1040 = vector.broadcast %shift_right_arithmetic3A_1039 : i32 to vector<16xi32>
    %shift_right_arithmetic3A_1041 = arith.shrsi %get3A_1036, %shift_right_arithmetic3A_1040 : vector<16xi32>
    %add3A_1042 = arith.addi %add3A_1027, %shift_right_arithmetic3A_1041 : vector<16xi32>
    %get3A_1043 = arith.constant 5 : i32
    %get3A_1044 = arith.index_cast %get3A_1043 : i32 to index
    %get3A_1045 = arith.constant 0 : index
    %get3A_1046 = tpu.vector_load %arg15[%get3A_1044, %get3A_1045] {strides = array<i32>} : memref<16x17xf32, #tpu.memory_space<vmem>>, vector<16xf32>,
    %add3A_1047 = arith.addf %add3A_1032, %get3A_1046 : vector<16xf32>
    %get3A_1048 = arith.constant 6 : i32
    %get3A_1049 = arith.index_cast %get3A_1048 : i32 to index
    %get3A_1050 = arith.constant 0 : index
    %get3A_1051 = tpu.vector_load %arg14[%get3A_1049, %get3A_1050] {strides = array<i32>} : memref<16x17xi32, #tpu.memory_space<vmem>>, vector<16xi32>,
    %and3A_1052 = arith.andi %get3A_1051, %broadcast_in_dim3A_707 : vector<16xi32>
    %add3A_1053 = arith.addi %add3A_1038, %and3A_1052 : vector<16xi32>
    %shift_right_arithmetic3A_1054 = arith.constant 14 : i32
    %shift_right_arithmetic3A_1055 = vector.broadcast %shift_right_arithmetic3A_1054 : i32 to vector<16xi32>
    %shift_right_arithmetic3A_1056 = arith.shrsi %get3A_1051, %shift_right_arithmetic3A_1055 : vector<16xi32>
    %add3A_1057 = arith.addi %add3A_1042, %shift_right_arithmetic3A_1056 : vector<16xi32>
    %get3A_1058 = arith.constant 6 : i32
    %get3A_1059 = arith.index_cast %get3A_1058 : i32 to index
    %get3A_1060 = arith.constant 0 : index
    %get3A_1061 = tpu.vector_load %arg15[%get3A_1059, %get3A_1060] {strides = array<i32>} : memref<16x17xf32, #tpu.memory_space<vmem>>, vector<16xf32>,
    %add3A_1062 = arith.addf %add3A_1047, %get3A_1061 : vector<16xf32>
    %get3A_1063 = arith.constant 7 : i32
    %get3A_1064 = arith.index_cast %get3A_1063 : i32 to index
    %get3A_1065 = arith.constant 0 : index
    %get3A_1066 = tpu.vector_load %arg14[%get3A_1064, %get3A_1065] {strides = array<i32>} : memref<16x17xi32, #tpu.memory_space<vmem>>, vector<16xi32>,
    %and3A_1067 = arith.andi %get3A_1066, %broadcast_in_dim3A_707 : vector<16xi32>
    %add3A_1068 = arith.addi %add3A_1053, %and3A_1067 : vector<16xi32>
    %shift_right_arithmetic3A_1069 = arith.constant 14 : i32
    %shift_right_arithmetic3A_1070 = vector.broadcast %shift_right_arithmetic3A_1069 : i32 to vector<16xi32>
    %shift_right_arithmetic3A_1071 = arith.shrsi %get3A_1066, %shift_right_arithmetic3A_1070 : vector<16xi32>
    %add3A_1072 = arith.addi %add3A_1057, %shift_right_arithmetic3A_1071 : vector<16xi32>
    %get3A_1073 = arith.constant 7 : i32
    %get3A_1074 = arith.index_cast %get3A_1073 : i32 to index
    %get3A_1075 = arith.constant 0 : index
    %get3A_1076 = tpu.vector_load %arg15[%get3A_1074, %get3A_1075] {strides = array<i32>} : memref<16x17xf32, #tpu.memory_space<vmem>>, vector<16xf32>,
    %add3A_1077 = arith.addf %add3A_1062, %get3A_1076 : vector<16xf32>
    %get3A_1078 = arith.constant 8 : i32
    %get3A_1079 = arith.index_cast %get3A_1078 : i32 to index
    %get3A_1080 = arith.constant 0 : index
    %get3A_1081 = tpu.vector_load %arg14[%get3A_1079, %get3A_1080] {strides = array<i32>} : memref<16x17xi32, #tpu.memory_space<vmem>>, vector<16xi32>,
    %and3A_1082 = arith.andi %get3A_1081, %broadcast_in_dim3A_707 : vector<16xi32>
    %add3A_1083 = arith.addi %add3A_1068, %and3A_1082 : vector<16xi32>
    %shift_right_arithmetic3A_1084 = arith.constant 14 : i32
    %shift_right_arithmetic3A_1085 = vector.broadcast %shift_right_arithmetic3A_1084 : i32 to vector<16xi32>
    %shift_right_arithmetic3A_1086 = arith.shrsi %get3A_1081, %shift_right_arithmetic3A_1085 : vector<16xi32>
    %add3A_1087 = arith.addi %add3A_1072, %shift_right_arithmetic3A_1086 : vector<16xi32>
    %get3A_1088 = arith.constant 8 : i32
    %get3A_1089 = arith.index_cast %get3A_1088 : i32 to index
    %get3A_1090 = arith.constant 0 : index
    %get3A_1091 = tpu.vector_load %arg15[%get3A_1089, %get3A_1090] {strides = array<i32>} : memref<16x17xf32, #tpu.memory_space<vmem>>, vector<16xf32>,
    %add3A_1092 = arith.addf %add3A_1077, %get3A_1091 : vector<16xf32>
    %get3A_1093 = arith.constant 9 : i32
    %get3A_1094 = arith.index_cast %get3A_1093 : i32 to index
    %get3A_1095 = arith.constant 0 : index
    %get3A_1096 = tpu.vector_load %arg14[%get3A_1094, %get3A_1095] {strides = array<i32>} : memref<16x17xi32, #tpu.memory_space<vmem>>, vector<16xi32>,
    %and3A_1097 = arith.andi %get3A_1096, %broadcast_in_dim3A_707 : vector<16xi32>
    %add3A_1098 = arith.addi %add3A_1083, %and3A_1097 : vector<16xi32>
    %shift_right_arithmetic3A_1099 = arith.constant 14 : i32
    %shift_right_arithmetic3A_1100 = vector.broadcast %shift_right_arithmetic3A_1099 : i32 to vector<16xi32>
    %shift_right_arithmetic3A_1101 = arith.shrsi %get3A_1096, %shift_right_arithmetic3A_1100 : vector<16xi32>
    %add3A_1102 = arith.addi %add3A_1087, %shift_right_arithmetic3A_1101 : vector<16xi32>
    %get3A_1103 = arith.constant 9 : i32
    %get3A_1104 = arith.index_cast %get3A_1103 : i32 to index
    %get3A_1105 = arith.constant 0 : index
    %get3A_1106 = tpu.vector_load %arg15[%get3A_1104, %get3A_1105] {strides = array<i32>} : memref<16x17xf32, #tpu.memory_space<vmem>>, vector<16xf32>,
    %add3A_1107 = arith.addf %add3A_1092, %get3A_1106 : vector<16xf32>
    %get3A_1108 = arith.constant 10 : i32
    %get3A_1109 = arith.index_cast %get3A_1108 : i32 to index
    %get3A_1110 = arith.constant 0 : index
    %get3A_1111 = tpu.vector_load %arg14[%get3A_1109, %get3A_1110] {strides = array<i32>} : memref<16x17xi32, #tpu.memory_space<vmem>>, vector<16xi32>,
    %and3A_1112 = arith.andi %get3A_1111, %broadcast_in_dim3A_707 : vector<16xi32>
    %add3A_1113 = arith.addi %add3A_1098, %and3A_1112 : vector<16xi32>
    %shift_right_arithmetic3A_1114 = arith.constant 14 : i32
    %shift_right_arithmetic3A_1115 = vector.broadcast %shift_right_arithmetic3A_1114 : i32 to vector<16xi32>
    %shift_right_arithmetic3A_1116 = arith.shrsi %get3A_1111, %shift_right_arithmetic3A_1115 : vector<16xi32>
    %add3A_1117 = arith.addi %add3A_1102, %shift_right_arithmetic3A_1116 : vector<16xi32>
    %get3A_1118 = arith.constant 10 : i32
    %get3A_1119 = arith.index_cast %get3A_1118 : i32 to index
    %get3A_1120 = arith.constant 0 : index
    %get3A_1121 = tpu.vector_load %arg15[%get3A_1119, %get3A_1120] {strides = array<i32>} : memref<16x17xf32, #tpu.memory_space<vmem>>, vector<16xf32>,
    %add3A_1122 = arith.addf %add3A_1107, %get3A_1121 : vector<16xf32>
    %get3A_1123 = arith.constant 11 : i32
    %get3A_1124 = arith.index_cast %get3A_1123 : i32 to index
    %get3A_1125 = arith.constant 0 : index
    %get3A_1126 = tpu.vector_load %arg14[%get3A_1124, %get3A_1125] {strides = array<i32>} : memref<16x17xi32, #tpu.memory_space<vmem>>, vector<16xi32>,
    %and3A_1127 = arith.andi %get3A_1126, %broadcast_in_dim3A_707 : vector<16xi32>
    %add3A_1128 = arith.addi %add3A_1113, %and3A_1127 : vector<16xi32>
    %shift_right_arithmetic3A_1129 = arith.constant 14 : i32
    %shift_right_arithmetic3A_1130 = vector.broadcast %shift_right_arithmetic3A_1129 : i32 to vector<16xi32>
    %shift_right_arithmetic3A_1131 = arith.shrsi %get3A_1126, %shift_right_arithmetic3A_1130 : vector<16xi32>
    %add3A_1132 = arith.addi %add3A_1117, %shift_right_arithmetic3A_1131 : vector<16xi32>
    %get3A_1133 = arith.constant 11 : i32
    %get3A_1134 = arith.index_cast %get3A_1133 : i32 to index
    %get3A_1135 = arith.constant 0 : index
    %get3A_1136 = tpu.vector_load %arg15[%get3A_1134, %get3A_1135] {strides = array<i32>} : memref<16x17xf32, #tpu.memory_space<vmem>>, vector<16xf32>,
    %add3A_1137 = arith.addf %add3A_1122, %get3A_1136 : vector<16xf32>
    %get3A_1138 = arith.constant 12 : i32
    %get3A_1139 = arith.index_cast %get3A_1138 : i32 to index
    %get3A_1140 = arith.constant 0 : index
    %get3A_1141 = tpu.vector_load %arg14[%get3A_1139, %get3A_1140] {strides = array<i32>} : memref<16x17xi32, #tpu.memory_space<vmem>>, vector<16xi32>,
    %and3A_1142 = arith.andi %get3A_1141, %broadcast_in_dim3A_707 : vector<16xi32>
    %add3A_1143 = arith.addi %add3A_1128, %and3A_1142 : vector<16xi32>
    %shift_right_arithmetic3A_1144 = arith.constant 14 : i32
    %shift_right_arithmetic3A_1145 = vector.broadcast %shift_right_arithmetic3A_1144 : i32 to vector<16xi32>
    %shift_right_arithmetic3A_1146 = arith.shrsi %get3A_1141, %shift_right_arithmetic3A_1145 : vector<16xi32>
    %add3A_1147 = arith.addi %add3A_1132, %shift_right_arithmetic3A_1146 : vector<16xi32>
    %get3A_1148 = arith.constant 12 : i32
    %get3A_1149 = arith.index_cast %get3A_1148 : i32 to index
    %get3A_1150 = arith.constant 0 : index
    %get3A_1151 = tpu.vector_load %arg15[%get3A_1149, %get3A_1150] {strides = array<i32>} : memref<16x17xf32, #tpu.memory_space<vmem>>, vector<16xf32>,
    %add3A_1152 = arith.addf %add3A_1137, %get3A_1151 : vector<16xf32>
    %get3A_1153 = arith.constant 13 : i32
    %get3A_1154 = arith.index_cast %get3A_1153 : i32 to index
    %get3A_1155 = arith.constant 0 : index
    %get3A_1156 = tpu.vector_load %arg14[%get3A_1154, %get3A_1155] {strides = array<i32>} : memref<16x17xi32, #tpu.memory_space<vmem>>, vector<16xi32>,
    %and3A_1157 = arith.andi %get3A_1156, %broadcast_in_dim3A_707 : vector<16xi32>
    %add3A_1158 = arith.addi %add3A_1143, %and3A_1157 : vector<16xi32>
    %shift_right_arithmetic3A_1159 = arith.constant 14 : i32
    %shift_right_arithmetic3A_1160 = vector.broadcast %shift_right_arithmetic3A_1159 : i32 to vector<16xi32>
    %shift_right_arithmetic3A_1161 = arith.shrsi %get3A_1156, %shift_right_arithmetic3A_1160 : vector<16xi32>
    %add3A_1162 = arith.addi %add3A_1147, %shift_right_arithmetic3A_1161 : vector<16xi32>
    %get3A_1163 = arith.constant 13 : i32
    %get3A_1164 = arith.index_cast %get3A_1163 : i32 to index
    %get3A_1165 = arith.constant 0 : index
    %get3A_1166 = tpu.vector_load %arg15[%get3A_1164, %get3A_1165] {strides = array<i32>} : memref<16x17xf32, #tpu.memory_space<vmem>>, vector<16xf32>,
    %add3A_1167 = arith.addf %add3A_1152, %get3A_1166 : vector<16xf32>
    %get3A_1168 = arith.constant 14 : i32
    %get3A_1169 = arith.index_cast %get3A_1168 : i32 to index
    %get3A_1170 = arith.constant 0 : index
    %get3A_1171 = tpu.vector_load %arg14[%get3A_1169, %get3A_1170] {strides = array<i32>} : memref<16x17xi32, #tpu.memory_space<vmem>>, vector<16xi32>,
    %and3A_1172 = arith.andi %get3A_1171, %broadcast_in_dim3A_707 : vector<16xi32>
    %add3A_1173 = arith.addi %add3A_1158, %and3A_1172 : vector<16xi32>
    %shift_right_arithmetic3A_1174 = arith.constant 14 : i32
    %shift_right_arithmetic3A_1175 = vector.broadcast %shift_right_arithmetic3A_1174 : i32 to vector<16xi32>
    %shift_right_arithmetic3A_1176 = arith.shrsi %get3A_1171, %shift_right_arithmetic3A_1175 : vector<16xi32>
    %add3A_1177 = arith.addi %add3A_1162, %shift_right_arithmetic3A_1176 : vector<16xi32>
    %get3A_1178 = arith.constant 14 : i32
    %get3A_1179 = arith.index_cast %get3A_1178 : i32 to index
    %get3A_1180 = arith.constant 0 : index
    %get3A_1181 = tpu.vector_load %arg15[%get3A_1179, %get3A_1180] {strides = array<i32>} : memref<16x17xf32, #tpu.memory_space<vmem>>, vector<16xf32>,
    %add3A_1182 = arith.addf %add3A_1167, %get3A_1181 : vector<16xf32>
    %get3A_1183 = arith.constant 15 : i32
    %get3A_1184 = arith.index_cast %get3A_1183 : i32 to index
    %get3A_1185 = arith.constant 0 : index
    %get3A_1186 = tpu.vector_load %arg14[%get3A_1184, %get3A_1185] {strides = array<i32>} : memref<16x17xi32, #tpu.memory_space<vmem>>, vector<16xi32>,
    %and3A_1187 = arith.andi %get3A_1186, %broadcast_in_dim3A_707 : vector<16xi32>
    %add3A_1188 = arith.addi %add3A_1173, %and3A_1187 : vector<16xi32>
    %shift_right_arithmetic3A_1189 = arith.constant 14 : i32
    %shift_right_arithmetic3A_1190 = vector.broadcast %shift_right_arithmetic3A_1189 : i32 to vector<16xi32>
    %shift_right_arithmetic3A_1191 = arith.shrsi %get3A_1186, %shift_right_arithmetic3A_1190 : vector<16xi32>
    %add3A_1192 = arith.addi %add3A_1177, %shift_right_arithmetic3A_1191 : vector<16xi32>
    %get3A_1193 = arith.constant 15 : i32
    %get3A_1194 = arith.index_cast %get3A_1193 : i32 to index
    %get3A_1195 = arith.constant 0 : index
    %get3A_1196 = tpu.vector_load %arg15[%get3A_1194, %get3A_1195] {strides = array<i32>} : memref<16x17xf32, #tpu.memory_space<vmem>>, vector<16xf32>,
    %add3A_1197 = arith.addf %add3A_1182, %get3A_1196 : vector<16xf32>
    %convert_element_type3A_1198 = arith.sitofp %add3A_1188 : vector<16xi32> to vector<16xf32>
    %swap3A_1199 = arith.constant 3 : i32
    %swap3A_1200 = arith.index_cast %swap3A_1199 : i32 to index
    %swap3A_1201 = arith.constant 0 : index
    %swap3A_1202 = tpu.vector_load %arg11[%swap3A_1200, %swap3A_1201] {strides = array<i32>} : memref<6x16xf32, #tpu.memory_space<vmem>>, vector<16xf32>,
    tpu.vector_store %arg11[%swap3A_1200, %swap3A_1201], %convert_element_type3A_1198 {strides = array<i32>} : memref<6x16xf32, #tpu.memory_space<vmem>>, vector<16xf32>,
    %swap3A_1203 = arith.constant 4 : i32
    %swap3A_1204 = arith.index_cast %swap3A_1203 : i32 to index
    %swap3A_1205 = arith.constant 0 : index
    %swap3A_1206 = tpu.vector_load %arg11[%swap3A_1204, %swap3A_1205] {strides = array<i32>} : memref<6x16xf32, #tpu.memory_space<vmem>>, vector<16xf32>,
    tpu.vector_store %arg11[%swap3A_1204, %swap3A_1205], %add3A_1197 {strides = array<i32>} : memref<6x16xf32, #tpu.memory_space<vmem>>, vector<16xf32>,
    %convert_element_type3A_1207 = arith.sitofp %add3A_1192 : vector<16xi32> to vector<16xf32>
    %swap3A_1208 = arith.constant 5 : i32
    %swap3A_1209 = arith.index_cast %swap3A_1208 : i32 to index
    %swap3A_1210 = arith.constant 0 : index
    %swap3A_1211 = tpu.vector_load %arg11[%swap3A_1209, %swap3A_1210] {strides = array<i32>} : memref<6x16xf32, #tpu.memory_space<vmem>>, vector<16xf32>,
    tpu.vector_store %arg11[%swap3A_1209, %swap3A_1210], %convert_element_type3A_1207 {strides = array<i32>} : memref<6x16xf32, #tpu.memory_space<vmem>>, vector<16xf32>,
    "tpu.region"() ({
      %run_scoped3A = tpu.sem_alloc : memref<!tpu.dma_semaphore, #tpu.memory_space<semaphore_mem>>
      %dma_start3A_1212 = arith.constant 0 : i32
      %dma_start3A_1213 = arith.constant 0 : i32
      %dma_start3A_1214 = tpu.memref_slice %arg4[%add3A, %dma_start3A_1212, %dma_start3A_1213] : memref<32x6x16xf32, #tpu.memory_space<hbm>> -> memref<1x6x16xf32, #tpu.memory_space<hbm>>
      %dma_start3A_1215 = tpu.memref_squeeze %dma_start3A_1214 : memref<1x6x16xf32, #tpu.memory_space<hbm>> -> memref<6x16xf32, #tpu.memory_space<hbm>>
      %dma_start3A_1216 = arith.constant 0 : i32
      %dma_start3A_1217 = arith.constant 0 : i32
      %dma_start3A_1218 = tpu.memref_slice %arg4[%add3A, %dma_start3A_1216, %dma_start3A_1217] : memref<32x6x16xf32, #tpu.memory_space<hbm>> -> memref<1x6x16xf32, #tpu.memory_space<hbm>>
      %dma_start3A_1219 = tpu.memref_squeeze %dma_start3A_1218 : memref<1x6x16xf32, #tpu.memory_space<hbm>> -> memref<6x16xf32, #tpu.memory_space<hbm>>
      tpu.enqueue_dma source(%arg11 : memref<6x16xf32, #tpu.memory_space<vmem>>) target(%dma_start3A_1219 : memref<6x16xf32, #tpu.memory_space<hbm>>) target_semaphore(%run_scoped3A : memref<!tpu.dma_semaphore, #tpu.memory_space<semaphore_mem>>)
      %dma_wait3A_1220 = arith.constant 0 : i32
      %dma_wait3A_1221 = arith.constant 0 : i32
      %dma_wait3A_1222 = tpu.memref_slice %arg4[%add3A, %dma_wait3A_1220, %dma_wait3A_1221] : memref<32x6x16xf32, #tpu.memory_space<hbm>> -> memref<1x6x16xf32, #tpu.memory_space<hbm>>
      %dma_wait3A_1223 = tpu.memref_squeeze %dma_wait3A_1222 : memref<1x6x16xf32, #tpu.memory_space<hbm>> -> memref<6x16xf32, #tpu.memory_space<hbm>>
      %dma_wait3A_1224 = arith.constant 0 : i32
      %dma_wait3A_1225 = arith.constant 0 : i32
      %dma_wait3A_1226 = tpu.memref_slice %arg4[%add3A, %dma_wait3A_1224, %dma_wait3A_1225] : memref<32x6x16xf32, #tpu.memory_space<hbm>> -> memref<1x6x16xf32, #tpu.memory_space<hbm>>
      %dma_wait3A_1227 = tpu.memref_squeeze %dma_wait3A_1226 : memref<1x6x16xf32, #tpu.memory_space<hbm>> -> memref<6x16xf32, #tpu.memory_space<hbm>>
      tpu.wait_dma2 semaphore(%run_scoped3A : memref<!tpu.dma_semaphore, #tpu.memory_space<semaphore_mem>>) src(%arg11 : memref<6x16xf32, #tpu.memory_space<vmem>>) dst(%dma_wait3A_1227 : memref<6x16xf32, #tpu.memory_space<hbm>>)
      tpu.yield
    }) : () -> ()
    return
  }
}

</mosaic_0001>

<sc_bundles>
// kernel: kernel.3.cloned.1.call-start
scs
__scs_entry_jumppad:
0x0: {  	(pc) =	sbr.rel $0x88, $3  }
0x1: {  	(tag) =	ssettag $0x0;
	lr =	simm.s32 $0x1  }
0x2: {  	[smem:$0x3F9F] =	sst lr;
	_ =	strace $0xD0000000  }
0x3: {  	_ = 	snop  }
0x4: {  	_ = 	snop  }
0x5: {  	_ = 	snop  }
0x6: {  	_ = 	snop  }
0x7: {  	_ = 	snop  }
__scs_overlays_trampoline_lowered:
0x8: {  	[smem:$0x3FAE] =	sst s0  }
0x9: {  	[smem:$0x3FAF] =	sst s1  }
0xa: {  	[smem:$0x3FB0] =	sst s2  }
0xb: {  	[smem:$0x3FB1] =	sst s3  }
0xc: {  	[smem:$0x3FB2] =	sst s4  }
0xd: {  	[smem:$0x3FB3] =	sst s5  }
0xe: {  	[smem:$0x3FB4] =	sst s6  }
0xf: {  	[smem:$0x3FB5] =	sst s7  }
0x10: {  	[smem:$0x3FB6] =	sst s8  }
0x11: {  	[smem:$0x3FB7] =	sst s9;
	s0 =	simm.s32 @!p0 $0x0  }
0x12: {  	s1 =	sld [smem:$0x3F9D];
	s0 =	simm.s32 @p0 $0x1  }
0x13: {  	[smem:$0x3FB8] =	sst s0;
	s0 =	simm.s32 @!p1 $0x0  }
0x14: {  	s2 =	sld [smem:$0x3F9C];
	s0 =	simm.s32 @p1 $0x1  }
0x15: {  	[smem:$0x3FB9] =	sst s0;
	s0 =	simm.s32 @!p2 $0x0  }
0x16: {  	s3 =	sld [smem:$0x3FDB];
	s0 =	simm.s32 @p2 $0x1  }
0x17: {  	s4 =	simm.s32 $0x1BF5;
	[smem:$0x3FBB] =	sst s0  }
0x18: {  	s0 =	sld [smem:$0x3F9E];
	_ =	swait.ge [sflag:s4], $0x0  }
0x19: {  	s7 =	sld [smem:$0x3F9F]  }
0x1a: {  	s8 =	sadd.s32 $0xFFFFE003, lr  }
0x1b: {  	s9 =	sadd.s32 $0xFFFFFEF7, lr;
	s5 =	simm.s32 $0xFFFFFFFF;
	p2 =	slt.u32 s8, $0xFFFFF086  }
0x1c: {  	p1 =	slt.u32 s9, $0xF7A;
	s5 =	simm.s32 @!p2 $0x0  }
0x1d: {  	s5 =	simm.s32 @p1 $0x1;
	p0 =	seq.s32 s7, s2  }
0x1e: {  	s7 =	smul.u32 @!p0 $0xF7A, s2;
	p2 =	seq.s32 @!p0 s5, $0x0  }
0x1f: {  	s9 =	smul.u32 $0xF7A, s1;
	s8 =	simm.s32 @!p0 $0x1BF5;
	p2 =	por !p2, p0  }
0x20: {  	[sflag:s8] =	ssyncset.s32 @!p0 $0xFFFFF086;
	s6 =	sadd.s32 @!p0 s3, s7;
	s7 =	simm.s32 @!p0 $0x108  }
0x21: {  	s3 =	sadd.s32 s3, s9;
	s6 =	sadd.s32 @!p0 $0x88, s6;
	s7 =	simm.s32 @p2 $0x1082  }
0x22: {  	[simem:s7], [sflag:s8] =	dma.local @!p0 [hbm:s6], $0xF7A  }
0x23: {  	s9 =	sor.u32 $0xD0000000, s2;
	s6 =	simm.s32 $0x108;
	_ =	swait.ge @!p0 [sflag:s8], $0x0  }
0x24: {  	s3 =	sadd.s32 $0x88, s3;
	s6 =	simm.s32 @!p1 $0x1082;
	[sflag:s4] =	ssyncset.s32 $0xFFFFF086  }
0x25: {  	[simem:s6], [sflag:s4] =	dma.local [hbm:s3], $0xF7A  }
0x26: {  	[smem:$0x3F9F] =	sst s1;
	(tag) =	ssettag s2;
	_ =	strace s9  }
0x27: {  	s1 =	sld [smem:$0x3FAF]  }
0x28: {  	s2 =	sld [smem:$0x3FB0]  }
0x29: {  	s4 =	sld [smem:$0x3FB2]  }
0x2a: {  	p0 =	seq.s32 s5, $0x0;
	s5 =	sld [smem:$0x3FB3]  }
0x2b: {  	s6 =	sld [smem:$0x3FB4]  }
0x2c: {  	s7 =	sld [smem:$0x3FB5]  }
0x2d: {  	s3 =	simm.s32 $0x108;
	s8 =	sld [smem:$0x3FB6]  }
0x2e: {  	s3 =	simm.s32 @!p0 $0x1082;
	s9 =	sld [smem:$0x3FB7]  }
0x2f: {  	lr =	sadd.s32 s0, s3;
	s0 =	sld [smem:$0x3FAE]  }
0x30: {  	s3 =	sld [smem:$0x3FB1]  }
0x31: {  	[smem:$0x3FBA] =	sst s10  }
0x32: {  	s10 =	sld [smem:$0x3FB8];
	_ =	sdelay $0x3  }
0x33: {  	p0 =	seq.s32 s10, $0x1;
	s10 =	sld [smem:$0x3FBA];
	_ =	sdelay $0x3  }
0x34: {  	[smem:$0x3FBA] =	sst s10  }
0x35: {  	s10 =	sld [smem:$0x3FB9];
	_ =	sdelay $0x3  }
0x36: {  	p1 =	seq.s32 s10, $0x1;
	s10 =	sld [smem:$0x3FBA];
	_ =	sdelay $0x3  }
0x37: {  	[smem:$0x3FBA] =	sst s10  }
0x38: {  	s10 =	sld [smem:$0x3FBB]  }
0x39: {  	_ = 	snop;
	(pc) =	sbr.ind lr, $3  }
0x3a: {  	_ = 	snop  }
0x3b: {  	_ = 	snop  }
0x3c: {  	p2 =	seq.s32 s10, $0x1;
	s10 =	sld [smem:$0x3FBA]  }
0x3d: {  	_ =	shalt  }
0x3e: {  	_ =	shalt  }
0x3f: {  	_ =	shalt  }
0x40: {  	_ =	shalt  }
0x41: {  	_ =	shalt  }
0x42: {  	_ =	shalt  }
0x43: {  	_ =	shalt  }
0x44: {  	_ =	shalt  }
0x45: {  	_ =	shalt  }
0x46: {  	_ =	shalt  }
0x47: {  	_ =	shalt  }
0x48: {  	_ =	shalt  }
0x49: {  	_ =	shalt  }
0x4a: {  	_ =	shalt  }
0x4b: {  	_ =	shalt  }
0x4c: {  	_ =	shalt  }
0x4d: {  	_ =	shalt  }
0x4e: {  	_ =	shalt  }
0x4f: {  	_ =	shalt  }
0x50: {  	_ =	shalt  }
0x51: {  	_ =	shalt  }
0x52: {  	_ =	shalt  }
0x53: {  	_ =	shalt  }
0x54: {  	_ =	shalt  }
0x55: {  	_ =	shalt  }
0x56: {  	_ =	shalt  }
0x57: {  	_ =	shalt  }
0x58: {  	_ =	shalt  }
0x59: {  	_ =	shalt  }
0x5a: {  	_ =	shalt  }
0x5b: {  	_ =	shalt  }
0x5c: {  	_ =	shalt  }
0x5d: {  	_ =	shalt  }
0x5e: {  	_ =	shalt  }
0x5f: {  	_ =	shalt  }
0x60: {  	_ =	shalt  }
0x61: {  	_ =	shalt  }
0x62: {  	_ =	shalt  }
0x63: {  	_ =	shalt  }
0x64: {  	_ =	shalt  }
0x65: {  	_ =	shalt  }
0x66: {  	_ =	shalt  }
0x67: {  	_ =	shalt  }
0x68: {  	_ =	shalt  }
0x69: {  	_ =	shalt  }
0x6a: {  	_ =	shalt  }
0x6b: {  	_ =	shalt  }
0x6c: {  	_ =	shalt  }
0x6d: {  	_ =	shalt  }
0x6e: {  	_ =	shalt  }
0x6f: {  	_ =	shalt  }
0x70: {  	_ =	shalt  }
0x71: {  	_ =	shalt  }
0x72: {  	_ =	shalt  }
0x73: {  	_ =	shalt  }
0x74: {  	_ =	shalt  }
0x75: {  	_ =	shalt  }
0x76: {  	_ =	shalt  }
0x77: {  	_ =	shalt  }
0x78: {  	_ =	shalt  }
0x79: {  	_ =	shalt  }
0x7a: {  	_ =	shalt  }
0x7b: {  	_ =	shalt  }
0x7c: {  	_ =	shalt  }
0x7d: {  	_ =	shalt  }
0x7e: {  	_ =	shalt  }
0x7f: {  	_ =	shalt  }
0x80: {  	_ =	shalt  }
0x81: {  	_ =	shalt  }
0x82: {  	_ =	shalt  }
0x83: {  	_ =	shalt  }
0x84: {  	_ =	shalt  }
0x85: {  	_ =	shalt  }
0x86: {  	_ =	shalt  }
0x87: {  	_ =	shalt  }
.Lfunc_end0:
.L_simem_size_0:
called_computation_lowered:
.L_overlay_start_0:
0x88: {  	s2 =	sld [smem:$0x3FD9]  }
0x89: {  	s3 =	sld [smem:$0x3FFE];
	_ =	sdelay $0x1  }
0x8a: {  	s1 =	srdreg.scid  }
0x8b: {  	s0 =	sand.u32 $0x1, s1  }
0x8c: {  	s17 =	sshll.u32 s0, $0xA;
	s2 =	sadd.s32 s3, s2  }
0x8d: {  	s2 =	sadd.s32 s2, s17  }
0x8e: {  	[smem:$0x3FC6] =	sst s2  }
0x8f: {  	_ = 	snop  }
0x90: {  	s2 =	sld [smem:$0x3FC9]  }
0x91: {  	s18 =	sld [smem:$0x3FC8];
	(tm) =	ssettm $0x1  }
0x92: {  	s4 =	sld [smem:$0x3FFB];
	_ =	sdelay $0x3  }
0x93: {  	_ =	strace s4  }
0x94: {  	s4 =	sld [smem:$0x3FFC];
	_ =	sdelay $0x3  }
0x95: {  	_ =	strace s4  }
0x96: {  	s4 =	sld [smem:$0x3FFD];
	_ =	sdelay $0x3  }
0x97: {  	_ =	strace s4  }
0x98: {  	_ =	strace $0x8FFFFFFF  }
0x99: {  	s19 =	sld [smem:$0x3FDB];
	_ =	sdelay $0x1  }
0x9a: {  	s5 =	simm.s32 $_scs_section_size  }
0x9b: {  	s6 =	simm.s32 $_size__tile_overlayer_lowered;
	s7 =	simm.s32 $_tile_overlayer_lowered  }
0x9c: {  	s22 =	simm.s32 $0x1BFF;
	s21 =	sshll.u32 s7, $0x1;
	s4 =	sadd.s32 s5, s19  }
0x9d: {  	s8 =	simm.s32 $0x0;
	s20 =	sshll.u32 s6, $0x1;
	s6 =	sadd.s32 s21, s4  }
0x9e: {  	[timem:s8], [sflag:s22] =	dma.local [hbm:s6], s20  }
0x9f: {  	_ =	swait.ge [sflag:s22], s20  }
0xa0: {  	s5 =	ssub.s32 $0x0, s20;
	[sflag:s22] =	ssyncset.done $0x0  }
0xa1: {  	[sflag:s22] =	ssyncadd.s32 s5;
	_ =	sdelay $0x1  }
0xa2: {  	s23 =	simm.s32 $0x1B8B  }
0xa3: {  	_ =	swait.ge [sflag:s23], $0x1  }
0xa4: {  	[sflag:s23] =	ssyncset.done $0x0  }
0xa5: {  	s25 =	simm.s32 $0x1B8E;
	s24 =	sld [smem:$0x3FFE];
	[sflag:s23] =	ssyncadd.s32 $0xFFFFFFFF  }
0xa6: {  	s26 =	simm.s32 $execute0_lowered;
	[smem:$0x3FD2] =	sst s25  }
0xa7: {  	s6 =	sshll.u32 s26, $0x1;
	_ =	strace $0x80000046;
	[dreg:$0x1] =	wrdreg $0xFFFFFFFF  }
0xa8: {  	s28 =	simm.s32 $_size_execute0_lowered;
	s4 =	sadd.s32 s4, s6;
	[dreg:$0x0] =	wrdreg $0x0  }
0xa9: {  	s6 =	sshll.u32 s28, $0x1;
	[dreg:$0x2] =	wrdreg s4  }
0xaa: {  	[dreg:$0x3] =	wrdreg s6  }
0xab: {  	[dreg:$0x4] =	wrdreg $0xC0  }
0xac: {  	_ =	task [dreg:s8], $0x5FFFF  }
0xad: {  	[dreg:$0x1] =	wrdreg $0xFFFFFFFF  }
0xae: {  	[dreg:$0x0] =	wrdreg $0x60  }
0xaf: {  	[dreg:$0x2] =	wrdreg s2  }
0xb0: {  	[dreg:$0x3] =	wrdreg s18  }
0xb1: {  	[dreg:$0x4] =	wrdreg s24  }
0xb2: {  	[dreg:$0x5] =	wrdreg $0x9  }
0xb3: {  	_ =	task.clear_ibuf [dreg:s8], $0x6FFFF;
	_ =	strace $0x90000046  }
0xb4: {  	s29 =	simm.s32 $0x9;
	_ =	strace $0x80000048  }
0xb5: {  	_ =	swait.ge [sflag:s29], $0x1  }
0xb6: {  	[sflag:s29] =	ssyncadd.s32 $0xFFFFFFFF  }
0xb7: {  	_ =	strace $0x90000048  }
0xb8: {  	_ =	sfence  }
0xb9: {  	s30 =	sld [smem:$0x0];
	_ =	sdelay $0x2  }
0xba: {  	s31 =	sshll.u32 s1, $0xD;
	s1 =	sshrl.u32 s1, $0x2  }
0xbb: {  	s3 =	sand.u32 $0x4000, s31;
	s1 =	sadd.s32 s1, s30  }
0xbc: {  	s0 =	sor.u32 s3, s0;
	s1 =	sshll.u32 s1, $0x11  }
0xbd: {  	s0 =	sor.u32 s1, s0  }
0xbe: {  	s0 =	sadd.s32 $0x8F2B, s0  }
0xbf: {  	[sflag:s0] =	ssyncadd.remote.s32 $0x1  }
0xc0: {  	_ =	sfence.sel $0xFFFF  }
0xc1: {  	[dreg:$0x0] =	wrdreg $0xFFFFFFFF;
	(pc) =	sbr.abs _section_cstart, $3  }
0xc2: {  	[dreg:$0x1] =	wrdreg $0xFFFFFFFF  }
0xc3: {  	_ =	task.clear_ibuf [dreg:s8], $0x2FFFF;
	_ =	strace $0x9FFFFFFF  }
0xc4: {  	(tm) =	ssettm $0x7FFFFFFF  }
0xc5: {  	_ =	shalt  }
tec
execute0_lowered:
.L_overlay_start_1:
0x0: {  	(tag) =	ssettag $0x1  }
0x1: {  	s0 =	rddreg [dreg:$0x0]  }
0x2: {  	s1 =	rddreg [dreg:$0x1]  }
0x3: {  	s3 =	rddreg [dreg:$0x2];
	s2 =	simm.s32 $0x0  }
0x4: {  	s4 =	srdreg.scid;
	s5 =	stileid.u32;
	s30 =	simm.s32 $0x8000  }
0x5: {  	[smem:$0x7FF] =	sst s2;
	s4 =	sand.u32 $0x1, s4;
	s5 =	sshll.u32 s5, $0x1  }
0x6: {  	s31 =	simm.s32 $0x10000;
	_ =	strace $0x80000047;
	s5 =	sor.u32 s4, s5  }
0x7: {  	s4 =	ssub.s32 $0x2, s4;
	s6 =	sshll.u32 s5, $0x7;
	s5 =	sshll.u32 s5, $0xE  }
0x8: {  	s6 =	sadd.s32 s6, s3;
	s3 =	sadd.s32 s0, s5;
	s8 =	sadd.s32 s1, s5  }
0x9: {  	s13 =	sor.u32 $0x800, s5;
	s12 =	sadd.s32 $0x80000, s3;
	[dreg:$0x5] =	wrdreg s8  }
0xa: {  	s7 =	sshrl.u32 s4, $0x1;
	s14 =	sadd.s32 s0, s13;
	[dreg:$0x4] =	wrdreg s12  }
0xb: {  	s4 =	ssub.s32 s4, s7;
	s9 =	sadd.s32 $0x80800, s3;
	[dreg:$0x6] =	wrdreg s14  }
0xc: {  	s15 =	sor.u32 $0x1000, s5;
	s7 =	sadd.s32 s1, s13;
	[dreg:$0x7] =	wrdreg s9  }
0xd: {  	s10 =	simm.s32 $0x0;
	s16 =	sadd.s32 s0, s15;
	[dreg:$0x8] =	wrdreg s7  }
0xe: {  	s19 =	sor.u32 $0x1800, s5;
	s17 =	sadd.s32 $0x81000, s3;
	[dreg:$0x9] =	wrdreg s16  }
0xf: {  	s22 =	sor.u32 $0x2000, s5;
	s18 =	sadd.s32 s1, s15;
	[dreg:$0xa] =	wrdreg s17  }
0x10: {  	s24 =	sor.u32 $0x2800, s5;
	s20 =	sadd.s32 s0, s19;
	[dreg:$0xb] =	wrdreg s18  }
0x11: {  	s26 =	sor.u32 $0x3000, s5;
	s21 =	sadd.s32 $0x81800, s3;
	[dreg:$0xc] =	wrdreg s20  }
0x12: {  	s5 =	sor.u32 $0x3800, s5;
	s23 =	sadd.s32 s0, s22;
	[dreg:$0xd] =	wrdreg s21  }
0x13: {  	s8 =	sadd.s32 s1, s22;
	s25 =	sadd.s32 s0, s24;
	[dreg:$0xf] =	wrdreg s23  }
0x14: {  	s22 =	sadd.s32 s1, s5;
	s28 =	sadd.s32 $0x83000, s3;
	[dreg:$0x10] =	wrdreg s8  }
0x15: {  	s29 =	sadd.s32 $0x83800, s3;
	s7 =	sadd.s32 s1, s19;
	[dreg:$0x11] =	wrdreg s25  }
0x16: {  	s19 =	sadd.s32 s0, s26;
	s20 =	sadd.s32 s1, s26;
	s21 =	sadd.s32 s0, s5  }
0x17: {  	s23 =	sadd.s32 $0x82000, s3;
	s25 =	smax.u32 s4, $0x1;
	s26 =	sadd.s32 $0x82800, s3  }
0x18: {  	s0 =	simm.s32 $0x1;
	s4 =	simm.s32 $0xC000;
	s5 =	simm.s32 $0x14000  }
0x19: {  	s8 =	simm.s32 $0x2;
	s9 =	simm.s32 $0x3;
	[dreg:$0xe] =	wrdreg s7  }
0x1a: {  	v2 =	vlaneseq.u32;
	s7 =	sadd.s32 s1, s24;
	s24 =	sadd.s32 $0x200, s6;
	s1 =	simm.s32 $0x4000  }
0x1b: {  	v0 =	vimm.s32 $0x0;
	v1 =	vimm.f32 $0.0e+00;
	v2 =	vmul.u32 $0x80, v2;
	s6 =	simm.s32 $0x18400;
	[dreg:$0x12] =	wrdreg s7;
	s7 =	simm.s32 $0x19400  }
.LBB2_1:
0x1c: {  	[tilespmem:$0x18400] =	vst v0  }
0x1d: {  	[tilespmem:$0x18480] =	vst v0  }
0x1e: {  	[tilespmem:$0x18500] =	vst v0  }
0x1f: {  	[tilespmem:$0x18580] =	vst v0  }
0x20: {  	[tilespmem:$0x18600] =	vst v0  }
0x21: {  	[tilespmem:$0x18680] =	vst v0  }
0x22: {  	[tilespmem:$0x18700] =	vst v0  }
0x23: {  	[tilespmem:$0x18780] =	vst v0  }
0x24: {  	[tilespmem:$0x18800] =	vst v0  }
0x25: {  	[tilespmem:$0x18880] =	vst v0  }
0x26: {  	[tilespmem:$0x18900] =	vst v0  }
0x27: {  	[tilespmem:$0x18980] =	vst v0  }
0x28: {  	[tilespmem:$0x18A00] =	vst v0  }
0x29: {  	[tilespmem:$0x18A80] =	vst v0  }
0x2a: {  	[tilespmem:$0x18B00] =	vst v0  }
0x2b: {  	[tilespmem:$0x18B80] =	vst v0  }
0x2c: {  	[tilespmem:$0x18C00] =	vst v1  }
0x2d: {  	[tilespmem:$0x18C80] =	vst v1  }
0x2e: {  	[tilespmem:$0x18D00] =	vst v1  }
0x2f: {  	[tilespmem:$0x18D80] =	vst v1  }
0x30: {  	[tilespmem:$0x18E00] =	vst v1  }
0x31: {  	[tilespmem:$0x18E80] =	vst v1  }
0x32: {  	[tilespmem:$0x18F00] =	vst v1  }
0x33: {  	[tilespmem:$0x18F80] =	vst v1  }
0x34: {  	[tilespmem:$0x19000] =	vst v1  }
0x35: {  	[tilespmem:$0x19080] =	vst v1  }
0x36: {  	[tilespmem:$0x19100] =	vst v1  }
0x37: {  	[tilespmem:$0x19180] =	vst v1  }
0x38: {  	[tilespmem:$0x19200] =	vst v1  }
0x39: {  	[tilespmem:$0x19280] =	vst v1  }
0x3a: {  	[tilespmem:$0x19300] =	vst v1  }
0x3b: {  	[tilespmem:$0x19380] =	vst v1  }
0x3c: {  	[tilespmem:$0x19400] =	vst v0  }
0x3d: {  	[tilespmem:$0x19480] =	vst v0  }
0x3e: {  	[tilespmem:$0x19500] =	vst v0  }
0x3f: {  	[tilespmem:$0x19580] =	vst v0  }
0x40: {  	[tilespmem:$0x19600] =	vst v0  }
0x41: {  	[tilespmem:$0x19680] =	vst v0  }
0x42: {  	[tilespmem:$0x19700] =	vst v0  }
0x43: {  	[tilespmem:$0x19780] =	vst v0  }
0x44: {  	[tilespmem:$0x19800] =	vst v0  }
0x45: {  	[tilespmem:$0x19880] =	vst v0  }
0x46: {  	[tilespmem:$0x19900] =	vst v0  }
0x47: {  	[tilespmem:$0x19980] =	vst v0  }
0x48: {  	[tilespmem:$0x19A00] =	vst v0  }
0x49: {  	[tilespmem:$0x19A80] =	vst v0  }
0x4a: {  	[tilespmem:$0x19B00] =	vst v0  }
0x4b: {  	[tilespmem:$0x19B80] =	vst v0  }
0x4c: {  	[tilespmem:$0x19C00] =	vst v1  }
0x4d: {  	[tilespmem:$0x19C80] =	vst v1  }
0x4e: {  	[tilespmem:$0x19D00] =	vst v1  }
0x4f: {  	[tilespmem:$0x19D80] =	vst v1  }
0x50: {  	[tilespmem:$0x19E00] =	vst v1  }
0x51: {  	[tilespmem:$0x19E80] =	vst v1  }
0x52: {  	[tilespmem:$0x19F00] =	vst v1  }
0x53: {  	[tilespmem:$0x19F80] =	vst v1  }
0x54: {  	[tilespmem:$0x1A000] =	vst v1  }
0x55: {  	[tilespmem:$0x1A080] =	vst v1  }
0x56: {  	[tilespmem:$0x1A100] =	vst v1  }
0x57: {  	[tilespmem:$0x1A180] =	vst v1  }
0x58: {  	[tilespmem:$0x1A200] =	vst v1  }
0x59: {  	[tilespmem:$0x1A280] =	vst v1  }
0x5a: {  	[tilespmem:$0x1A300] =	vst v1  }
0x5b: {  	[tilespmem:$0x1A380] =	vst v1  }
0x5c: {  	[tilespmem:s2], [sflag:$0x1] =	stream.linear.gather [hbm4b:s3+s2], $0x4000, $0x38;
	[tilespmem:$0x1A400] =	vst v63  }
0x5d: {  	s11 =	rddreg [dreg:$0x4]  }
0x5e: {  	[tilespmem:s30], [sflag:$0x1] =	stream.linear.gather [hbm4b:s11+s2], $0x4000, $0x38;
	[tilespmem:$0x1A400] =	vst v63  }
0x5f: {  	s15 =	rddreg [dreg:$0x5]  }
0x60: {  	[tilespmem:s31], [sflag:$0x1] =	stream.linear.gather [hbm4b:s15+s2], $0x4000, $0x38;
	[tilespmem:$0x1A400] =	vst v63  }
0x61: {  	_ =	swait.ge [sflag:s0], $0x4000  }
0x62: {  	[sflag:s0] =	ssyncset.done $0x0  }
0x63: {  	[sflag:s0] =	ssyncadd.s32 $0xFFFFC000  }
0x64: {  	_ =	swait.ge [sflag:s0], $0x4000  }
0x65: {  	[sflag:s0] =	ssyncset.done $0x0  }
0x66: {  	[sflag:s0] =	ssyncadd.s32 $0xFFFFC000  }
0x67: {  	_ =	swait.ge [sflag:s0], $0x4000  }
0x68: {  	[sflag:s0] =	ssyncset.done $0x0  }
0x69: {  	s16 =	rddreg [dreg:$0x6];
	[sflag:s0] =	ssyncadd.s32 $0xFFFFC000  }
0x6a: {  	[tilespmem:s1], [sflag:$0x2] =	stream.linear.gather [hbm4b:s16+s2], $0x4000, $0x38;
	[tilespmem:$0x1A400] =	vst v63  }
0x6b: {  	s17 =	rddreg [dreg:$0x7]  }
0x6c: {  	[tilespmem:s4], [sflag:$0x2] =	stream.linear.gather [hbm4b:s17+s2], $0x4000, $0x38;
	[tilespmem:$0x1A400] =	vst v63  }
0x6d: {  	s12 =	simm.s32 $0x40;
	s18 =	rddreg [dreg:$0x8]  }
0x6e: {  	[tilespmem:s5], [sflag:$0x2] =	stream.linear.gather [hbm4b:s18+s2], $0x4000, $0x38;
	[tilespmem:$0x1A400] =	vst v63  }
0x6f: {  	s14 =	simm.s32 $0x0;
	s17 =	simm.s32 $0x8040;
	s18 =	simm.s32 $0x10040  }
.LBB2_2:
0x70: {  	v3 =	vld [tilespmem:s12+$0x20]  }
0x71: {  	v7 =	vld [tilespmem:s12+$0xFFFFFFF0]  }
0x72: {  	v6 =	vld [tilespmem:s12+$0xFFFFFFD0]  }
0x73: {  	v4 =	vld [tilespmem:s18+$0xFFFFFFF0]  }
0x74: {  	v5 =	vld [tilespmem:s12+$0xFFFFFFC0]  }
0x75: {  	v8 =	vld [tilespmem:s12+$0x0];
	v3 =	vmul.f32 $1.500000000e+01, v3  }
0x76: {  	v9 =	vld [tilespmem:s12+$0xFFFFFFE0];
	v7 =	vmul.f32 $1.500000000e+01, v7  }
0x77: {  	v10 =	vld [tilespmem:s18+$0xFFFFFFD0];
	v6 =	vmul.f32 $1.500000000e+01, v6;
	v3 =	vtrunc.f32 v3  }
0x78: {  	v11 =	vld [tilespmem:s18+$0x20];
	v7 =	vtrunc.f32 v7;
	v3 =	vcvt.f32.s32 v3  }
0x79: {  	v13 =	vld [tilespmem:s12+$0x10];
	v7 =	vcvt.f32.s32 v7  }
0x7a: {  	v12 =	vld [tilespmem:s18+$0x0];
	v8 =	vmul.f32 $1.500000000e+01, v8;
	v6 =	vtrunc.f32 v6;
	v3 =	vadd.s32 v2, v3  }
0x7b: {  	v14 =	vld [tilespmem:s18+$0xFFFFFFE0];
	v6 =	vcvt.f32.s32 v6;
	v7 =	vadd.s32 v2, v7  }
0x7c: {  	v15 =	vld [tilespmem:s18+$0xFFFFFFC0];
	v5 =	vmul.f32 $1.500000000e+01, v5;
	v8 =	vtrunc.f32 v8  }
0x7d: {  	v11 =	vshll.u32 v11, $0xE;
	v16 =	vadd.s32 v2, v6;
	v6 =	vcvt.f32.s32 v8;
	v8 =	vld [tilespmem:s12+$0x30]  }
0x7e: {  	v17 =	vld [tilespmem:s18+$0x10];
	v13 =	vmul.f32 $1.500000000e+01, v13;
	v4 =	vshll.u32 v4, $0xE;
	v11 =	vor.u32 $0x1, v11  }
0x7f: {  	v4 =	vor.u32 $0x1, v4;
	v5 =	vtrunc.f32 v5;
	[tilespmem:v3+s6+$0x0] =	vst.idx.add.s32.msk $0xffff, v11  }
0x80: {  	v13 =	vtrunc.f32 v13;
	v3 =	vcvt.f32.s32 v5;
	[tilespmem:v7+s6+$0x0] =	vst.idx.add.s32.msk $0xffff, v4  }
0x81: {  	v13 =	vcvt.f32.s32 v13;
	v18 =	vadd.s32 v2, v6;
	v5 =	vshll.u32 v10, $0xE;
	v10 =	vld [tilespmem:s17+$0x20]  }
0x82: {  	v8 =	vmul.f32 $1.500000000e+01, v8;
	v6 =	vor.u32 $0x1, v5;
	v5 =	vld [tilespmem:s18+$0x30];
	v19 =	vadd.s32 v2, v3  }
0x83: {  	v9 =	vmul.f32 $1.500000000e+01, v9;
	v20 =	vld [tilespmem:s17+$0xFFFFFFF0]  }
0x84: {  	v12 =	vshll.u32 v12, $0xE;
	v13 =	vadd.s32 v2, v13;
	[tilespmem:v16+s6+$0x0] =	vst.idx.add.s32.msk $0xffff, v6;
	v8 =	vtrunc.f32 v8  }
0x85: {  	v15 =	vshll.u32 v15, $0xE;
	v3 =	vor.u32 $0x1, v12;
	v12 =	vld [tilespmem:s17+$0xFFFFFFD0];
	v8 =	vcvt.f32.s32 v8  }
0x86: {  	v9 =	vtrunc.f32 v9;
	v7 =	vor.u32 $0x1, v15;
	[tilespmem:v18+s6+$0x0] =	vst.idx.add.s32.msk $0xffff, v3;
	v16 =	vmul.f32 $1.500000000e+01, v10  }
0x87: {  	v9 =	vcvt.f32.s32 v9;
	v15 =	vshll.u32 v17, $0xE;
	v17 =	vadd.s32 v2, v8;
	[tilespmem:v19+s6+$0x0] =	vst.idx.add.s32.msk $0xffff, v7  }
0x88: {  	v8 =	vor.u32 $0x1, v15;
	v16 =	vtrunc.f32 v16;
	v15 =	vld [tilespmem:s17+$0xFFFFFFC0]  }
0x89: {  	v18 =	vadd.s32 v2, v9;
	[tilespmem:v13+s6+$0x0] =	vst.idx.add.s32.msk $0xffff, v8;
	v16 =	vcvt.f32.s32 v16  }
0x8a: {  	v5 =	vshll.u32 v5, $0xE;
	v19 =	vld [tilespmem:s17+$0x10]  }
0x8b: {  	v10 =	vld [tilespmem:s17+$0x0];
	v9 =	vor.u32 $0x1, v5;
	v12 =	vmul.f32 $1.500000000e+01, v12;
	v16 =	vadd.s32 v2, v16  }
0x8c: {  	v5 =	vshll.u32 v14, $0xE;
	[tilespmem:v17+s6+$0x0] =	vst.idx.add.s32.msk $0xffff, v9  }
0x8d: {  	v5 =	vor.u32 $0x1, v5;
	v12 =	vtrunc.f32 v12;
	v13 =	vld [tilespmem:s17+$0x30];
	v14 =	vmul.f32 $1.500000000e+01, v15  }
0x8e: {  	[tilespmem:v18+s6+$0x0] =	vst.idx.add.s32.msk $0xffff, v5;
	v17 =	vcvt.f32.s32 v12  }
0x8f: {  	s15 =	simm.s32 $0x0;
	v15 =	vmul.f32 $1.500000000e+01, v19;
	v12 =	vtrunc.f32 v14;
	v14 =	vld [tilespmem:s17+$0xFFFFFFE0]  }
0x90: {  	s16 =	sadd.s32 $0x400, s12;
	s11 =	smov.u32 s17;
	s13 =	smov.u32 s18;
	[tilespmem:v16+s7+$0x0] =	vst.idx.add.s32.msk $0xffff, v11;
	v12 =	vcvt.f32.s32 v12;
	v11 =	vadd.s32 v2, v17;
	v16 =	vmul.f32 $1.500000000e+01, v20  }
.LBB2_3:
0x91: {  	v17 =	vld [tilespmem:s16+$0x20];
	s15 =	sadd.s32 $0x80, s15;
	s11 =	sadd.s32 $0x400, s11;
	s13 =	sadd.s32 $0x400, s13  }
0x92: {  	v18 =	vld [tilespmem:s13+$0xFFFFFFF0];
	p0 =	slt.u32 s15, $0x780;
	v16 =	vtrunc.f32 v16;
	v13 =	vmul.f32 $1.500000000e+01, v13  }
0x93: {  	v15 =	vtrunc.f32 v15;
	v19 =	vld [tilespmem:s13+$0xFFFFFFD0];
	v16 =	vcvt.f32.s32 v16  }
0x94: {  	v10 =	vmul.f32 $1.500000000e+01, v10;
	v20 =	vld [tilespmem:s13+$0xFFFFFFE0];
	v13 =	vtrunc.f32 v13  }
0x95: {  	v12 =	vadd.s32 v2, v12;
	v21 =	vld [tilespmem:s13+$0x0];
	v14 =	vmul.f32 $1.500000000e+01, v14;
	v13 =	vcvt.f32.s32 v13  }
0x96: {  	v10 =	vtrunc.f32 v10;
	v22 =	vld [tilespmem:s16+$0xFFFFFFC0];
	v17 =	vmul.f32 $1.500000000e+01, v17  }
0x97: {  	v15 =	vcvt.f32.s32 v15;
	v23 =	vld [tilespmem:s16+$0x10];
	v14 =	vtrunc.f32 v14;
	v13 =	vadd.s32 v2, v13  }
0x98: {  	v24 =	vld [tilespmem:s16+$0xFFFFFFD0];
	v17 =	vtrunc.f32 v17;
	v14 =	vcvt.f32.s32 v14  }
0x99: {  	v10 =	vcvt.f32.s32 v10;
	v15 =	vadd.s32 v2, v15;
	v25 =	vld [tilespmem:s16+$0xFFFFFFF0];
	v17 =	vcvt.f32.s32 v17  }
0x9a: {  	[tilespmem:v11+s7+$0x0] =	vst.idx.add.s32.msk $0xffff, v6;
	v6 =	vadd.s32 v2, v14  }
0x9b: {  	v10 =	vadd.s32 v2, v10;
	v14 =	vadd.s32 v2, v16;
	v11 =	vld [tilespmem:s16+$0xFFFFFFE0]  }
0x9c: {  	v16 =	vmul.f32 $1.500000000e+01, v22;
	v17 =	vadd.s32 v2, v17;
	v22 =	vld [tilespmem:s16+$0x0]  }
0x9d: {  	v26 =	vld [tilespmem:s13+$0x20]  }
0x9e: {  	v24 =	vmul.f32 $1.500000000e+01, v24;
	[tilespmem:v13+s7+$0x0] =	vst.idx.add.s32.msk $0xffff, v9  }
0x9f: {  	v9 =	vmul.f32 $1.500000000e+01, v25;
	[tilespmem:v15+s7+$0x0] =	vst.idx.add.s32.msk $0xffff, v8  }
0xa0: {  	v8 =	vmul.f32 $1.500000000e+01, v11;
	[tilespmem:v10+s7+$0x0] =	vst.idx.add.s32.msk $0xffff, v3  }
0xa1: {  	v3 =	vtrunc.f32 v24;
	v10 =	vmul.f32 $1.500000000e+01, v22;
	[tilespmem:v6+s7+$0x0] =	vst.idx.add.s32.msk $0xffff, v5  }
0xa2: {  	v5 =	vcvt.f32.s32 v3;
	v6 =	vtrunc.f32 v9;
	v9 =	vshll.u32 v26, $0xE;
	[tilespmem:v12+s7+$0x0] =	vst.idx.add.s32.msk $0xffff, v7  }
0xa3: {  	v3 =	vshll.u32 v21, $0xE;
	v7 =	vtrunc.f32 v10;
	v10 =	vmul.f32 $1.500000000e+01, v23;
	[tilespmem:v14+s7+$0x0] =	vst.idx.add.s32.msk $0xffff, v4  }
0xa4: {  	v3 =	vor.u32 $0x1, v3;
	v4 =	vtrunc.f32 v16;
	v12 =	vor.u32 $0x1, v9;
	v11 =	vld [tilespmem:s13+$0xFFFFFFC0]  }
0xa5: {  	v9 =	vadd.s32 v2, v5;
	v5 =	vshll.u32 v20, $0xE;
	v7 =	vcvt.f32.s32 v7;
	v13 =	vld [tilespmem:s16+$0x30]  }
0xa6: {  	v6 =	vcvt.f32.s32 v6;
	v5 =	vor.u32 $0x1, v5;
	v10 =	vtrunc.f32 v10;
	v14 =	vld [tilespmem:s13+$0x10]  }
0xa7: {  	v15 =	vcvt.f32.s32 v4;
	v4 =	vshll.u32 v18, $0xE;
	v7 =	vadd.s32 v2, v7;
	[tilespmem:v17+s6+$0x0] =	vst.idx.add.s32.msk $0xffff, v12  }
0xa8: {  	v16 =	vshll.u32 v19, $0xE;
	v4 =	vor.u32 $0x1, v4;
	v17 =	vadd.s32 v2, v6;
	v18 =	vld [tilespmem:s11+$0x20]  }
0xa9: {  	v8 =	vtrunc.f32 v8;
	v10 =	vcvt.f32.s32 v10;
	v6 =	vor.u32 $0x1, v16;
	v16 =	vld [tilespmem:s13+$0x30]  }
0xaa: {  	v15 =	vadd.s32 v2, v15;
	[tilespmem:v9+s6+$0x0] =	vst.idx.add.s32.msk $0xffff, v6;
	v9 =	vcvt.f32.s32 v8;
	v13 =	vmul.f32 $1.500000000e+01, v13  }
0xab: {  	v19 =	vld [tilespmem:s11+$0xFFFFFFD0];
	v8 =	vshll.u32 v14, $0xE  }
0xac: {  	v14 =	vadd.s32 v2, v10;
	[tilespmem:v7+s6+$0x0] =	vst.idx.add.s32.msk $0xffff, v3;
	v8 =	vor.u32 $0x1, v8;
	v7 =	vtrunc.f32 v13  }
0xad: {  	v10 =	vshll.u32 v11, $0xE;
	[tilespmem:v17+s6+$0x0] =	vst.idx.add.s32.msk $0xffff, v4;
	v11 =	vmul.f32 $1.500000000e+01, v18;
	v13 =	vcvt.f32.s32 v7  }
0xae: {  	v7 =	vor.u32 $0x1, v10;
	v10 =	vld [tilespmem:s11+$0x0];
	v16 =	vshll.u32 v16, $0xE  }
0xaf: {  	[tilespmem:v15+s6+$0x0] =	vst.idx.add.s32.msk $0xffff, v7;
	v11 =	vtrunc.f32 v11;
	v13 =	vadd.s32 v2, v13  }
0xb0: {  	v15 =	vld [tilespmem:s11+$0xFFFFFFC0];
	v11 =	vcvt.f32.s32 v11  }
0xb1: {  	v17 =	vadd.s32 v2, v9;
	[tilespmem:v14+s6+$0x0] =	vst.idx.add.s32.msk $0xffff, v8  }
0xb2: {  	v14 =	vld [tilespmem:s11+$0x10];
	v11 =	vadd.s32 v2, v11  }
0xb3: {  	v9 =	vor.u32 $0x1, v16;
	v18 =	vmul.f32 $1.500000000e+01, v19;
	v19 =	vld [tilespmem:s11+$0xFFFFFFF0]  }
.Ltmp0:
0xb4: {  	[tilespmem:v13+s6+$0x0] =	vst.idx.add.s32.msk $0xffff, v9;
	(pc) =	sbr.rel @p0 .LBB2_3-.Ltmp0, $4  }
0xb5: {  	v16 =	vtrunc.f32 v18;
	v15 =	vmul.f32 $1.500000000e+01, v15;
	v13 =	vld [tilespmem:s11+$0x30]  }
0xb6: {  	v16 =	vcvt.f32.s32 v16;
	[tilespmem:v17+s6+$0x0] =	vst.idx.add.s32.msk $0xffff, v5  }
0xb7: {  	v17 =	vtrunc.f32 v15;
	v15 =	vmul.f32 $1.500000000e+01, v14;
	[tilespmem:v11+s7+$0x0] =	vst.idx.add.s32.msk $0xffff, v12  }
0xb8: {  	s16 =	sadd.s32 $0x400, s16;
	v11 =	vadd.s32 v2, v16;
	v12 =	vcvt.f32.s32 v17;
	v14 =	vld [tilespmem:s11+$0xFFFFFFE0];
	v16 =	vmul.f32 $1.500000000e+01, v19  }
0xb9: {  	_ = 	snop  }
0xba: {  	v15 =	vtrunc.f32 v15;
	v10 =	vmul.f32 $1.500000000e+01, v10  }
0xbb: {  	v13 =	vmul.f32 $1.500000000e+01, v13;
	v15 =	vcvt.f32.s32 v15  }
0xbc: {  	v16 =	vtrunc.f32 v16;
	v10 =	vtrunc.f32 v10  }
0xbd: {  	v12 =	vadd.s32 v2, v12;
	v16 =	vcvt.f32.s32 v16;
	v14 =	vmul.f32 $1.500000000e+01, v14  }
0xbe: {  	v13 =	vtrunc.f32 v13;
	v10 =	vcvt.f32.s32 v10;
	v15 =	vadd.s32 v2, v15  }
0xbf: {  	v13 =	vcvt.f32.s32 v13;
	v63 =	vadd.s32 v2, v16;
	v14 =	vtrunc.f32 v14  }
0xc0: {  	v10 =	vadd.s32 v2, v10;
	v14 =	vcvt.f32.s32 v14  }
0xc1: {  	[tilespmem:v11+s7+$0x0] =	vst.idx.add.s32.msk $0xffff, v6;
	s14 =	sadd.s32 $0x1, s14;
	v13 =	vadd.s32 v2, v13  }
0xc2: {  	p0 =	sne.s32 s14, $0x8;
	[tilespmem:v12+s7+$0x0] =	vst.idx.add.s32.msk $0xffff, v7;
	v14 =	vadd.s32 v2, v14  }
.Ltmp1:
0xc3: {  	[tilespmem:v15+s7+$0x0] =	vst.idx.add.s32.msk $0xffff, v8;
	(pc) =	sbr.rel @p0 .LBB2_2-.Ltmp1, $4  }
0xc4: {  	[tilespmem:v63+s7+$0x0] =	vst.idx.add.s32.msk $0xffff, v4  }
0xc5: {  	[tilespmem:v10+s7+$0x0] =	vst.idx.add.s32.msk $0xffff, v3  }
0xc6: {  	[tilespmem:v13+s7+$0x0] =	vst.idx.add.s32.msk $0xffff, v9  }
0xc7: {  	s17 =	sadd.s32 $0x80, s17;
	s12 =	sadd.s32 $0x80, s12;
	s18 =	sadd.s32 $0x80, s18;
	[tilespmem:v14+s7+$0x0] =	vst.idx.add.s32.msk $0xffff, v5  }
0xc8: {  	_ =	swait.ge [sflag:s8], $0x4000  }
0xc9: {  	[sflag:s8] =	ssyncset.done $0x0  }
0xca: {  	[sflag:s8] =	ssyncadd.s32 $0xFFFFC000  }
0xcb: {  	_ =	swait.ge [sflag:s8], $0x4000  }
0xcc: {  	[sflag:s8] =	ssyncset.done $0x0  }
0xcd: {  	[sflag:s8] =	ssyncadd.s32 $0xFFFFC000  }
0xce: {  	_ =	swait.ge [sflag:s8], $0x4000  }
0xcf: {  	[sflag:s8] =	ssyncset.done $0x0  }
0xd0: {  	s11 =	simm.s32 $0x0;
	s12 =	rddreg [dreg:$0x9];
	[sflag:s8] =	ssyncadd.s32 $0xFFFFC000  }
0xd1: {  	[tilespmem:s11], [sflag:$0x1] =	stream.linear.gather [hbm4b:s12+s11], $0x4000, $0x38;
	[tilespmem:$0x1A400] =	vst v63  }
0xd2: {  	s13 =	simm.s32 $0x4040;
	s17 =	rddreg [dreg:$0xa]  }
0xd3: {  	[tilespmem:s30], [sflag:$0x1] =	stream.linear.gather [hbm4b:s17+s11], $0x4000, $0x38;
	[tilespmem:$0x1A400] =	vst v63  }
0xd4: {  	s14 =	simm.s32 $0x14040;
	s18 =	rddreg [dreg:$0xb];
	s12 =	simm.s32 $0xC040  }
0xd5: {  	[tilespmem:s31], [sflag:$0x1] =	stream.linear.gather [hbm4b:s18+s11], $0x4000, $0x38;
	[tilespmem:$0x1A400] =	vst v63  }
.LBB2_6:
0xd6: {  	v3 =	vld [tilespmem:s13+$0x20]  }
0xd7: {  	v7 =	vld [tilespmem:s13+$0xFFFFFFF0]  }
0xd8: {  	v6 =	vld [tilespmem:s13+$0xFFFFFFD0]  }
0xd9: {  	v4 =	vld [tilespmem:s14+$0xFFFFFFF0]  }
0xda: {  	v5 =	vld [tilespmem:s13+$0xFFFFFFC0]  }
0xdb: {  	v8 =	vld [tilespmem:s13+$0x0];
	v3 =	vmul.f32 $1.500000000e+01, v3  }
0xdc: {  	v9 =	vld [tilespmem:s13+$0xFFFFFFE0];
	v7 =	vmul.f32 $1.500000000e+01, v7  }
0xdd: {  	v10 =	vld [tilespmem:s14+$0xFFFFFFD0];
	v6 =	vmul.f32 $1.500000000e+01, v6;
	v3 =	vtrunc.f32 v3  }
0xde: {  	v11 =	vld [tilespmem:s14+$0x20];
	v7 =	vtrunc.f32 v7;
	v3 =	vcvt.f32.s32 v3  }
0xdf: {  	v13 =	vld [tilespmem:s13+$0x10];
	v7 =	vcvt.f32.s32 v7  }
0xe0: {  	v12 =	vld [tilespmem:s14+$0x0];
	v8 =	vmul.f32 $1.500000000e+01, v8;
	v6 =	vtrunc.f32 v6;
	v3 =	vadd.s32 v2, v3  }
0xe1: {  	v14 =	vld [tilespmem:s14+$0xFFFFFFE0];
	v6 =	vcvt.f32.s32 v6;
	v7 =	vadd.s32 v2, v7  }
0xe2: {  	v15 =	vld [tilespmem:s14+$0xFFFFFFC0];
	v5 =	vmul.f32 $1.500000000e+01, v5;
	v8 =	vtrunc.f32 v8  }
0xe3: {  	v11 =	vshll.u32 v11, $0xE;
	v16 =	vadd.s32 v2, v6;
	v6 =	vcvt.f32.s32 v8;
	v8 =	vld [tilespmem:s13+$0x30]  }
0xe4: {  	v17 =	vld [tilespmem:s14+$0x10];
	v13 =	vmul.f32 $1.500000000e+01, v13;
	v4 =	vshll.u32 v4, $0xE;
	v11 =	vor.u32 $0x1, v11  }
0xe5: {  	v4 =	vor.u32 $0x1, v4;
	v5 =	vtrunc.f32 v5;
	[tilespmem:v3+s6+$0x0] =	vst.idx.add.s32.msk $0xffff, v11  }
0xe6: {  	v13 =	vtrunc.f32 v13;
	v3 =	vcvt.f32.s32 v5;
	[tilespmem:v7+s6+$0x0] =	vst.idx.add.s32.msk $0xffff, v4  }
0xe7: {  	v13 =	vcvt.f32.s32 v13;
	v18 =	vadd.s32 v2, v6;
	v5 =	vshll.u32 v10, $0xE;
	v10 =	vld [tilespmem:s12+$0x20]  }
0xe8: {  	v8 =	vmul.f32 $1.500000000e+01, v8;
	v6 =	vor.u32 $0x1, v5;
	v5 =	vld [tilespmem:s14+$0x30];
	v19 =	vadd.s32 v2, v3  }
0xe9: {  	v9 =	vmul.f32 $1.500000000e+01, v9;
	v20 =	vld [tilespmem:s12+$0xFFFFFFF0]  }
0xea: {  	v12 =	vshll.u32 v12, $0xE;
	v13 =	vadd.s32 v2, v13;
	[tilespmem:v16+s6+$0x0] =	vst.idx.add.s32.msk $0xffff, v6;
	v8 =	vtrunc.f32 v8  }
0xeb: {  	v15 =	vshll.u32 v15, $0xE;
	v3 =	vor.u32 $0x1, v12;
	v12 =	vld [tilespmem:s12+$0xFFFFFFD0];
	v8 =	vcvt.f32.s32 v8  }
0xec: {  	v9 =	vtrunc.f32 v9;
	v7 =	vor.u32 $0x1, v15;
	[tilespmem:v18+s6+$0x0] =	vst.idx.add.s32.msk $0xffff, v3;
	v16 =	vmul.f32 $1.500000000e+01, v10  }
0xed: {  	v9 =	vcvt.f32.s32 v9;
	v15 =	vshll.u32 v17, $0xE;
	v17 =	vadd.s32 v2, v8;
	[tilespmem:v19+s6+$0x0] =	vst.idx.add.s32.msk $0xffff, v7  }
0xee: {  	v8 =	vor.u32 $0x1, v15;
	v16 =	vtrunc.f32 v16;
	v15 =	vld [tilespmem:s12+$0xFFFFFFC0]  }
0xef: {  	v18 =	vadd.s32 v2, v9;
	[tilespmem:v13+s6+$0x0] =	vst.idx.add.s32.msk $0xffff, v8;
	v16 =	vcvt.f32.s32 v16  }
0xf0: {  	v5 =	vshll.u32 v5, $0xE;
	v19 =	vld [tilespmem:s12+$0x10]  }
0xf1: {  	v10 =	vld [tilespmem:s12+$0x0];
	v9 =	vor.u32 $0x1, v5;
	v12 =	vmul.f32 $1.500000000e+01, v12;
	v16 =	vadd.s32 v2, v16  }
0xf2: {  	v5 =	vshll.u32 v14, $0xE;
	[tilespmem:v17+s6+$0x0] =	vst.idx.add.s32.msk $0xffff, v9  }
0xf3: {  	v5 =	vor.u32 $0x1, v5;
	v12 =	vtrunc.f32 v12;
	v13 =	vld [tilespmem:s12+$0x30];
	v14 =	vmul.f32 $1.500000000e+01, v15  }
0xf4: {  	[tilespmem:v18+s6+$0x0] =	vst.idx.add.s32.msk $0xffff, v5;
	v17 =	vcvt.f32.s32 v12  }
0xf5: {  	s15 =	simm.s32 $0x0;
	v15 =	vmul.f32 $1.500000000e+01, v19;
	v12 =	vtrunc.f32 v14;
	v14 =	vld [tilespmem:s12+$0xFFFFFFE0]  }
0xf6: {  	s16 =	sadd.s32 $0x400, s13;
	s17 =	smov.u32 s12;
	s18 =	smov.u32 s14;
	[tilespmem:v16+s7+$0x0] =	vst.idx.add.s32.msk $0xffff, v11;
	v12 =	vcvt.f32.s32 v12;
	v11 =	vadd.s32 v2, v17;
	v16 =	vmul.f32 $1.500000000e+01, v20  }
.LBB2_7:
0xf7: {  	v17 =	vld [tilespmem:s16+$0x20];
	s15 =	sadd.s32 $0x80, s15;
	s17 =	sadd.s32 $0x400, s17;
	s18 =	sadd.s32 $0x400, s18  }
0xf8: {  	v18 =	vld [tilespmem:s18+$0xFFFFFFF0];
	p0 =	slt.u32 s15, $0x780;
	v16 =	vtrunc.f32 v16;
	v13 =	vmul.f32 $1.500000000e+01, v13  }
0xf9: {  	v15 =	vtrunc.f32 v15;
	v19 =	vld [tilespmem:s18+$0xFFFFFFD0];
	v16 =	vcvt.f32.s32 v16  }
0xfa: {  	v10 =	vmul.f32 $1.500000000e+01, v10;
	v20 =	vld [tilespmem:s18+$0xFFFFFFE0];
	v13 =	vtrunc.f32 v13  }
0xfb: {  	v12 =	vadd.s32 v2, v12;
	v21 =	vld [tilespmem:s18+$0x0];
	v14 =	vmul.f32 $1.500000000e+01, v14;
	v13 =	vcvt.f32.s32 v13  }
0xfc: {  	v10 =	vtrunc.f32 v10;
	v22 =	vld [tilespmem:s16+$0xFFFFFFC0];
	v17 =	vmul.f32 $1.500000000e+01, v17  }
0xfd: {  	v15 =	vcvt.f32.s32 v15;
	v23 =	vld [tilespmem:s16+$0x10];
	v14 =	vtrunc.f32 v14;
	v13 =	vadd.s32 v2, v13  }
0xfe: {  	v24 =	vld [tilespmem:s16+$0xFFFFFFD0];
	v17 =	vtrunc.f32 v17;
	v14 =	vcvt.f32.s32 v14  }
0xff: {  	v10 =	vcvt.f32.s32 v10;
	v15 =	vadd.s32 v2, v15;
	v25 =	vld [tilespmem:s16+$0xFFFFFFF0];
	v17 =	vcvt.f32.s32 v17  }
0x100: {  	[tilespmem:v11+s7+$0x0] =	vst.idx.add.s32.msk $0xffff, v6;
	v6 =	vadd.s32 v2, v14  }
0x101: {  	v10 =	vadd.s32 v2, v10;
	v14 =	vadd.s32 v2, v16;
	v11 =	vld [tilespmem:s16+$0xFFFFFFE0]  }
0x102: {  	v16 =	vmul.f32 $1.500000000e+01, v22;
	v17 =	vadd.s32 v2, v17;
	v22 =	vld [tilespmem:s16+$0x0]  }
0x103: {  	v26 =	vld [tilespmem:s18+$0x20]  }
0x104: {  	v24 =	vmul.f32 $1.500000000e+01, v24;
	[tilespmem:v13+s7+$0x0] =	vst.idx.add.s32.msk $0xffff, v9  }
0x105: {  	v9 =	vmul.f32 $1.500000000e+01, v25;
	[tilespmem:v15+s7+$0x0] =	vst.idx.add.s32.msk $0xffff, v8  }
0x106: {  	v8 =	vmul.f32 $1.500000000e+01, v11;
	[tilespmem:v10+s7+$0x0] =	vst.idx.add.s32.msk $0xffff, v3  }
0x107: {  	v3 =	vtrunc.f32 v24;
	v10 =	vmul.f32 $1.500000000e+01, v22;
	[tilespmem:v6+s7+$0x0] =	vst.idx.add.s32.msk $0xffff, v5  }
0x108: {  	v5 =	vcvt.f32.s32 v3;
	v6 =	vtrunc.f32 v9;
	v9 =	vshll.u32 v26, $0xE;
	[tilespmem:v12+s7+$0x0] =	vst.idx.add.s32.msk $0xffff, v7  }
0x109: {  	v3 =	vshll.u32 v21, $0xE;
	v7 =	vtrunc.f32 v10;
	v10 =	vmul.f32 $1.500000000e+01, v23;
	[tilespmem:v14+s7+$0x0] =	vst.idx.add.s32.msk $0xffff, v4  }
0x10a: {  	v3 =	vor.u32 $0x1, v3;
	v4 =	vtrunc.f32 v16;
	v12 =	vor.u32 $0x1, v9;
	v11 =	vld [tilespmem:s18+$0xFFFFFFC0]  }
0x10b: {  	v9 =	vadd.s32 v2, v5;
	v5 =	vshll.u32 v20, $0xE;
	v7 =	vcvt.f32.s32 v7;
	v13 =	vld [tilespmem:s16+$0x30]  }
0x10c: {  	v6 =	vcvt.f32.s32 v6;
	v5 =	vor.u32 $0x1, v5;
	v10 =	vtrunc.f32 v10;
	v14 =	vld [tilespmem:s18+$0x10]  }
0x10d: {  	v15 =	vcvt.f32.s32 v4;
	v4 =	vshll.u32 v18, $0xE;
	v7 =	vadd.s32 v2, v7;
	[tilespmem:v17+s6+$0x0] =	vst.idx.add.s32.msk $0xffff, v12  }
0x10e: {  	v16 =	vshll.u32 v19, $0xE;
	v4 =	vor.u32 $0x1, v4;
	v17 =	vadd.s32 v2, v6;
	v18 =	vld [tilespmem:s17+$0x20]  }
0x10f: {  	v8 =	vtrunc.f32 v8;
	v10 =	vcvt.f32.s32 v10;
	v6 =	vor.u32 $0x1, v16;
	v16 =	vld [tilespmem:s18+$0x30]  }
0x110: {  	v15 =	vadd.s32 v2, v15;
	[tilespmem:v9+s6+$0x0] =	vst.idx.add.s32.msk $0xffff, v6;
	v9 =	vcvt.f32.s32 v8;
	v13 =	vmul.f32 $1.500000000e+01, v13  }
0x111: {  	v19 =	vld [tilespmem:s17+$0xFFFFFFD0];
	v8 =	vshll.u32 v14, $0xE  }
0x112: {  	v14 =	vadd.s32 v2, v10;
	[tilespmem:v7+s6+$0x0] =	vst.idx.add.s32.msk $0xffff, v3;
	v8 =	vor.u32 $0x1, v8;
	v7 =	vtrunc.f32 v13  }
0x113: {  	v10 =	vshll.u32 v11, $0xE;
	[tilespmem:v17+s6+$0x0] =	vst.idx.add.s32.msk $0xffff, v4;
	v11 =	vmul.f32 $1.500000000e+01, v18;
	v13 =	vcvt.f32.s32 v7  }
0x114: {  	v7 =	vor.u32 $0x1, v10;
	v10 =	vld [tilespmem:s17+$0x0];
	v16 =	vshll.u32 v16, $0xE  }
0x115: {  	[tilespmem:v15+s6+$0x0] =	vst.idx.add.s32.msk $0xffff, v7;
	v11 =	vtrunc.f32 v11;
	v13 =	vadd.s32 v2, v13  }
0x116: {  	v15 =	vld [tilespmem:s17+$0xFFFFFFC0];
	v11 =	vcvt.f32.s32 v11  }
0x117: {  	v17 =	vadd.s32 v2, v9;
	[tilespmem:v14+s6+$0x0] =	vst.idx.add.s32.msk $0xffff, v8  }
0x118: {  	v14 =	vld [tilespmem:s17+$0x10];
	v11 =	vadd.s32 v2, v11  }
0x119: {  	v9 =	vor.u32 $0x1, v16;
	v18 =	vmul.f32 $1.500000000e+01, v19;
	v19 =	vld [tilespmem:s17+$0xFFFFFFF0]  }
.Ltmp2:
0x11a: {  	[tilespmem:v13+s6+$0x0] =	vst.idx.add.s32.msk $0xffff, v9;
	(pc) =	sbr.rel @p0 .LBB2_7-.Ltmp2, $4  }
0x11b: {  	v16 =	vtrunc.f32 v18;
	v15 =	vmul.f32 $1.500000000e+01, v15;
	v13 =	vld [tilespmem:s17+$0x30]  }
0x11c: {  	v16 =	vcvt.f32.s32 v16;
	[tilespmem:v17+s6+$0x0] =	vst.idx.add.s32.msk $0xffff, v5  }
0x11d: {  	v17 =	vtrunc.f32 v15;
	v15 =	vmul.f32 $1.500000000e+01, v14;
	[tilespmem:v11+s7+$0x0] =	vst.idx.add.s32.msk $0xffff, v12  }
0x11e: {  	s16 =	sadd.s32 $0x400, s16;
	v11 =	vadd.s32 v2, v16;
	v12 =	vcvt.f32.s32 v17;
	v14 =	vld [tilespmem:s17+$0xFFFFFFE0];
	v16 =	vmul.f32 $1.500000000e+01, v19  }
0x11f: {  	_ = 	snop  }
0x120: {  	v15 =	vtrunc.f32 v15;
	v10 =	vmul.f32 $1.500000000e+01, v10  }
0x121: {  	v13 =	vmul.f32 $1.500000000e+01, v13;
	v15 =	vcvt.f32.s32 v15  }
0x122: {  	v16 =	vtrunc.f32 v16;
	v10 =	vtrunc.f32 v10  }
0x123: {  	v12 =	vadd.s32 v2, v12;
	v16 =	vcvt.f32.s32 v16;
	v14 =	vmul.f32 $1.500000000e+01, v14  }
0x124: {  	v13 =	vtrunc.f32 v13;
	v10 =	vcvt.f32.s32 v10;
	v15 =	vadd.s32 v2, v15  }
0x125: {  	v13 =	vcvt.f32.s32 v13;
	v63 =	vadd.s32 v2, v16;
	v14 =	vtrunc.f32 v14  }
0x126: {  	v10 =	vadd.s32 v2, v10;
	v14 =	vcvt.f32.s32 v14  }
0x127: {  	[tilespmem:v11+s7+$0x0] =	vst.idx.add.s32.msk $0xffff, v6;
	s11 =	sadd.s32 $0x1, s11;
	v13 =	vadd.s32 v2, v13  }
0x128: {  	p0 =	sne.s32 s11, $0x8;
	[tilespmem:v12+s7+$0x0] =	vst.idx.add.s32.msk $0xffff, v7;
	v14 =	vadd.s32 v2, v14  }
.Ltmp3:
0x129: {  	[tilespmem:v15+s7+$0x0] =	vst.idx.add.s32.msk $0xffff, v8;
	(pc) =	sbr.rel @p0 .LBB2_6-.Ltmp3, $4  }
0x12a: {  	[tilespmem:v63+s7+$0x0] =	vst.idx.add.s32.msk $0xffff, v4  }
0x12b: {  	[tilespmem:v10+s7+$0x0] =	vst.idx.add.s32.msk $0xffff, v3  }
0x12c: {  	[tilespmem:v13+s7+$0x0] =	vst.idx.add.s32.msk $0xffff, v9  }
0x12d: {  	s12 =	sadd.s32 $0x80, s12;
	s13 =	sadd.s32 $0x80, s13;
	s14 =	sadd.s32 $0x80, s14;
	[tilespmem:v14+s7+$0x0] =	vst.idx.add.s32.msk $0xffff, v5  }
0x12e: {  	_ =	swait.ge [sflag:s0], $0x4000  }
0x12f: {  	[sflag:s0] =	ssyncset.done $0x0  }
0x130: {  	[sflag:s0] =	ssyncadd.s32 $0xFFFFC000  }
0x131: {  	_ =	swait.ge [sflag:s0], $0x4000  }
0x132: {  	[sflag:s0] =	ssyncset.done $0x0  }
0x133: {  	[sflag:s0] =	ssyncadd.s32 $0xFFFFC000  }
0x134: {  	_ =	swait.ge [sflag:s0], $0x4000  }
0x135: {  	[sflag:s0] =	ssyncset.done $0x0  }
0x136: {  	s11 =	simm.s32 $0x0;
	s12 =	rddreg [dreg:$0xc];
	[sflag:s0] =	ssyncadd.s32 $0xFFFFC000  }
0x137: {  	[tilespmem:s1], [sflag:$0x2] =	stream.linear.gather [hbm4b:s12+s11], $0x4000, $0x38;
	[tilespmem:$0x1A400] =	vst v63  }
0x138: {  	s13 =	simm.s32 $0x40;
	s17 =	rddreg [dreg:$0xd]  }
0x139: {  	[tilespmem:s4], [sflag:$0x2] =	stream.linear.gather [hbm4b:s17+s11], $0x4000, $0x38;
	[tilespmem:$0x1A400] =	vst v63  }
0x13a: {  	s14 =	simm.s32 $0x10040;
	s18 =	rddreg [dreg:$0xe];
	s12 =	simm.s32 $0x8040  }
0x13b: {  	[tilespmem:s5], [sflag:$0x2] =	stream.linear.gather [hbm4b:s18+s11], $0x4000, $0x38;
	[tilespmem:$0x1A400] =	vst v63  }
.LBB2_10:
0x13c: {  	v3 =	vld [tilespmem:s13+$0x20]  }
0x13d: {  	v7 =	vld [tilespmem:s13+$0xFFFFFFF0]  }
0x13e: {  	v6 =	vld [tilespmem:s13+$0xFFFFFFD0]  }
0x13f: {  	v4 =	vld [tilespmem:s14+$0xFFFFFFF0]  }
0x140: {  	v5 =	vld [tilespmem:s13+$0xFFFFFFC0]  }
0x141: {  	v8 =	vld [tilespmem:s13+$0x0];
	v3 =	vmul.f32 $1.500000000e+01, v3  }
0x142: {  	v9 =	vld [tilespmem:s13+$0xFFFFFFE0];
	v7 =	vmul.f32 $1.500000000e+01, v7  }
0x143: {  	v10 =	vld [tilespmem:s14+$0xFFFFFFD0];
	v6 =	vmul.f32 $1.500000000e+01, v6;
	v3 =	vtrunc.f32 v3  }
0x144: {  	v11 =	vld [tilespmem:s14+$0x20];
	v7 =	vtrunc.f32 v7;
	v3 =	vcvt.f32.s32 v3  }
0x145: {  	v13 =	vld [tilespmem:s13+$0x10];
	v7 =	vcvt.f32.s32 v7  }
0x146: {  	v12 =	vld [tilespmem:s14+$0x0];
	v8 =	vmul.f32 $1.500000000e+01, v8;
	v6 =	vtrunc.f32 v6;
	v3 =	vadd.s32 v2, v3  }
0x147: {  	v14 =	vld [tilespmem:s14+$0xFFFFFFE0];
	v6 =	vcvt.f32.s32 v6;
	v7 =	vadd.s32 v2, v7  }
0x148: {  	v15 =	vld [tilespmem:s14+$0xFFFFFFC0];
	v5 =	vmul.f32 $1.500000000e+01, v5;
	v8 =	vtrunc.f32 v8  }
0x149: {  	v11 =	vshll.u32 v11, $0xE;
	v16 =	vadd.s32 v2, v6;
	v6 =	vcvt.f32.s32 v8;
	v8 =	vld [tilespmem:s13+$0x30]  }
0x14a: {  	v17 =	vld [tilespmem:s14+$0x10];
	v13 =	vmul.f32 $1.500000000e+01, v13;
	v4 =	vshll.u32 v4, $0xE;
	v11 =	vor.u32 $0x1, v11  }
0x14b: {  	v4 =	vor.u32 $0x1, v4;
	v5 =	vtrunc.f32 v5;
	[tilespmem:v3+s6+$0x0] =	vst.idx.add.s32.msk $0xffff, v11  }
0x14c: {  	v13 =	vtrunc.f32 v13;
	v3 =	vcvt.f32.s32 v5;
	[tilespmem:v7+s6+$0x0] =	vst.idx.add.s32.msk $0xffff, v4  }
0x14d: {  	v13 =	vcvt.f32.s32 v13;
	v18 =	vadd.s32 v2, v6;
	v5 =	vshll.u32 v10, $0xE;
	v10 =	vld [tilespmem:s12+$0x20]  }
0x14e: {  	v8 =	vmul.f32 $1.500000000e+01, v8;
	v6 =	vor.u32 $0x1, v5;
	v5 =	vld [tilespmem:s14+$0x30];
	v19 =	vadd.s32 v2, v3  }
0x14f: {  	v9 =	vmul.f32 $1.500000000e+01, v9;
	v20 =	vld [tilespmem:s12+$0xFFFFFFF0]  }
0x150: {  	v12 =	vshll.u32 v12, $0xE;
	v13 =	vadd.s32 v2, v13;
	[tilespmem:v16+s6+$0x0] =	vst.idx.add.s32.msk $0xffff, v6;
	v8 =	vtrunc.f32 v8  }
0x151: {  	v15 =	vshll.u32 v15, $0xE;
	v3 =	vor.u32 $0x1, v12;
	v12 =	vld [tilespmem:s12+$0xFFFFFFD0];
	v8 =	vcvt.f32.s32 v8  }
0x152: {  	v9 =	vtrunc.f32 v9;
	v7 =	vor.u32 $0x1, v15;
	[tilespmem:v18+s6+$0x0] =	vst.idx.add.s32.msk $0xffff, v3;
	v16 =	vmul.f32 $1.500000000e+01, v10  }
0x153: {  	v9 =	vcvt.f32.s32 v9;
	v15 =	vshll.u32 v17, $0xE;
	v17 =	vadd.s32 v2, v8;
	[tilespmem:v19+s6+$0x0] =	vst.idx.add.s32.msk $0xffff, v7  }
0x154: {  	v8 =	vor.u32 $0x1, v15;
	v16 =	vtrunc.f32 v16;
	v15 =	vld [tilespmem:s12+$0xFFFFFFC0]  }
0x155: {  	v18 =	vadd.s32 v2, v9;
	[tilespmem:v13+s6+$0x0] =	vst.idx.add.s32.msk $0xffff, v8;
	v16 =	vcvt.f32.s32 v16  }
0x156: {  	v5 =	vshll.u32 v5, $0xE;
	v19 =	vld [tilespmem:s12+$0x10]  }
0x157: {  	v10 =	vld [tilespmem:s12+$0x0];
	v9 =	vor.u32 $0x1, v5;
	v12 =	vmul.f32 $1.500000000e+01, v12;
	v16 =	vadd.s32 v2, v16  }
0x158: {  	v5 =	vshll.u32 v14, $0xE;
	[tilespmem:v17+s6+$0x0] =	vst.idx.add.s32.msk $0xffff, v9  }
0x159: {  	v5 =	vor.u32 $0x1, v5;
	v12 =	vtrunc.f32 v12;
	v13 =	vld [tilespmem:s12+$0x30];
	v14 =	vmul.f32 $1.500000000e+01, v15  }
0x15a: {  	[tilespmem:v18+s6+$0x0] =	vst.idx.add.s32.msk $0xffff, v5;
	v17 =	vcvt.f32.s32 v12  }
0x15b: {  	s15 =	simm.s32 $0x0;
	v15 =	vmul.f32 $1.500000000e+01, v19;
	v12 =	vtrunc.f32 v14;
	v14 =	vld [tilespmem:s12+$0xFFFFFFE0]  }
0x15c: {  	s16 =	sadd.s32 $0x400, s13;
	s17 =	smov.u32 s12;
	s18 =	smov.u32 s14;
	[tilespmem:v16+s7+$0x0] =	vst.idx.add.s32.msk $0xffff, v11;
	v12 =	vcvt.f32.s32 v12;
	v11 =	vadd.s32 v2, v17;
	v16 =	vmul.f32 $1.500000000e+01, v20  }
.LBB2_11:
0x15d: {  	v17 =	vld [tilespmem:s16+$0x20];
	s15 =	sadd.s32 $0x80, s15;
	s17 =	sadd.s32 $0x400, s17;
	s18 =	sadd.s32 $0x400, s18  }
0x15e: {  	v18 =	vld [tilespmem:s18+$0xFFFFFFF0];
	p0 =	slt.u32 s15, $0x780;
	v16 =	vtrunc.f32 v16;
	v13 =	vmul.f32 $1.500000000e+01, v13  }
0x15f: {  	v15 =	vtrunc.f32 v15;
	v19 =	vld [tilespmem:s18+$0xFFFFFFD0];
	v16 =	vcvt.f32.s32 v16  }
0x160: {  	v10 =	vmul.f32 $1.500000000e+01, v10;
	v20 =	vld [tilespmem:s18+$0xFFFFFFE0];
	v13 =	vtrunc.f32 v13  }
0x161: {  	v12 =	vadd.s32 v2, v12;
	v21 =	vld [tilespmem:s18+$0x0];
	v14 =	vmul.f32 $1.500000000e+01, v14;
	v13 =	vcvt.f32.s32 v13  }
0x162: {  	v10 =	vtrunc.f32 v10;
	v22 =	vld [tilespmem:s16+$0xFFFFFFC0];
	v17 =	vmul.f32 $1.500000000e+01, v17  }
0x163: {  	v15 =	vcvt.f32.s32 v15;
	v23 =	vld [tilespmem:s16+$0x10];
	v14 =	vtrunc.f32 v14;
	v13 =	vadd.s32 v2, v13  }
0x164: {  	v24 =	vld [tilespmem:s16+$0xFFFFFFD0];
	v17 =	vtrunc.f32 v17;
	v14 =	vcvt.f32.s32 v14  }
0x165: {  	v10 =	vcvt.f32.s32 v10;
	v15 =	vadd.s32 v2, v15;
	v25 =	vld [tilespmem:s16+$0xFFFFFFF0];
	v17 =	vcvt.f32.s32 v17  }
0x166: {  	[tilespmem:v11+s7+$0x0] =	vst.idx.add.s32.msk $0xffff, v6;
	v6 =	vadd.s32 v2, v14  }
0x167: {  	v10 =	vadd.s32 v2, v10;
	v14 =	vadd.s32 v2, v16;
	v11 =	vld [tilespmem:s16+$0xFFFFFFE0]  }
0x168: {  	v16 =	vmul.f32 $1.500000000e+01, v22;
	v17 =	vadd.s32 v2, v17;
	v22 =	vld [tilespmem:s16+$0x0]  }
0x169: {  	v26 =	vld [tilespmem:s18+$0x20]  }
0x16a: {  	v24 =	vmul.f32 $1.500000000e+01, v24;
	[tilespmem:v13+s7+$0x0] =	vst.idx.add.s32.msk $0xffff, v9  }
0x16b: {  	v9 =	vmul.f32 $1.500000000e+01, v25;
	[tilespmem:v15+s7+$0x0] =	vst.idx.add.s32.msk $0xffff, v8  }
0x16c: {  	v8 =	vmul.f32 $1.500000000e+01, v11;
	[tilespmem:v10+s7+$0x0] =	vst.idx.add.s32.msk $0xffff, v3  }
0x16d: {  	v3 =	vtrunc.f32 v24;
	v10 =	vmul.f32 $1.500000000e+01, v22;
	[tilespmem:v6+s7+$0x0] =	vst.idx.add.s32.msk $0xffff, v5  }
0x16e: {  	v5 =	vcvt.f32.s32 v3;
	v6 =	vtrunc.f32 v9;
	v9 =	vshll.u32 v26, $0xE;
	[tilespmem:v12+s7+$0x0] =	vst.idx.add.s32.msk $0xffff, v7  }
0x16f: {  	v3 =	vshll.u32 v21, $0xE;
	v7 =	vtrunc.f32 v10;
	v10 =	vmul.f32 $1.500000000e+01, v23;
	[tilespmem:v14+s7+$0x0] =	vst.idx.add.s32.msk $0xffff, v4  }
0x170: {  	v3 =	vor.u32 $0x1, v3;
	v4 =	vtrunc.f32 v16;
	v12 =	vor.u32 $0x1, v9;
	v11 =	vld [tilespmem:s18+$0xFFFFFFC0]  }
0x171: {  	v9 =	vadd.s32 v2, v5;
	v5 =	vshll.u32 v20, $0xE;
	v7 =	vcvt.f32.s32 v7;
	v13 =	vld [tilespmem:s16+$0x30]  }
0x172: {  	v6 =	vcvt.f32.s32 v6;
	v5 =	vor.u32 $0x1, v5;
	v10 =	vtrunc.f32 v10;
	v14 =	vld [tilespmem:s18+$0x10]  }
0x173: {  	v15 =	vcvt.f32.s32 v4;
	v4 =	vshll.u32 v18, $0xE;
	v7 =	vadd.s32 v2, v7;
	[tilespmem:v17+s6+$0x0] =	vst.idx.add.s32.msk $0xffff, v12  }
0x174: {  	v16 =	vshll.u32 v19, $0xE;
	v4 =	vor.u32 $0x1, v4;
	v17 =	vadd.s32 v2, v6;
	v18 =	vld [tilespmem:s17+$0x20]  }
0x175: {  	v8 =	vtrunc.f32 v8;
	v10 =	vcvt.f32.s32 v10;
	v6 =	vor.u32 $0x1, v16;
	v16 =	vld [tilespmem:s18+$0x30]  }
0x176: {  	v15 =	vadd.s32 v2, v15;
	[tilespmem:v9+s6+$0x0] =	vst.idx.add.s32.msk $0xffff, v6;
	v9 =	vcvt.f32.s32 v8;
	v13 =	vmul.f32 $1.500000000e+01, v13  }
0x177: {  	v19 =	vld [tilespmem:s17+$0xFFFFFFD0];
	v8 =	vshll.u32 v14, $0xE  }
0x178: {  	v14 =	vadd.s32 v2, v10;
	[tilespmem:v7+s6+$0x0] =	vst.idx.add.s32.msk $0xffff, v3;
	v8 =	vor.u32 $0x1, v8;
	v7 =	vtrunc.f32 v13  }
0x179: {  	v10 =	vshll.u32 v11, $0xE;
	[tilespmem:v17+s6+$0x0] =	vst.idx.add.s32.msk $0xffff, v4;
	v11 =	vmul.f32 $1.500000000e+01, v18;
	v13 =	vcvt.f32.s32 v7  }
0x17a: {  	v7 =	vor.u32 $0x1, v10;
	v10 =	vld [tilespmem:s17+$0x0];
	v16 =	vshll.u32 v16, $0xE  }
0x17b: {  	[tilespmem:v15+s6+$0x0] =	vst.idx.add.s32.msk $0xffff, v7;
	v11 =	vtrunc.f32 v11;
	v13 =	vadd.s32 v2, v13  }
0x17c: {  	v15 =	vld [tilespmem:s17+$0xFFFFFFC0];
	v11 =	vcvt.f32.s32 v11  }
0x17d: {  	v17 =	vadd.s32 v2, v9;
	[tilespmem:v14+s6+$0x0] =	vst.idx.add.s32.msk $0xffff, v8  }
0x17e: {  	v14 =	vld [tilespmem:s17+$0x10];
	v11 =	vadd.s32 v2, v11  }
0x17f: {  	v9 =	vor.u32 $0x1, v16;
	v18 =	vmul.f32 $1.500000000e+01, v19;
	v19 =	vld [tilespmem:s17+$0xFFFFFFF0]  }
.Ltmp4:
0x180: {  	[tilespmem:v13+s6+$0x0] =	vst.idx.add.s32.msk $0xffff, v9;
	(pc) =	sbr.rel @p0 .LBB2_11-.Ltmp4, $4  }
0x181: {  	v16 =	vtrunc.f32 v18;
	v15 =	vmul.f32 $1.500000000e+01, v15;
	v13 =	vld [tilespmem:s17+$0x30]  }
0x182: {  	v16 =	vcvt.f32.s32 v16;
	[tilespmem:v17+s6+$0x0] =	vst.idx.add.s32.msk $0xffff, v5  }
0x183: {  	v17 =	vtrunc.f32 v15;
	v15 =	vmul.f32 $1.500000000e+01, v14;
	[tilespmem:v11+s7+$0x0] =	vst.idx.add.s32.msk $0xffff, v12  }
0x184: {  	s16 =	sadd.s32 $0x400, s16;
	v11 =	vadd.s32 v2, v16;
	v12 =	vcvt.f32.s32 v17;
	v14 =	vld [tilespmem:s17+$0xFFFFFFE0];
	v16 =	vmul.f32 $1.500000000e+01, v19  }
0x185: {  	_ = 	snop  }
0x186: {  	v15 =	vtrunc.f32 v15;
	v10 =	vmul.f32 $1.500000000e+01, v10  }
0x187: {  	v13 =	vmul.f32 $1.500000000e+01, v13;
	v15 =	vcvt.f32.s32 v15  }
0x188: {  	v16 =	vtrunc.f32 v16;
	v10 =	vtrunc.f32 v10  }
0x189: {  	v12 =	vadd.s32 v2, v12;
	v16 =	vcvt.f32.s32 v16;
	v14 =	vmul.f32 $1.500000000e+01, v14  }
0x18a: {  	v13 =	vtrunc.f32 v13;
	v10 =	vcvt.f32.s32 v10;
	v15 =	vadd.s32 v2, v15  }
0x18b: {  	v13 =	vcvt.f32.s32 v13;
	v63 =	vadd.s32 v2, v16;
	v14 =	vtrunc.f32 v14  }
0x18c: {  	v10 =	vadd.s32 v2, v10;
	v14 =	vcvt.f32.s32 v14  }
0x18d: {  	[tilespmem:v11+s7+$0x0] =	vst.idx.add.s32.msk $0xffff, v6;
	s11 =	sadd.s32 $0x1, s11;
	v13 =	vadd.s32 v2, v13  }
0x18e: {  	p0 =	sne.s32 s11, $0x8;
	[tilespmem:v12+s7+$0x0] =	vst.idx.add.s32.msk $0xffff, v7;
	v14 =	vadd.s32 v2, v14  }
.Ltmp5:
0x18f: {  	[tilespmem:v15+s7+$0x0] =	vst.idx.add.s32.msk $0xffff, v8;
	(pc) =	sbr.rel @p0 .LBB2_10-.Ltmp5, $4  }
0x190: {  	[tilespmem:v63+s7+$0x0] =	vst.idx.add.s32.msk $0xffff, v4  }
0x191: {  	[tilespmem:v10+s7+$0x0] =	vst.idx.add.s32.msk $0xffff, v3  }
0x192: {  	[tilespmem:v13+s7+$0x0] =	vst.idx.add.s32.msk $0xffff, v9  }
0x193: {  	s12 =	sadd.s32 $0x80, s12;
	s13 =	sadd.s32 $0x80, s13;
	s14 =	sadd.s32 $0x80, s14;
	[tilespmem:v14+s7+$0x0] =	vst.idx.add.s32.msk $0xffff, v5  }
0x194: {  	_ =	swait.ge [sflag:s8], $0x4000  }
0x195: {  	[sflag:s8] =	ssyncset.done $0x0  }
0x196: {  	[sflag:s8] =	ssyncadd.s32 $0xFFFFC000  }
0x197: {  	_ =	swait.ge [sflag:s8], $0x4000  }
0x198: {  	[sflag:s8] =	ssyncset.done $0x0  }
0x199: {  	[sflag:s8] =	ssyncadd.s32 $0xFFFFC000  }
0x19a: {  	_ =	swait.ge [sflag:s8], $0x4000  }
0x19b: {  	[sflag:s8] =	ssyncset.done $0x0  }
0x19c: {  	s11 =	simm.s32 $0x0;
	s12 =	rddreg [dreg:$0xf];
	[sflag:s8] =	ssyncadd.s32 $0xFFFFC000  }
0x19d: {  	[tilespmem:s11], [sflag:$0x1] =	stream.linear.gather [hbm4b:s12+s11], $0x4000, $0x38;
	[tilespmem:$0x1A400] =	vst v63  }
0x19e: {  	s13 =	simm.s32 $0x4040  }
0x19f: {  	[tilespmem:s30], [sflag:$0x1] =	stream.linear.gather [hbm4b:s23+s11], $0x4000, $0x38;
	[tilespmem:$0x1A400] =	vst v63  }
0x1a0: {  	s14 =	simm.s32 $0x14040;
	s18 =	rddreg [dreg:$0x10];
	s12 =	simm.s32 $0xC040  }
0x1a1: {  	[tilespmem:s31], [sflag:$0x1] =	stream.linear.gather [hbm4b:s18+s11], $0x4000, $0x38;
	[tilespmem:$0x1A400] =	vst v63  }
.LBB2_14:
0x1a2: {  	v3 =	vld [tilespmem:s13+$0x20]  }
0x1a3: {  	v7 =	vld [tilespmem:s13+$0xFFFFFFF0]  }
0x1a4: {  	v6 =	vld [tilespmem:s13+$0xFFFFFFD0]  }
0x1a5: {  	v4 =	vld [tilespmem:s14+$0xFFFFFFF0]  }
0x1a6: {  	v5 =	vld [tilespmem:s13+$0xFFFFFFC0]  }
0x1a7: {  	v8 =	vld [tilespmem:s13+$0x0];
	v3 =	vmul.f32 $1.500000000e+01, v3  }
0x1a8: {  	v9 =	vld [tilespmem:s13+$0xFFFFFFE0];
	v7 =	vmul.f32 $1.500000000e+01, v7  }
0x1a9: {  	v10 =	vld [tilespmem:s14+$0xFFFFFFD0];
	v6 =	vmul.f32 $1.500000000e+01, v6;
	v3 =	vtrunc.f32 v3  }
0x1aa: {  	v11 =	vld [tilespmem:s14+$0x20];
	v7 =	vtrunc.f32 v7;
	v3 =	vcvt.f32.s32 v3  }
0x1ab: {  	v13 =	vld [tilespmem:s13+$0x10];
	v7 =	vcvt.f32.s32 v7  }
0x1ac: {  	v12 =	vld [tilespmem:s14+$0x0];
	v8 =	vmul.f32 $1.500000000e+01, v8;
	v6 =	vtrunc.f32 v6;
	v3 =	vadd.s32 v2, v3  }
0x1ad: {  	v14 =	vld [tilespmem:s14+$0xFFFFFFE0];
	v6 =	vcvt.f32.s32 v6;
	v7 =	vadd.s32 v2, v7  }
0x1ae: {  	v15 =	vld [tilespmem:s14+$0xFFFFFFC0];
	v5 =	vmul.f32 $1.500000000e+01, v5;
	v8 =	vtrunc.f32 v8  }
0x1af: {  	v11 =	vshll.u32 v11, $0xE;
	v16 =	vadd.s32 v2, v6;
	v6 =	vcvt.f32.s32 v8;
	v8 =	vld [tilespmem:s13+$0x30]  }
0x1b0: {  	v17 =	vld [tilespmem:s14+$0x10];
	v13 =	vmul.f32 $1.500000000e+01, v13;
	v4 =	vshll.u32 v4, $0xE;
	v11 =	vor.u32 $0x1, v11  }
0x1b1: {  	v4 =	vor.u32 $0x1, v4;
	v5 =	vtrunc.f32 v5;
	[tilespmem:v3+s6+$0x0] =	vst.idx.add.s32.msk $0xffff, v11  }
0x1b2: {  	v13 =	vtrunc.f32 v13;
	v3 =	vcvt.f32.s32 v5;
	[tilespmem:v7+s6+$0x0] =	vst.idx.add.s32.msk $0xffff, v4  }
0x1b3: {  	v13 =	vcvt.f32.s32 v13;
	v18 =	vadd.s32 v2, v6;
	v5 =	vshll.u32 v10, $0xE;
	v10 =	vld [tilespmem:s12+$0x20]  }
0x1b4: {  	v8 =	vmul.f32 $1.500000000e+01, v8;
	v6 =	vor.u32 $0x1, v5;
	v5 =	vld [tilespmem:s14+$0x30];
	v19 =	vadd.s32 v2, v3  }
0x1b5: {  	v9 =	vmul.f32 $1.500000000e+01, v9;
	v20 =	vld [tilespmem:s12+$0xFFFFFFF0]  }
0x1b6: {  	v12 =	vshll.u32 v12, $0xE;
	v13 =	vadd.s32 v2, v13;
	[tilespmem:v16+s6+$0x0] =	vst.idx.add.s32.msk $0xffff, v6;
	v8 =	vtrunc.f32 v8  }
0x1b7: {  	v15 =	vshll.u32 v15, $0xE;
	v3 =	vor.u32 $0x1, v12;
	v12 =	vld [tilespmem:s12+$0xFFFFFFD0];
	v8 =	vcvt.f32.s32 v8  }
0x1b8: {  	v9 =	vtrunc.f32 v9;
	v7 =	vor.u32 $0x1, v15;
	[tilespmem:v18+s6+$0x0] =	vst.idx.add.s32.msk $0xffff, v3;
	v16 =	vmul.f32 $1.500000000e+01, v10  }
0x1b9: {  	v9 =	vcvt.f32.s32 v9;
	v15 =	vshll.u32 v17, $0xE;
	v17 =	vadd.s32 v2, v8;
	[tilespmem:v19+s6+$0x0] =	vst.idx.add.s32.msk $0xffff, v7  }
0x1ba: {  	v8 =	vor.u32 $0x1, v15;
	v16 =	vtrunc.f32 v16;
	v15 =	vld [tilespmem:s12+$0xFFFFFFC0]  }
0x1bb: {  	v18 =	vadd.s32 v2, v9;
	[tilespmem:v13+s6+$0x0] =	vst.idx.add.s32.msk $0xffff, v8;
	v16 =	vcvt.f32.s32 v16  }
0x1bc: {  	v5 =	vshll.u32 v5, $0xE;
	v19 =	vld [tilespmem:s12+$0x10]  }
0x1bd: {  	v10 =	vld [tilespmem:s12+$0x0];
	v9 =	vor.u32 $0x1, v5;
	v12 =	vmul.f32 $1.500000000e+01, v12;
	v16 =	vadd.s32 v2, v16  }
0x1be: {  	v5 =	vshll.u32 v14, $0xE;
	[tilespmem:v17+s6+$0x0] =	vst.idx.add.s32.msk $0xffff, v9  }
0x1bf: {  	v5 =	vor.u32 $0x1, v5;
	v12 =	vtrunc.f32 v12;
	v13 =	vld [tilespmem:s12+$0x30];
	v14 =	vmul.f32 $1.500000000e+01, v15  }
0x1c0: {  	[tilespmem:v18+s6+$0x0] =	vst.idx.add.s32.msk $0xffff, v5;
	v17 =	vcvt.f32.s32 v12  }
0x1c1: {  	s15 =	simm.s32 $0x0;
	v15 =	vmul.f32 $1.500000000e+01, v19;
	v12 =	vtrunc.f32 v14;
	v14 =	vld [tilespmem:s12+$0xFFFFFFE0]  }
0x1c2: {  	s16 =	sadd.s32 $0x400, s13;
	s17 =	smov.u32 s12;
	s18 =	smov.u32 s14;
	[tilespmem:v16+s7+$0x0] =	vst.idx.add.s32.msk $0xffff, v11;
	v12 =	vcvt.f32.s32 v12;
	v11 =	vadd.s32 v2, v17;
	v16 =	vmul.f32 $1.500000000e+01, v20  }
.LBB2_15:
0x1c3: {  	v17 =	vld [tilespmem:s16+$0x20];
	s15 =	sadd.s32 $0x80, s15;
	s17 =	sadd.s32 $0x400, s17;
	s18 =	sadd.s32 $0x400, s18  }
0x1c4: {  	v18 =	vld [tilespmem:s18+$0xFFFFFFF0];
	p0 =	slt.u32 s15, $0x780;
	v16 =	vtrunc.f32 v16;
	v13 =	vmul.f32 $1.500000000e+01, v13  }
0x1c5: {  	v15 =	vtrunc.f32 v15;
	v19 =	vld [tilespmem:s18+$0xFFFFFFD0];
	v16 =	vcvt.f32.s32 v16  }
0x1c6: {  	v10 =	vmul.f32 $1.500000000e+01, v10;
	v20 =	vld [tilespmem:s18+$0xFFFFFFE0];
	v13 =	vtrunc.f32 v13  }
0x1c7: {  	v12 =	vadd.s32 v2, v12;
	v21 =	vld [tilespmem:s18+$0x0];
	v14 =	vmul.f32 $1.500000000e+01, v14;
	v13 =	vcvt.f32.s32 v13  }
0x1c8: {  	v10 =	vtrunc.f32 v10;
	v22 =	vld [tilespmem:s16+$0xFFFFFFC0];
	v17 =	vmul.f32 $1.500000000e+01, v17  }
0x1c9: {  	v15 =	vcvt.f32.s32 v15;
	v23 =	vld [tilespmem:s16+$0x10];
	v14 =	vtrunc.f32 v14;
	v13 =	vadd.s32 v2, v13  }
0x1ca: {  	v24 =	vld [tilespmem:s16+$0xFFFFFFD0];
	v17 =	vtrunc.f32 v17;
	v14 =	vcvt.f32.s32 v14  }
0x1cb: {  	v10 =	vcvt.f32.s32 v10;
	v15 =	vadd.s32 v2, v15;
	v25 =	vld [tilespmem:s16+$0xFFFFFFF0];
	v17 =	vcvt.f32.s32 v17  }
0x1cc: {  	[tilespmem:v11+s7+$0x0] =	vst.idx.add.s32.msk $0xffff, v6;
	v6 =	vadd.s32 v2, v14  }
0x1cd: {  	v10 =	vadd.s32 v2, v10;
	v14 =	vadd.s32 v2, v16;
	v11 =	vld [tilespmem:s16+$0xFFFFFFE0]  }
0x1ce: {  	v16 =	vmul.f32 $1.500000000e+01, v22;
	v17 =	vadd.s32 v2, v17;
	v22 =	vld [tilespmem:s16+$0x0]  }
0x1cf: {  	v26 =	vld [tilespmem:s18+$0x20]  }
0x1d0: {  	v24 =	vmul.f32 $1.500000000e+01, v24;
	[tilespmem:v13+s7+$0x0] =	vst.idx.add.s32.msk $0xffff, v9  }
0x1d1: {  	v9 =	vmul.f32 $1.500000000e+01, v25;
	[tilespmem:v15+s7+$0x0] =	vst.idx.add.s32.msk $0xffff, v8  }
0x1d2: {  	v8 =	vmul.f32 $1.500000000e+01, v11;
	[tilespmem:v10+s7+$0x0] =	vst.idx.add.s32.msk $0xffff, v3  }
0x1d3: {  	v3 =	vtrunc.f32 v24;
	v10 =	vmul.f32 $1.500000000e+01, v22;
	[tilespmem:v6+s7+$0x0] =	vst.idx.add.s32.msk $0xffff, v5  }
0x1d4: {  	v5 =	vcvt.f32.s32 v3;
	v6 =	vtrunc.f32 v9;
	v9 =	vshll.u32 v26, $0xE;
	[tilespmem:v12+s7+$0x0] =	vst.idx.add.s32.msk $0xffff, v7  }
0x1d5: {  	v3 =	vshll.u32 v21, $0xE;
	v7 =	vtrunc.f32 v10;
	v10 =	vmul.f32 $1.500000000e+01, v23;
	[tilespmem:v14+s7+$0x0] =	vst.idx.add.s32.msk $0xffff, v4  }
0x1d6: {  	v3 =	vor.u32 $0x1, v3;
	v4 =	vtrunc.f32 v16;
	v12 =	vor.u32 $0x1, v9;
	v11 =	vld [tilespmem:s18+$0xFFFFFFC0]  }
0x1d7: {  	v9 =	vadd.s32 v2, v5;
	v5 =	vshll.u32 v20, $0xE;
	v7 =	vcvt.f32.s32 v7;
	v13 =	vld [tilespmem:s16+$0x30]  }
0x1d8: {  	v6 =	vcvt.f32.s32 v6;
	v5 =	vor.u32 $0x1, v5;
	v10 =	vtrunc.f32 v10;
	v14 =	vld [tilespmem:s18+$0x10]  }
0x1d9: {  	v15 =	vcvt.f32.s32 v4;
	v4 =	vshll.u32 v18, $0xE;
	v7 =	vadd.s32 v2, v7;
	[tilespmem:v17+s6+$0x0] =	vst.idx.add.s32.msk $0xffff, v12  }
0x1da: {  	v16 =	vshll.u32 v19, $0xE;
	v4 =	vor.u32 $0x1, v4;
	v17 =	vadd.s32 v2, v6;
	v18 =	vld [tilespmem:s17+$0x20]  }
0x1db: {  	v8 =	vtrunc.f32 v8;
	v10 =	vcvt.f32.s32 v10;
	v6 =	vor.u32 $0x1, v16;
	v16 =	vld [tilespmem:s18+$0x30]  }
0x1dc: {  	v15 =	vadd.s32 v2, v15;
	[tilespmem:v9+s6+$0x0] =	vst.idx.add.s32.msk $0xffff, v6;
	v9 =	vcvt.f32.s32 v8;
	v13 =	vmul.f32 $1.500000000e+01, v13  }
0x1dd: {  	v19 =	vld [tilespmem:s17+$0xFFFFFFD0];
	v8 =	vshll.u32 v14, $0xE  }
0x1de: {  	v14 =	vadd.s32 v2, v10;
	[tilespmem:v7+s6+$0x0] =	vst.idx.add.s32.msk $0xffff, v3;
	v8 =	vor.u32 $0x1, v8;
	v7 =	vtrunc.f32 v13  }
0x1df: {  	v10 =	vshll.u32 v11, $0xE;
	[tilespmem:v17+s6+$0x0] =	vst.idx.add.s32.msk $0xffff, v4;
	v11 =	vmul.f32 $1.500000000e+01, v18;
	v13 =	vcvt.f32.s32 v7  }
0x1e0: {  	v7 =	vor.u32 $0x1, v10;
	v10 =	vld [tilespmem:s17+$0x0];
	v16 =	vshll.u32 v16, $0xE  }
0x1e1: {  	[tilespmem:v15+s6+$0x0] =	vst.idx.add.s32.msk $0xffff, v7;
	v11 =	vtrunc.f32 v11;
	v13 =	vadd.s32 v2, v13  }
0x1e2: {  	v15 =	vld [tilespmem:s17+$0xFFFFFFC0];
	v11 =	vcvt.f32.s32 v11  }
0x1e3: {  	v17 =	vadd.s32 v2, v9;
	[tilespmem:v14+s6+$0x0] =	vst.idx.add.s32.msk $0xffff, v8  }
0x1e4: {  	v14 =	vld [tilespmem:s17+$0x10];
	v11 =	vadd.s32 v2, v11  }
0x1e5: {  	v9 =	vor.u32 $0x1, v16;
	v18 =	vmul.f32 $1.500000000e+01, v19;
	v19 =	vld [tilespmem:s17+$0xFFFFFFF0]  }
.Ltmp6:
0x1e6: {  	[tilespmem:v13+s6+$0x0] =	vst.idx.add.s32.msk $0xffff, v9;
	(pc) =	sbr.rel @p0 .LBB2_15-.Ltmp6, $4  }
0x1e7: {  	v16 =	vtrunc.f32 v18;
	v15 =	vmul.f32 $1.500000000e+01, v15;
	v13 =	vld [tilespmem:s17+$0x30]  }
0x1e8: {  	v16 =	vcvt.f32.s32 v16;
	[tilespmem:v17+s6+$0x0] =	vst.idx.add.s32.msk $0xffff, v5  }
0x1e9: {  	v17 =	vtrunc.f32 v15;
	v15 =	vmul.f32 $1.500000000e+01, v14;
	[tilespmem:v11+s7+$0x0] =	vst.idx.add.s32.msk $0xffff, v12  }
0x1ea: {  	s16 =	sadd.s32 $0x400, s16;
	v11 =	vadd.s32 v2, v16;
	v12 =	vcvt.f32.s32 v17;
	v14 =	vld [tilespmem:s17+$0xFFFFFFE0];
	v16 =	vmul.f32 $1.500000000e+01, v19  }
0x1eb: {  	_ = 	snop  }
0x1ec: {  	v15 =	vtrunc.f32 v15;
	v10 =	vmul.f32 $1.500000000e+01, v10  }
0x1ed: {  	v13 =	vmul.f32 $1.500000000e+01, v13;
	v15 =	vcvt.f32.s32 v15  }
0x1ee: {  	v16 =	vtrunc.f32 v16;
	v10 =	vtrunc.f32 v10  }
0x1ef: {  	v12 =	vadd.s32 v2, v12;
	v16 =	vcvt.f32.s32 v16;
	v14 =	vmul.f32 $1.500000000e+01, v14  }
0x1f0: {  	v13 =	vtrunc.f32 v13;
	v10 =	vcvt.f32.s32 v10;
	v15 =	vadd.s32 v2, v15  }
0x1f1: {  	v13 =	vcvt.f32.s32 v13;
	v63 =	vadd.s32 v2, v16;
	v14 =	vtrunc.f32 v14  }
0x1f2: {  	v10 =	vadd.s32 v2, v10;
	v14 =	vcvt.f32.s32 v14  }
0x1f3: {  	[tilespmem:v11+s7+$0x0] =	vst.idx.add.s32.msk $0xffff, v6;
	s11 =	sadd.s32 $0x1, s11;
	v13 =	vadd.s32 v2, v13  }
0x1f4: {  	p0 =	sne.s32 s11, $0x8;
	[tilespmem:v12+s7+$0x0] =	vst.idx.add.s32.msk $0xffff, v7;
	v14 =	vadd.s32 v2, v14  }
.Ltmp7:
0x1f5: {  	[tilespmem:v15+s7+$0x0] =	vst.idx.add.s32.msk $0xffff, v8;
	(pc) =	sbr.rel @p0 .LBB2_14-.Ltmp7, $4  }
0x1f6: {  	[tilespmem:v63+s7+$0x0] =	vst.idx.add.s32.msk $0xffff, v4  }
0x1f7: {  	[tilespmem:v10+s7+$0x0] =	vst.idx.add.s32.msk $0xffff, v3  }
0x1f8: {  	[tilespmem:v13+s7+$0x0] =	vst.idx.add.s32.msk $0xffff, v9  }
0x1f9: {  	s12 =	sadd.s32 $0x80, s12;
	s13 =	sadd.s32 $0x80, s13;
	s14 =	sadd.s32 $0x80, s14;
	[tilespmem:v14+s7+$0x0] =	vst.idx.add.s32.msk $0xffff, v5  }
0x1fa: {  	_ =	swait.ge [sflag:s0], $0x4000  }
0x1fb: {  	[sflag:s0] =	ssyncset.done $0x0  }
0x1fc: {  	[sflag:s0] =	ssyncadd.s32 $0xFFFFC000  }
0x1fd: {  	_ =	swait.ge [sflag:s0], $0x4000  }
0x1fe: {  	[sflag:s0] =	ssyncset.done $0x0  }
0x1ff: {  	[sflag:s0] =	ssyncadd.s32 $0xFFFFC000  }
0x200: {  	_ =	swait.ge [sflag:s0], $0x4000  }
0x201: {  	[sflag:s0] =	ssyncset.done $0x0  }
0x202: {  	s11 =	simm.s32 $0x0;
	s12 =	rddreg [dreg:$0x11];
	[sflag:s0] =	ssyncadd.s32 $0xFFFFC000  }
0x203: {  	[tilespmem:s1], [sflag:$0x2] =	stream.linear.gather [hbm4b:s12+s11], $0x4000, $0x38;
	[tilespmem:$0x1A400] =	vst v63  }
0x204: {  	s13 =	simm.s32 $0x40  }
0x205: {  	[tilespmem:s4], [sflag:$0x2] =	stream.linear.gather [hbm4b:s26+s11], $0x4000, $0x38;
	[tilespmem:$0x1A400] =	vst v63  }
0x206: {  	s14 =	simm.s32 $0x10040;
	s18 =	rddreg [dreg:$0x12];
	s12 =	simm.s32 $0x8040  }
0x207: {  	[tilespmem:s5], [sflag:$0x2] =	stream.linear.gather [hbm4b:s18+s11], $0x4000, $0x38;
	[tilespmem:$0x1A400] =	vst v63  }
.LBB2_18:
0x208: {  	v3 =	vld [tilespmem:s13+$0x20]  }
0x209: {  	v7 =	vld [tilespmem:s13+$0xFFFFFFF0]  }
0x20a: {  	v6 =	vld [tilespmem:s13+$0xFFFFFFD0]  }
0x20b: {  	v4 =	vld [tilespmem:s14+$0xFFFFFFF0]  }
0x20c: {  	v5 =	vld [tilespmem:s13+$0xFFFFFFC0]  }
0x20d: {  	v8 =	vld [tilespmem:s13+$0x0];
	v3 =	vmul.f32 $1.500000000e+01, v3  }
0x20e: {  	v9 =	vld [tilespmem:s13+$0xFFFFFFE0];
	v7 =	vmul.f32 $1.500000000e+01, v7  }
0x20f: {  	v10 =	vld [tilespmem:s14+$0xFFFFFFD0];
	v6 =	vmul.f32 $1.500000000e+01, v6;
	v3 =	vtrunc.f32 v3  }
0x210: {  	v11 =	vld [tilespmem:s14+$0x20];
	v7 =	vtrunc.f32 v7;
	v3 =	vcvt.f32.s32 v3  }
0x211: {  	v13 =	vld [tilespmem:s13+$0x10];
	v7 =	vcvt.f32.s32 v7  }
0x212: {  	v12 =	vld [tilespmem:s14+$0x0];
	v8 =	vmul.f32 $1.500000000e+01, v8;
	v6 =	vtrunc.f32 v6;
	v3 =	vadd.s32 v2, v3  }
0x213: {  	v14 =	vld [tilespmem:s14+$0xFFFFFFE0];
	v6 =	vcvt.f32.s32 v6;
	v7 =	vadd.s32 v2, v7  }
0x214: {  	v15 =	vld [tilespmem:s14+$0xFFFFFFC0];
	v5 =	vmul.f32 $1.500000000e+01, v5;
	v8 =	vtrunc.f32 v8  }
0x215: {  	v11 =	vshll.u32 v11, $0xE;
	v16 =	vadd.s32 v2, v6;
	v6 =	vcvt.f32.s32 v8;
	v8 =	vld [tilespmem:s13+$0x30]  }
0x216: {  	v17 =	vld [tilespmem:s14+$0x10];
	v13 =	vmul.f32 $1.500000000e+01, v13;
	v4 =	vshll.u32 v4, $0xE;
	v11 =	vor.u32 $0x1, v11  }
0x217: {  	v4 =	vor.u32 $0x1, v4;
	v5 =	vtrunc.f32 v5;
	[tilespmem:v3+s6+$0x0] =	vst.idx.add.s32.msk $0xffff, v11  }
0x218: {  	v13 =	vtrunc.f32 v13;
	v3 =	vcvt.f32.s32 v5;
	[tilespmem:v7+s6+$0x0] =	vst.idx.add.s32.msk $0xffff, v4  }
0x219: {  	v13 =	vcvt.f32.s32 v13;
	v18 =	vadd.s32 v2, v6;
	v5 =	vshll.u32 v10, $0xE;
	v10 =	vld [tilespmem:s12+$0x20]  }
0x21a: {  	v8 =	vmul.f32 $1.500000000e+01, v8;
	v6 =	vor.u32 $0x1, v5;
	v5 =	vld [tilespmem:s14+$0x30];
	v19 =	vadd.s32 v2, v3  }
0x21b: {  	v9 =	vmul.f32 $1.500000000e+01, v9;
	v20 =	vld [tilespmem:s12+$0xFFFFFFF0]  }
0x21c: {  	v12 =	vshll.u32 v12, $0xE;
	v13 =	vadd.s32 v2, v13;
	[tilespmem:v16+s6+$0x0] =	vst.idx.add.s32.msk $0xffff, v6;
	v8 =	vtrunc.f32 v8  }
0x21d: {  	v15 =	vshll.u32 v15, $0xE;
	v3 =	vor.u32 $0x1, v12;
	v12 =	vld [tilespmem:s12+$0xFFFFFFD0];
	v8 =	vcvt.f32.s32 v8  }
0x21e: {  	v9 =	vtrunc.f32 v9;
	v7 =	vor.u32 $0x1, v15;
	[tilespmem:v18+s6+$0x0] =	vst.idx.add.s32.msk $0xffff, v3;
	v16 =	vmul.f32 $1.500000000e+01, v10  }
0x21f: {  	v9 =	vcvt.f32.s32 v9;
	v15 =	vshll.u32 v17, $0xE;
	v17 =	vadd.s32 v2, v8;
	[tilespmem:v19+s6+$0x0] =	vst.idx.add.s32.msk $0xffff, v7  }
0x220: {  	v8 =	vor.u32 $0x1, v15;
	v16 =	vtrunc.f32 v16;
	v15 =	vld [tilespmem:s12+$0xFFFFFFC0]  }
0x221: {  	v18 =	vadd.s32 v2, v9;
	[tilespmem:v13+s6+$0x0] =	vst.idx.add.s32.msk $0xffff, v8;
	v16 =	vcvt.f32.s32 v16  }
0x222: {  	v5 =	vshll.u32 v5, $0xE;
	v19 =	vld [tilespmem:s12+$0x10]  }
0x223: {  	v10 =	vld [tilespmem:s12+$0x0];
	v9 =	vor.u32 $0x1, v5;
	v12 =	vmul.f32 $1.500000000e+01, v12;
	v16 =	vadd.s32 v2, v16  }
0x224: {  	v5 =	vshll.u32 v14, $0xE;
	[tilespmem:v17+s6+$0x0] =	vst.idx.add.s32.msk $0xffff, v9  }
0x225: {  	v5 =	vor.u32 $0x1, v5;
	v12 =	vtrunc.f32 v12;
	v13 =	vld [tilespmem:s12+$0x30];
	v14 =	vmul.f32 $1.500000000e+01, v15  }
0x226: {  	[tilespmem:v18+s6+$0x0] =	vst.idx.add.s32.msk $0xffff, v5;
	v17 =	vcvt.f32.s32 v12  }
0x227: {  	s15 =	simm.s32 $0x0;
	v15 =	vmul.f32 $1.500000000e+01, v19;
	v12 =	vtrunc.f32 v14;
	v14 =	vld [tilespmem:s12+$0xFFFFFFE0]  }
0x228: {  	s16 =	sadd.s32 $0x400, s13;
	s17 =	smov.u32 s12;
	s18 =	smov.u32 s14;
	[tilespmem:v16+s7+$0x0] =	vst.idx.add.s32.msk $0xffff, v11;
	v12 =	vcvt.f32.s32 v12;
	v11 =	vadd.s32 v2, v17;
	v16 =	vmul.f32 $1.500000000e+01, v20  }
.LBB2_19:
0x229: {  	v17 =	vld [tilespmem:s16+$0x20];
	s15 =	sadd.s32 $0x80, s15;
	s17 =	sadd.s32 $0x400, s17;
	s18 =	sadd.s32 $0x400, s18  }
0x22a: {  	v18 =	vld [tilespmem:s18+$0xFFFFFFF0];
	p0 =	slt.u32 s15, $0x780;
	v16 =	vtrunc.f32 v16;
	v13 =	vmul.f32 $1.500000000e+01, v13  }
0x22b: {  	v15 =	vtrunc.f32 v15;
	v19 =	vld [tilespmem:s18+$0xFFFFFFD0];
	v16 =	vcvt.f32.s32 v16  }
0x22c: {  	v10 =	vmul.f32 $1.500000000e+01, v10;
	v20 =	vld [tilespmem:s18+$0xFFFFFFE0];
	v13 =	vtrunc.f32 v13  }
0x22d: {  	v12 =	vadd.s32 v2, v12;
	v21 =	vld [tilespmem:s18+$0x0];
	v14 =	vmul.f32 $1.500000000e+01, v14;
	v13 =	vcvt.f32.s32 v13  }
0x22e: {  	v10 =	vtrunc.f32 v10;
	v22 =	vld [tilespmem:s16+$0xFFFFFFC0];
	v17 =	vmul.f32 $1.500000000e+01, v17  }
0x22f: {  	v15 =	vcvt.f32.s32 v15;
	v23 =	vld [tilespmem:s16+$0x10];
	v14 =	vtrunc.f32 v14;
	v13 =	vadd.s32 v2, v13  }
0x230: {  	v24 =	vld [tilespmem:s16+$0xFFFFFFD0];
	v17 =	vtrunc.f32 v17;
	v14 =	vcvt.f32.s32 v14  }
0x231: {  	v10 =	vcvt.f32.s32 v10;
	v15 =	vadd.s32 v2, v15;
	v25 =	vld [tilespmem:s16+$0xFFFFFFF0];
	v17 =	vcvt.f32.s32 v17  }
0x232: {  	[tilespmem:v11+s7+$0x0] =	vst.idx.add.s32.msk $0xffff, v6;
	v6 =	vadd.s32 v2, v14  }
0x233: {  	v10 =	vadd.s32 v2, v10;
	v14 =	vadd.s32 v2, v16;
	v11 =	vld [tilespmem:s16+$0xFFFFFFE0]  }
0x234: {  	v16 =	vmul.f32 $1.500000000e+01, v22;
	v17 =	vadd.s32 v2, v17;
	v22 =	vld [tilespmem:s16+$0x0]  }
0x235: {  	v26 =	vld [tilespmem:s18+$0x20]  }
0x236: {  	v24 =	vmul.f32 $1.500000000e+01, v24;
	[tilespmem:v13+s7+$0x0] =	vst.idx.add.s32.msk $0xffff, v9  }
0x237: {  	v9 =	vmul.f32 $1.500000000e+01, v25;
	[tilespmem:v15+s7+$0x0] =	vst.idx.add.s32.msk $0xffff, v8  }
0x238: {  	v8 =	vmul.f32 $1.500000000e+01, v11;
	[tilespmem:v10+s7+$0x0] =	vst.idx.add.s32.msk $0xffff, v3  }
0x239: {  	v3 =	vtrunc.f32 v24;
	v10 =	vmul.f32 $1.500000000e+01, v22;
	[tilespmem:v6+s7+$0x0] =	vst.idx.add.s32.msk $0xffff, v5  }
0x23a: {  	v5 =	vcvt.f32.s32 v3;
	v6 =	vtrunc.f32 v9;
	v9 =	vshll.u32 v26, $0xE;
	[tilespmem:v12+s7+$0x0] =	vst.idx.add.s32.msk $0xffff, v7  }
0x23b: {  	v3 =	vshll.u32 v21, $0xE;
	v7 =	vtrunc.f32 v10;
	v10 =	vmul.f32 $1.500000000e+01, v23;
	[tilespmem:v14+s7+$0x0] =	vst.idx.add.s32.msk $0xffff, v4  }
0x23c: {  	v3 =	vor.u32 $0x1, v3;
	v4 =	vtrunc.f32 v16;
	v12 =	vor.u32 $0x1, v9;
	v11 =	vld [tilespmem:s18+$0xFFFFFFC0]  }
0x23d: {  	v9 =	vadd.s32 v2, v5;
	v5 =	vshll.u32 v20, $0xE;
	v7 =	vcvt.f32.s32 v7;
	v13 =	vld [tilespmem:s16+$0x30]  }
0x23e: {  	v6 =	vcvt.f32.s32 v6;
	v5 =	vor.u32 $0x1, v5;
	v10 =	vtrunc.f32 v10;
	v14 =	vld [tilespmem:s18+$0x10]  }
0x23f: {  	v15 =	vcvt.f32.s32 v4;
	v4 =	vshll.u32 v18, $0xE;
	v7 =	vadd.s32 v2, v7;
	[tilespmem:v17+s6+$0x0] =	vst.idx.add.s32.msk $0xffff, v12  }
0x240: {  	v16 =	vshll.u32 v19, $0xE;
	v4 =	vor.u32 $0x1, v4;
	v17 =	vadd.s32 v2, v6;
	v18 =	vld [tilespmem:s17+$0x20]  }
0x241: {  	v8 =	vtrunc.f32 v8;
	v10 =	vcvt.f32.s32 v10;
	v6 =	vor.u32 $0x1, v16;
	v16 =	vld [tilespmem:s18+$0x30]  }
0x242: {  	v15 =	vadd.s32 v2, v15;
	[tilespmem:v9+s6+$0x0] =	vst.idx.add.s32.msk $0xffff, v6;
	v9 =	vcvt.f32.s32 v8;
	v13 =	vmul.f32 $1.500000000e+01, v13  }
0x243: {  	v19 =	vld [tilespmem:s17+$0xFFFFFFD0];
	v8 =	vshll.u32 v14, $0xE  }
0x244: {  	v14 =	vadd.s32 v2, v10;
	[tilespmem:v7+s6+$0x0] =	vst.idx.add.s32.msk $0xffff, v3;
	v8 =	vor.u32 $0x1, v8;
	v7 =	vtrunc.f32 v13  }
0x245: {  	v10 =	vshll.u32 v11, $0xE;
	[tilespmem:v17+s6+$0x0] =	vst.idx.add.s32.msk $0xffff, v4;
	v11 =	vmul.f32 $1.500000000e+01, v18;
	v13 =	vcvt.f32.s32 v7  }
0x246: {  	v7 =	vor.u32 $0x1, v10;
	v10 =	vld [tilespmem:s17+$0x0];
	v16 =	vshll.u32 v16, $0xE  }
0x247: {  	[tilespmem:v15+s6+$0x0] =	vst.idx.add.s32.msk $0xffff, v7;
	v11 =	vtrunc.f32 v11;
	v13 =	vadd.s32 v2, v13  }
0x248: {  	v15 =	vld [tilespmem:s17+$0xFFFFFFC0];
	v11 =	vcvt.f32.s32 v11  }
0x249: {  	v17 =	vadd.s32 v2, v9;
	[tilespmem:v14+s6+$0x0] =	vst.idx.add.s32.msk $0xffff, v8  }
0x24a: {  	v14 =	vld [tilespmem:s17+$0x10];
	v11 =	vadd.s32 v2, v11  }
0x24b: {  	v9 =	vor.u32 $0x1, v16;
	v18 =	vmul.f32 $1.500000000e+01, v19;
	v19 =	vld [tilespmem:s17+$0xFFFFFFF0]  }
.Ltmp8:
0x24c: {  	[tilespmem:v13+s6+$0x0] =	vst.idx.add.s32.msk $0xffff, v9;
	(pc) =	sbr.rel @p0 .LBB2_19-.Ltmp8, $4  }
0x24d: {  	v16 =	vtrunc.f32 v18;
	v15 =	vmul.f32 $1.500000000e+01, v15;
	v13 =	vld [tilespmem:s17+$0x30]  }
0x24e: {  	v16 =	vcvt.f32.s32 v16;
	[tilespmem:v17+s6+$0x0] =	vst.idx.add.s32.msk $0xffff, v5  }
0x24f: {  	v17 =	vtrunc.f32 v15;
	v15 =	vmul.f32 $1.500000000e+01, v14;
	[tilespmem:v11+s7+$0x0] =	vst.idx.add.s32.msk $0xffff, v12  }
0x250: {  	s16 =	sadd.s32 $0x400, s16;
	v11 =	vadd.s32 v2, v16;
	v12 =	vcvt.f32.s32 v17;
	v14 =	vld [tilespmem:s17+$0xFFFFFFE0];
	v16 =	vmul.f32 $1.500000000e+01, v19  }
0x251: {  	_ = 	snop  }
0x252: {  	v15 =	vtrunc.f32 v15;
	v10 =	vmul.f32 $1.500000000e+01, v10  }
0x253: {  	v13 =	vmul.f32 $1.500000000e+01, v13;
	v15 =	vcvt.f32.s32 v15  }
0x254: {  	v16 =	vtrunc.f32 v16;
	v10 =	vtrunc.f32 v10  }
0x255: {  	v12 =	vadd.s32 v2, v12;
	v16 =	vcvt.f32.s32 v16;
	v14 =	vmul.f32 $1.500000000e+01, v14  }
0x256: {  	v13 =	vtrunc.f32 v13;
	v10 =	vcvt.f32.s32 v10;
	v15 =	vadd.s32 v2, v15  }
0x257: {  	v13 =	vcvt.f32.s32 v13;
	v63 =	vadd.s32 v2, v16;
	v14 =	vtrunc.f32 v14  }
0x258: {  	v10 =	vadd.s32 v2, v10;
	v14 =	vcvt.f32.s32 v14  }
0x259: {  	[tilespmem:v11+s7+$0x0] =	vst.idx.add.s32.msk $0xffff, v6;
	s11 =	sadd.s32 $0x1, s11;
	v13 =	vadd.s32 v2, v13  }
0x25a: {  	p0 =	sne.s32 s11, $0x8;
	[tilespmem:v12+s7+$0x0] =	vst.idx.add.s32.msk $0xffff, v7;
	v14 =	vadd.s32 v2, v14  }
.Ltmp9:
0x25b: {  	[tilespmem:v15+s7+$0x0] =	vst.idx.add.s32.msk $0xffff, v8;
	(pc) =	sbr.rel @p0 .LBB2_18-.Ltmp9, $4  }
0x25c: {  	[tilespmem:v63+s7+$0x0] =	vst.idx.add.s32.msk $0xffff, v4  }
0x25d: {  	[tilespmem:v10+s7+$0x0] =	vst.idx.add.s32.msk $0xffff, v3  }
0x25e: {  	[tilespmem:v13+s7+$0x0] =	vst.idx.add.s32.msk $0xffff, v9  }
0x25f: {  	s12 =	sadd.s32 $0x80, s12;
	s13 =	sadd.s32 $0x80, s13;
	s14 =	sadd.s32 $0x80, s14;
	[tilespmem:v14+s7+$0x0] =	vst.idx.add.s32.msk $0xffff, v5  }
0x260: {  	_ =	swait.ge [sflag:s8], $0x4000  }
0x261: {  	[sflag:s8] =	ssyncset.done $0x0  }
0x262: {  	[sflag:s8] =	ssyncadd.s32 $0xFFFFC000  }
0x263: {  	_ =	swait.ge [sflag:s8], $0x4000  }
0x264: {  	[sflag:s8] =	ssyncset.done $0x0  }
0x265: {  	[sflag:s8] =	ssyncadd.s32 $0xFFFFC000  }
0x266: {  	_ =	swait.ge [sflag:s8], $0x4000  }
0x267: {  	[sflag:s8] =	ssyncset.done $0x0  }
0x268: {  	s11 =	simm.s32 $0x0;
	[sflag:s8] =	ssyncadd.s32 $0xFFFFC000  }
0x269: {  	[tilespmem:s11], [sflag:$0x1] =	stream.linear.gather [hbm4b:s19+s11], $0x4000, $0x38;
	[tilespmem:$0x1A400] =	vst v63  }
0x26a: {  	_ = 	snop  }
0x26b: {  	[tilespmem:s30], [sflag:$0x1] =	stream.linear.gather [hbm4b:s28+s11], $0x4000, $0x38;
	[tilespmem:$0x1A400] =	vst v63  }
0x26c: {  	s12 =	simm.s32 $0xC040;
	s13 =	simm.s32 $0x4040;
	s14 =	simm.s32 $0x14040  }
0x26d: {  	[tilespmem:s31], [sflag:$0x1] =	stream.linear.gather [hbm4b:s20+s11], $0x4000, $0x38;
	[tilespmem:$0x1A400] =	vst v63  }
.LBB2_22:
0x26e: {  	v3 =	vld [tilespmem:s13+$0x20]  }
0x26f: {  	v7 =	vld [tilespmem:s13+$0xFFFFFFF0]  }
0x270: {  	v6 =	vld [tilespmem:s13+$0xFFFFFFD0]  }
0x271: {  	v4 =	vld [tilespmem:s14+$0xFFFFFFF0]  }
0x272: {  	v5 =	vld [tilespmem:s13+$0xFFFFFFC0]  }
0x273: {  	v8 =	vld [tilespmem:s13+$0x0];
	v3 =	vmul.f32 $1.500000000e+01, v3  }
0x274: {  	v9 =	vld [tilespmem:s13+$0xFFFFFFE0];
	v7 =	vmul.f32 $1.500000000e+01, v7  }
0x275: {  	v10 =	vld [tilespmem:s14+$0xFFFFFFD0];
	v6 =	vmul.f32 $1.500000000e+01, v6;
	v3 =	vtrunc.f32 v3  }
0x276: {  	v11 =	vld [tilespmem:s14+$0x20];
	v7 =	vtrunc.f32 v7;
	v3 =	vcvt.f32.s32 v3  }
0x277: {  	v13 =	vld [tilespmem:s13+$0x10];
	v7 =	vcvt.f32.s32 v7  }
0x278: {  	v12 =	vld [tilespmem:s14+$0x0];
	v8 =	vmul.f32 $1.500000000e+01, v8;
	v6 =	vtrunc.f32 v6;
	v3 =	vadd.s32 v2, v3  }
0x279: {  	v14 =	vld [tilespmem:s14+$0xFFFFFFE0];
	v6 =	vcvt.f32.s32 v6;
	v7 =	vadd.s32 v2, v7  }
0x27a: {  	v15 =	vld [tilespmem:s14+$0xFFFFFFC0];
	v5 =	vmul.f32 $1.500000000e+01, v5;
	v8 =	vtrunc.f32 v8  }
0x27b: {  	v11 =	vshll.u32 v11, $0xE;
	v16 =	vadd.s32 v2, v6;
	v6 =	vcvt.f32.s32 v8;
	v8 =	vld [tilespmem:s13+$0x30]  }
0x27c: {  	v17 =	vld [tilespmem:s14+$0x10];
	v13 =	vmul.f32 $1.500000000e+01, v13;
	v4 =	vshll.u32 v4, $0xE;
	v11 =	vor.u32 $0x1, v11  }
0x27d: {  	v4 =	vor.u32 $0x1, v4;
	v5 =	vtrunc.f32 v5;
	[tilespmem:v3+s6+$0x0] =	vst.idx.add.s32.msk $0xffff, v11  }
0x27e: {  	v13 =	vtrunc.f32 v13;
	v3 =	vcvt.f32.s32 v5;
	[tilespmem:v7+s6+$0x0] =	vst.idx.add.s32.msk $0xffff, v4  }
0x27f: {  	v13 =	vcvt.f32.s32 v13;
	v18 =	vadd.s32 v2, v6;
	v5 =	vshll.u32 v10, $0xE;
	v10 =	vld [tilespmem:s12+$0x20]  }
0x280: {  	v8 =	vmul.f32 $1.500000000e+01, v8;
	v6 =	vor.u32 $0x1, v5;
	v5 =	vld [tilespmem:s14+$0x30];
	v19 =	vadd.s32 v2, v3  }
0x281: {  	v9 =	vmul.f32 $1.500000000e+01, v9;
	v20 =	vld [tilespmem:s12+$0xFFFFFFF0]  }
0x282: {  	v12 =	vshll.u32 v12, $0xE;
	v13 =	vadd.s32 v2, v13;
	[tilespmem:v16+s6+$0x0] =	vst.idx.add.s32.msk $0xffff, v6;
	v8 =	vtrunc.f32 v8  }
0x283: {  	v15 =	vshll.u32 v15, $0xE;
	v3 =	vor.u32 $0x1, v12;
	v12 =	vld [tilespmem:s12+$0xFFFFFFD0];
	v8 =	vcvt.f32.s32 v8  }
0x284: {  	v9 =	vtrunc.f32 v9;
	v7 =	vor.u32 $0x1, v15;
	[tilespmem:v18+s6+$0x0] =	vst.idx.add.s32.msk $0xffff, v3;
	v16 =	vmul.f32 $1.500000000e+01, v10  }
0x285: {  	v9 =	vcvt.f32.s32 v9;
	v15 =	vshll.u32 v17, $0xE;
	v17 =	vadd.s32 v2, v8;
	[tilespmem:v19+s6+$0x0] =	vst.idx.add.s32.msk $0xffff, v7  }
0x286: {  	v8 =	vor.u32 $0x1, v15;
	v16 =	vtrunc.f32 v16;
	v15 =	vld [tilespmem:s12+$0xFFFFFFC0]  }
0x287: {  	v18 =	vadd.s32 v2, v9;
	[tilespmem:v13+s6+$0x0] =	vst.idx.add.s32.msk $0xffff, v8;
	v16 =	vcvt.f32.s32 v16  }
0x288: {  	v5 =	vshll.u32 v5, $0xE;
	v19 =	vld [tilespmem:s12+$0x10]  }
0x289: {  	v10 =	vld [tilespmem:s12+$0x0];
	v9 =	vor.u32 $0x1, v5;
	v12 =	vmul.f32 $1.500000000e+01, v12;
	v16 =	vadd.s32 v2, v16  }
0x28a: {  	v5 =	vshll.u32 v14, $0xE;
	[tilespmem:v17+s6+$0x0] =	vst.idx.add.s32.msk $0xffff, v9  }
0x28b: {  	v5 =	vor.u32 $0x1, v5;
	v12 =	vtrunc.f32 v12;
	v13 =	vld [tilespmem:s12+$0x30];
	v14 =	vmul.f32 $1.500000000e+01, v15  }
0x28c: {  	[tilespmem:v18+s6+$0x0] =	vst.idx.add.s32.msk $0xffff, v5;
	v17 =	vcvt.f32.s32 v12  }
0x28d: {  	s15 =	simm.s32 $0x0;
	v15 =	vmul.f32 $1.500000000e+01, v19;
	v12 =	vtrunc.f32 v14;
	v14 =	vld [tilespmem:s12+$0xFFFFFFE0]  }
0x28e: {  	s16 =	sadd.s32 $0x400, s13;
	s17 =	smov.u32 s12;
	s18 =	smov.u32 s14;
	[tilespmem:v16+s7+$0x0] =	vst.idx.add.s32.msk $0xffff, v11;
	v12 =	vcvt.f32.s32 v12;
	v11 =	vadd.s32 v2, v17;
	v16 =	vmul.f32 $1.500000000e+01, v20  }
.LBB2_23:
0x28f: {  	v17 =	vld [tilespmem:s16+$0x20];
	s15 =	sadd.s32 $0x80, s15;
	s17 =	sadd.s32 $0x400, s17;
	s18 =	sadd.s32 $0x400, s18  }
0x290: {  	v18 =	vld [tilespmem:s18+$0xFFFFFFF0];
	p0 =	slt.u32 s15, $0x780;
	v16 =	vtrunc.f32 v16;
	v13 =	vmul.f32 $1.500000000e+01, v13  }
0x291: {  	v15 =	vtrunc.f32 v15;
	v19 =	vld [tilespmem:s18+$0xFFFFFFD0];
	v16 =	vcvt.f32.s32 v16  }
0x292: {  	v10 =	vmul.f32 $1.500000000e+01, v10;
	v20 =	vld [tilespmem:s18+$0xFFFFFFE0];
	v13 =	vtrunc.f32 v13  }
0x293: {  	v12 =	vadd.s32 v2, v12;
	v21 =	vld [tilespmem:s18+$0x0];
	v14 =	vmul.f32 $1.500000000e+01, v14;
	v13 =	vcvt.f32.s32 v13  }
0x294: {  	v10 =	vtrunc.f32 v10;
	v22 =	vld [tilespmem:s16+$0xFFFFFFC0];
	v17 =	vmul.f32 $1.500000000e+01, v17  }
0x295: {  	v15 =	vcvt.f32.s32 v15;
	v23 =	vld [tilespmem:s16+$0x10];
	v14 =	vtrunc.f32 v14;
	v13 =	vadd.s32 v2, v13  }
0x296: {  	v24 =	vld [tilespmem:s16+$0xFFFFFFD0];
	v17 =	vtrunc.f32 v17;
	v14 =	vcvt.f32.s32 v14  }
0x297: {  	v10 =	vcvt.f32.s32 v10;
	v15 =	vadd.s32 v2, v15;
	v25 =	vld [tilespmem:s16+$0xFFFFFFF0];
	v17 =	vcvt.f32.s32 v17  }
0x298: {  	[tilespmem:v11+s7+$0x0] =	vst.idx.add.s32.msk $0xffff, v6;
	v6 =	vadd.s32 v2, v14  }
0x299: {  	v10 =	vadd.s32 v2, v10;
	v14 =	vadd.s32 v2, v16;
	v11 =	vld [tilespmem:s16+$0xFFFFFFE0]  }
0x29a: {  	v16 =	vmul.f32 $1.500000000e+01, v22;
	v17 =	vadd.s32 v2, v17;
	v22 =	vld [tilespmem:s16+$0x0]  }
0x29b: {  	v26 =	vld [tilespmem:s18+$0x20]  }
0x29c: {  	v24 =	vmul.f32 $1.500000000e+01, v24;
	[tilespmem:v13+s7+$0x0] =	vst.idx.add.s32.msk $0xffff, v9  }
0x29d: {  	v9 =	vmul.f32 $1.500000000e+01, v25;
	[tilespmem:v15+s7+$0x0] =	vst.idx.add.s32.msk $0xffff, v8  }
0x29e: {  	v8 =	vmul.f32 $1.500000000e+01, v11;
	[tilespmem:v10+s7+$0x0] =	vst.idx.add.s32.msk $0xffff, v3  }
0x29f: {  	v3 =	vtrunc.f32 v24;
	v10 =	vmul.f32 $1.500000000e+01, v22;
	[tilespmem:v6+s7+$0x0] =	vst.idx.add.s32.msk $0xffff, v5  }
0x2a0: {  	v5 =	vcvt.f32.s32 v3;
	v6 =	vtrunc.f32 v9;
	v9 =	vshll.u32 v26, $0xE;
	[tilespmem:v12+s7+$0x0] =	vst.idx.add.s32.msk $0xffff, v7  }
0x2a1: {  	v3 =	vshll.u32 v21, $0xE;
	v7 =	vtrunc.f32 v10;
	v10 =	vmul.f32 $1.500000000e+01, v23;
	[tilespmem:v14+s7+$0x0] =	vst.idx.add.s32.msk $0xffff, v4  }
0x2a2: {  	v3 =	vor.u32 $0x1, v3;
	v4 =	vtrunc.f32 v16;
	v12 =	vor.u32 $0x1, v9;
	v11 =	vld [tilespmem:s18+$0xFFFFFFC0]  }
0x2a3: {  	v9 =	vadd.s32 v2, v5;
	v5 =	vshll.u32 v20, $0xE;
	v7 =	vcvt.f32.s32 v7;
	v13 =	vld [tilespmem:s16+$0x30]  }
0x2a4: {  	v6 =	vcvt.f32.s32 v6;
	v5 =	vor.u32 $0x1, v5;
	v10 =	vtrunc.f32 v10;
	v14 =	vld [tilespmem:s18+$0x10]  }
0x2a5: {  	v15 =	vcvt.f32.s32 v4;
	v4 =	vshll.u32 v18, $0xE;
	v7 =	vadd.s32 v2, v7;
	[tilespmem:v17+s6+$0x0] =	vst.idx.add.s32.msk $0xffff, v12  }
0x2a6: {  	v16 =	vshll.u32 v19, $0xE;
	v4 =	vor.u32 $0x1, v4;
	v17 =	vadd.s32 v2, v6;
	v18 =	vld [tilespmem:s17+$0x20]  }
0x2a7: {  	v8 =	vtrunc.f32 v8;
	v10 =	vcvt.f32.s32 v10;
	v6 =	vor.u32 $0x1, v16;
	v16 =	vld [tilespmem:s18+$0x30]  }
0x2a8: {  	v15 =	vadd.s32 v2, v15;
	[tilespmem:v9+s6+$0x0] =	vst.idx.add.s32.msk $0xffff, v6;
	v9 =	vcvt.f32.s32 v8;
	v13 =	vmul.f32 $1.500000000e+01, v13  }
0x2a9: {  	v19 =	vld [tilespmem:s17+$0xFFFFFFD0];
	v8 =	vshll.u32 v14, $0xE  }
0x2aa: {  	v14 =	vadd.s32 v2, v10;
	[tilespmem:v7+s6+$0x0] =	vst.idx.add.s32.msk $0xffff, v3;
	v8 =	vor.u32 $0x1, v8;
	v7 =	vtrunc.f32 v13  }
0x2ab: {  	v10 =	vshll.u32 v11, $0xE;
	[tilespmem:v17+s6+$0x0] =	vst.idx.add.s32.msk $0xffff, v4;
	v11 =	vmul.f32 $1.500000000e+01, v18;
	v13 =	vcvt.f32.s32 v7  }
0x2ac: {  	v7 =	vor.u32 $0x1, v10;
	v10 =	vld [tilespmem:s17+$0x0];
	v16 =	vshll.u32 v16, $0xE  }
0x2ad: {  	[tilespmem:v15+s6+$0x0] =	vst.idx.add.s32.msk $0xffff, v7;
	v11 =	vtrunc.f32 v11;
	v13 =	vadd.s32 v2, v13  }
0x2ae: {  	v15 =	vld [tilespmem:s17+$0xFFFFFFC0];
	v11 =	vcvt.f32.s32 v11  }
0x2af: {  	v17 =	vadd.s32 v2, v9;
	[tilespmem:v14+s6+$0x0] =	vst.idx.add.s32.msk $0xffff, v8  }
0x2b0: {  	v14 =	vld [tilespmem:s17+$0x10];
	v11 =	vadd.s32 v2, v11  }
0x2b1: {  	v9 =	vor.u32 $0x1, v16;
	v18 =	vmul.f32 $1.500000000e+01, v19;
	v19 =	vld [tilespmem:s17+$0xFFFFFFF0]  }
.Ltmp10:
0x2b2: {  	[tilespmem:v13+s6+$0x0] =	vst.idx.add.s32.msk $0xffff, v9;
	(pc) =	sbr.rel @p0 .LBB2_23-.Ltmp10, $4  }
0x2b3: {  	v16 =	vtrunc.f32 v18;
	v15 =	vmul.f32 $1.500000000e+01, v15;
	v13 =	vld [tilespmem:s17+$0x30]  }
0x2b4: {  	v16 =	vcvt.f32.s32 v16;
	[tilespmem:v17+s6+$0x0] =	vst.idx.add.s32.msk $0xffff, v5  }
0x2b5: {  	v17 =	vtrunc.f32 v15;
	v15 =	vmul.f32 $1.500000000e+01, v14;
	[tilespmem:v11+s7+$0x0] =	vst.idx.add.s32.msk $0xffff, v12  }
0x2b6: {  	s16 =	sadd.s32 $0x400, s16;
	v11 =	vadd.s32 v2, v16;
	v12 =	vcvt.f32.s32 v17;
	v14 =	vld [tilespmem:s17+$0xFFFFFFE0];
	v16 =	vmul.f32 $1.500000000e+01, v19  }
0x2b7: {  	_ = 	snop  }
0x2b8: {  	v15 =	vtrunc.f32 v15;
	v10 =	vmul.f32 $1.500000000e+01, v10  }
0x2b9: {  	v13 =	vmul.f32 $1.500000000e+01, v13;
	v15 =	vcvt.f32.s32 v15  }
0x2ba: {  	v16 =	vtrunc.f32 v16;
	v10 =	vtrunc.f32 v10  }
0x2bb: {  	v12 =	vadd.s32 v2, v12;
	v16 =	vcvt.f32.s32 v16;
	v14 =	vmul.f32 $1.500000000e+01, v14  }
0x2bc: {  	v13 =	vtrunc.f32 v13;
	v10 =	vcvt.f32.s32 v10;
	v15 =	vadd.s32 v2, v15  }
0x2bd: {  	v13 =	vcvt.f32.s32 v13;
	v63 =	vadd.s32 v2, v16;
	v14 =	vtrunc.f32 v14  }
0x2be: {  	v10 =	vadd.s32 v2, v10;
	v14 =	vcvt.f32.s32 v14  }
0x2bf: {  	[tilespmem:v11+s7+$0x0] =	vst.idx.add.s32.msk $0xffff, v6;
	s11 =	sadd.s32 $0x1, s11;
	v13 =	vadd.s32 v2, v13  }
0x2c0: {  	p0 =	sne.s32 s11, $0x8;
	[tilespmem:v12+s7+$0x0] =	vst.idx.add.s32.msk $0xffff, v7;
	v14 =	vadd.s32 v2, v14  }
.Ltmp11:
0x2c1: {  	[tilespmem:v15+s7+$0x0] =	vst.idx.add.s32.msk $0xffff, v8;
	(pc) =	sbr.rel @p0 .LBB2_22-.Ltmp11, $4  }
0x2c2: {  	[tilespmem:v63+s7+$0x0] =	vst.idx.add.s32.msk $0xffff, v4  }
0x2c3: {  	[tilespmem:v10+s7+$0x0] =	vst.idx.add.s32.msk $0xffff, v3  }
0x2c4: {  	[tilespmem:v13+s7+$0x0] =	vst.idx.add.s32.msk $0xffff, v9  }
0x2c5: {  	s12 =	sadd.s32 $0x80, s12;
	s13 =	sadd.s32 $0x80, s13;
	s14 =	sadd.s32 $0x80, s14;
	[tilespmem:v14+s7+$0x0] =	vst.idx.add.s32.msk $0xffff, v5  }
0x2c6: {  	_ =	swait.ge [sflag:s0], $0x4000  }
0x2c7: {  	[sflag:s0] =	ssyncset.done $0x0  }
0x2c8: {  	[sflag:s0] =	ssyncadd.s32 $0xFFFFC000  }
0x2c9: {  	_ =	swait.ge [sflag:s0], $0x4000  }
0x2ca: {  	[sflag:s0] =	ssyncset.done $0x0  }
0x2cb: {  	[sflag:s0] =	ssyncadd.s32 $0xFFFFC000  }
0x2cc: {  	_ =	swait.ge [sflag:s0], $0x4000  }
0x2cd: {  	[sflag:s0] =	ssyncset.done $0x0  }
0x2ce: {  	s11 =	simm.s32 $0x0;
	[sflag:s0] =	ssyncadd.s32 $0xFFFFC000  }
0x2cf: {  	[tilespmem:s1], [sflag:$0x2] =	stream.linear.gather [hbm4b:s21+s11], $0x4000, $0x38;
	[tilespmem:$0x1A400] =	vst v63  }
0x2d0: {  	_ = 	snop  }
0x2d1: {  	[tilespmem:s4], [sflag:$0x2] =	stream.linear.gather [hbm4b:s29+s11], $0x4000, $0x38;
	[tilespmem:$0x1A400] =	vst v63  }
0x2d2: {  	s12 =	simm.s32 $0x8040;
	s13 =	simm.s32 $0x40;
	s14 =	simm.s32 $0x10040  }
0x2d3: {  	[tilespmem:s5], [sflag:$0x2] =	stream.linear.gather [hbm4b:s22+s11], $0x4000, $0x38;
	[tilespmem:$0x1A400] =	vst v63  }
.LBB2_26:
0x2d4: {  	v3 =	vld [tilespmem:s13+$0x20]  }
0x2d5: {  	v7 =	vld [tilespmem:s13+$0xFFFFFFF0]  }
0x2d6: {  	v6 =	vld [tilespmem:s13+$0xFFFFFFD0]  }
0x2d7: {  	v4 =	vld [tilespmem:s14+$0xFFFFFFF0]  }
0x2d8: {  	v5 =	vld [tilespmem:s13+$0xFFFFFFC0]  }
0x2d9: {  	v8 =	vld [tilespmem:s13+$0x0];
	v3 =	vmul.f32 $1.500000000e+01, v3  }
0x2da: {  	v9 =	vld [tilespmem:s13+$0xFFFFFFE0];
	v7 =	vmul.f32 $1.500000000e+01, v7  }
0x2db: {  	v10 =	vld [tilespmem:s14+$0xFFFFFFD0];
	v6 =	vmul.f32 $1.500000000e+01, v6;
	v3 =	vtrunc.f32 v3  }
0x2dc: {  	v11 =	vld [tilespmem:s14+$0x20];
	v7 =	vtrunc.f32 v7;
	v3 =	vcvt.f32.s32 v3  }
0x2dd: {  	v13 =	vld [tilespmem:s13+$0x10];
	v7 =	vcvt.f32.s32 v7  }
0x2de: {  	v12 =	vld [tilespmem:s14+$0x0];
	v8 =	vmul.f32 $1.500000000e+01, v8;
	v6 =	vtrunc.f32 v6;
	v3 =	vadd.s32 v2, v3  }
0x2df: {  	v14 =	vld [tilespmem:s14+$0xFFFFFFE0];
	v6 =	vcvt.f32.s32 v6;
	v7 =	vadd.s32 v2, v7  }
0x2e0: {  	v15 =	vld [tilespmem:s14+$0xFFFFFFC0];
	v5 =	vmul.f32 $1.500000000e+01, v5;
	v8 =	vtrunc.f32 v8  }
0x2e1: {  	v11 =	vshll.u32 v11, $0xE;
	v16 =	vadd.s32 v2, v6;
	v6 =	vcvt.f32.s32 v8;
	v8 =	vld [tilespmem:s13+$0x30]  }
0x2e2: {  	v17 =	vld [tilespmem:s14+$0x10];
	v13 =	vmul.f32 $1.500000000e+01, v13;
	v4 =	vshll.u32 v4, $0xE;
	v11 =	vor.u32 $0x1, v11  }
0x2e3: {  	v4 =	vor.u32 $0x1, v4;
	v5 =	vtrunc.f32 v5;
	[tilespmem:v3+s6+$0x0] =	vst.idx.add.s32.msk $0xffff, v11  }
0x2e4: {  	v13 =	vtrunc.f32 v13;
	v3 =	vcvt.f32.s32 v5;
	[tilespmem:v7+s6+$0x0] =	vst.idx.add.s32.msk $0xffff, v4  }
0x2e5: {  	v13 =	vcvt.f32.s32 v13;
	v18 =	vadd.s32 v2, v6;
	v5 =	vshll.u32 v10, $0xE;
	v10 =	vld [tilespmem:s12+$0x20]  }
0x2e6: {  	v8 =	vmul.f32 $1.500000000e+01, v8;
	v6 =	vor.u32 $0x1, v5;
	v5 =	vld [tilespmem:s14+$0x30];
	v19 =	vadd.s32 v2, v3  }
0x2e7: {  	v9 =	vmul.f32 $1.500000000e+01, v9;
	v20 =	vld [tilespmem:s12+$0xFFFFFFF0]  }
0x2e8: {  	v12 =	vshll.u32 v12, $0xE;
	v13 =	vadd.s32 v2, v13;
	[tilespmem:v16+s6+$0x0] =	vst.idx.add.s32.msk $0xffff, v6;
	v8 =	vtrunc.f32 v8  }
0x2e9: {  	v15 =	vshll.u32 v15, $0xE;
	v3 =	vor.u32 $0x1, v12;
	v12 =	vld [tilespmem:s12+$0xFFFFFFD0];
	v8 =	vcvt.f32.s32 v8  }
0x2ea: {  	v9 =	vtrunc.f32 v9;
	v7 =	vor.u32 $0x1, v15;
	[tilespmem:v18+s6+$0x0] =	vst.idx.add.s32.msk $0xffff, v3;
	v16 =	vmul.f32 $1.500000000e+01, v10  }
0x2eb: {  	v9 =	vcvt.f32.s32 v9;
	v15 =	vshll.u32 v17, $0xE;
	v17 =	vadd.s32 v2, v8;
	[tilespmem:v19+s6+$0x0] =	vst.idx.add.s32.msk $0xffff, v7  }
0x2ec: {  	v8 =	vor.u32 $0x1, v15;
	v16 =	vtrunc.f32 v16;
	v15 =	vld [tilespmem:s12+$0xFFFFFFC0]  }
0x2ed: {  	v18 =	vadd.s32 v2, v9;
	[tilespmem:v13+s6+$0x0] =	vst.idx.add.s32.msk $0xffff, v8;
	v16 =	vcvt.f32.s32 v16  }
0x2ee: {  	v5 =	vshll.u32 v5, $0xE;
	v19 =	vld [tilespmem:s12+$0x10]  }
0x2ef: {  	v10 =	vld [tilespmem:s12+$0x0];
	v9 =	vor.u32 $0x1, v5;
	v12 =	vmul.f32 $1.500000000e+01, v12;
	v16 =	vadd.s32 v2, v16  }
0x2f0: {  	v5 =	vshll.u32 v14, $0xE;
	[tilespmem:v17+s6+$0x0] =	vst.idx.add.s32.msk $0xffff, v9  }
0x2f1: {  	v5 =	vor.u32 $0x1, v5;
	v12 =	vtrunc.f32 v12;
	v13 =	vld [tilespmem:s12+$0x30];
	v14 =	vmul.f32 $1.500000000e+01, v15  }
0x2f2: {  	[tilespmem:v18+s6+$0x0] =	vst.idx.add.s32.msk $0xffff, v5;
	v17 =	vcvt.f32.s32 v12  }
0x2f3: {  	s15 =	simm.s32 $0x0;
	v15 =	vmul.f32 $1.500000000e+01, v19;
	v12 =	vtrunc.f32 v14;
	v14 =	vld [tilespmem:s12+$0xFFFFFFE0]  }
0x2f4: {  	s16 =	sadd.s32 $0x400, s13;
	s17 =	smov.u32 s12;
	s18 =	smov.u32 s14;
	[tilespmem:v16+s7+$0x0] =	vst.idx.add.s32.msk $0xffff, v11;
	v12 =	vcvt.f32.s32 v12;
	v11 =	vadd.s32 v2, v17;
	v16 =	vmul.f32 $1.500000000e+01, v20  }
.LBB2_27:
0x2f5: {  	v17 =	vld [tilespmem:s16+$0x20];
	s15 =	sadd.s32 $0x80, s15;
	s17 =	sadd.s32 $0x400, s17;
	s18 =	sadd.s32 $0x400, s18  }
0x2f6: {  	v18 =	vld [tilespmem:s18+$0xFFFFFFF0];
	p0 =	slt.u32 s15, $0x780;
	v16 =	vtrunc.f32 v16;
	v13 =	vmul.f32 $1.500000000e+01, v13  }
0x2f7: {  	v15 =	vtrunc.f32 v15;
	v19 =	vld [tilespmem:s18+$0xFFFFFFD0];
	v16 =	vcvt.f32.s32 v16  }
0x2f8: {  	v10 =	vmul.f32 $1.500000000e+01, v10;
	v20 =	vld [tilespmem:s18+$0xFFFFFFE0];
	v13 =	vtrunc.f32 v13  }
0x2f9: {  	v12 =	vadd.s32 v2, v12;
	v21 =	vld [tilespmem:s18+$0x0];
	v14 =	vmul.f32 $1.500000000e+01, v14;
	v13 =	vcvt.f32.s32 v13  }
0x2fa: {  	v10 =	vtrunc.f32 v10;
	v22 =	vld [tilespmem:s16+$0xFFFFFFC0];
	v17 =	vmul.f32 $1.500000000e+01, v17  }
0x2fb: {  	v15 =	vcvt.f32.s32 v15;
	v23 =	vld [tilespmem:s16+$0x10];
	v14 =	vtrunc.f32 v14;
	v13 =	vadd.s32 v2, v13  }
0x2fc: {  	v24 =	vld [tilespmem:s16+$0xFFFFFFD0];
	v17 =	vtrunc.f32 v17;
	v14 =	vcvt.f32.s32 v14  }
0x2fd: {  	v10 =	vcvt.f32.s32 v10;
	v15 =	vadd.s32 v2, v15;
	v25 =	vld [tilespmem:s16+$0xFFFFFFF0];
	v17 =	vcvt.f32.s32 v17  }
0x2fe: {  	[tilespmem:v11+s7+$0x0] =	vst.idx.add.s32.msk $0xffff, v6;
	v6 =	vadd.s32 v2, v14  }
0x2ff: {  	v10 =	vadd.s32 v2, v10;
	v14 =	vadd.s32 v2, v16;
	v11 =	vld [tilespmem:s16+$0xFFFFFFE0]  }
0x300: {  	v16 =	vmul.f32 $1.500000000e+01, v22;
	v17 =	vadd.s32 v2, v17;
	v22 =	vld [tilespmem:s16+$0x0]  }
0x301: {  	v26 =	vld [tilespmem:s18+$0x20]  }
0x302: {  	v24 =	vmul.f32 $1.500000000e+01, v24;
	[tilespmem:v13+s7+$0x0] =	vst.idx.add.s32.msk $0xffff, v9  }
0x303: {  	v9 =	vmul.f32 $1.500000000e+01, v25;
	[tilespmem:v15+s7+$0x0] =	vst.idx.add.s32.msk $0xffff, v8  }
0x304: {  	v8 =	vmul.f32 $1.500000000e+01, v11;
	[tilespmem:v10+s7+$0x0] =	vst.idx.add.s32.msk $0xffff, v3  }
0x305: {  	v3 =	vtrunc.f32 v24;
	v10 =	vmul.f32 $1.500000000e+01, v22;
	[tilespmem:v6+s7+$0x0] =	vst.idx.add.s32.msk $0xffff, v5  }
0x306: {  	v5 =	vcvt.f32.s32 v3;
	v6 =	vtrunc.f32 v9;
	v9 =	vshll.u32 v26, $0xE;
	[tilespmem:v12+s7+$0x0] =	vst.idx.add.s32.msk $0xffff, v7  }
0x307: {  	v3 =	vshll.u32 v21, $0xE;
	v7 =	vtrunc.f32 v10;
	v10 =	vmul.f32 $1.500000000e+01, v23;
	[tilespmem:v14+s7+$0x0] =	vst.idx.add.s32.msk $0xffff, v4  }
0x308: {  	v3 =	vor.u32 $0x1, v3;
	v4 =	vtrunc.f32 v16;
	v12 =	vor.u32 $0x1, v9;
	v11 =	vld [tilespmem:s18+$0xFFFFFFC0]  }
0x309: {  	v9 =	vadd.s32 v2, v5;
	v5 =	vshll.u32 v20, $0xE;
	v7 =	vcvt.f32.s32 v7;
	v13 =	vld [tilespmem:s16+$0x30]  }
0x30a: {  	v6 =	vcvt.f32.s32 v6;
	v5 =	vor.u32 $0x1, v5;
	v10 =	vtrunc.f32 v10;
	v14 =	vld [tilespmem:s18+$0x10]  }
0x30b: {  	v15 =	vcvt.f32.s32 v4;
	v4 =	vshll.u32 v18, $0xE;
	v7 =	vadd.s32 v2, v7;
	[tilespmem:v17+s6+$0x0] =	vst.idx.add.s32.msk $0xffff, v12  }
0x30c: {  	v16 =	vshll.u32 v19, $0xE;
	v4 =	vor.u32 $0x1, v4;
	v17 =	vadd.s32 v2, v6;
	v18 =	vld [tilespmem:s17+$0x20]  }
0x30d: {  	v8 =	vtrunc.f32 v8;
	v10 =	vcvt.f32.s32 v10;
	v6 =	vor.u32 $0x1, v16;
	v16 =	vld [tilespmem:s18+$0x30]  }
0x30e: {  	v15 =	vadd.s32 v2, v15;
	[tilespmem:v9+s6+$0x0] =	vst.idx.add.s32.msk $0xffff, v6;
	v9 =	vcvt.f32.s32 v8;
	v13 =	vmul.f32 $1.500000000e+01, v13  }
0x30f: {  	v19 =	vld [tilespmem:s17+$0xFFFFFFD0];
	v8 =	vshll.u32 v14, $0xE  }
0x310: {  	v14 =	vadd.s32 v2, v10;
	[tilespmem:v7+s6+$0x0] =	vst.idx.add.s32.msk $0xffff, v3;
	v8 =	vor.u32 $0x1, v8;
	v7 =	vtrunc.f32 v13  }
0x311: {  	v10 =	vshll.u32 v11, $0xE;
	[tilespmem:v17+s6+$0x0] =	vst.idx.add.s32.msk $0xffff, v4;
	v11 =	vmul.f32 $1.500000000e+01, v18;
	v13 =	vcvt.f32.s32 v7  }
0x312: {  	v7 =	vor.u32 $0x1, v10;
	v10 =	vld [tilespmem:s17+$0x0];
	v16 =	vshll.u32 v16, $0xE  }
0x313: {  	[tilespmem:v15+s6+$0x0] =	vst.idx.add.s32.msk $0xffff, v7;
	v11 =	vtrunc.f32 v11;
	v13 =	vadd.s32 v2, v13  }
0x314: {  	v15 =	vld [tilespmem:s17+$0xFFFFFFC0];
	v11 =	vcvt.f32.s32 v11  }
0x315: {  	v17 =	vadd.s32 v2, v9;
	[tilespmem:v14+s6+$0x0] =	vst.idx.add.s32.msk $0xffff, v8  }
0x316: {  	v14 =	vld [tilespmem:s17+$0x10];
	v11 =	vadd.s32 v2, v11  }
0x317: {  	v9 =	vor.u32 $0x1, v16;
	v18 =	vmul.f32 $1.500000000e+01, v19;
	v19 =	vld [tilespmem:s17+$0xFFFFFFF0]  }
.Ltmp12:
0x318: {  	[tilespmem:v13+s6+$0x0] =	vst.idx.add.s32.msk $0xffff, v9;
	(pc) =	sbr.rel @p0 .LBB2_27-.Ltmp12, $4  }
0x319: {  	v16 =	vtrunc.f32 v18;
	v15 =	vmul.f32 $1.500000000e+01, v15;
	v13 =	vld [tilespmem:s17+$0x30]  }
0x31a: {  	v16 =	vcvt.f32.s32 v16;
	[tilespmem:v17+s6+$0x0] =	vst.idx.add.s32.msk $0xffff, v5  }
0x31b: {  	v17 =	vtrunc.f32 v15;
	v15 =	vmul.f32 $1.500000000e+01, v14;
	[tilespmem:v11+s7+$0x0] =	vst.idx.add.s32.msk $0xffff, v12  }
0x31c: {  	s16 =	sadd.s32 $0x400, s16;
	v11 =	vadd.s32 v2, v16;
	v12 =	vcvt.f32.s32 v17;
	v14 =	vld [tilespmem:s17+$0xFFFFFFE0];
	v16 =	vmul.f32 $1.500000000e+01, v19  }
0x31d: {  	_ = 	snop  }
0x31e: {  	v15 =	vtrunc.f32 v15;
	v10 =	vmul.f32 $1.500000000e+01, v10  }
0x31f: {  	v13 =	vmul.f32 $1.500000000e+01, v13;
	v15 =	vcvt.f32.s32 v15  }
0x320: {  	v16 =	vtrunc.f32 v16;
	v10 =	vtrunc.f32 v10  }
0x321: {  	v12 =	vadd.s32 v2, v12;
	v16 =	vcvt.f32.s32 v16;
	v14 =	vmul.f32 $1.500000000e+01, v14  }
0x322: {  	v13 =	vtrunc.f32 v13;
	v10 =	vcvt.f32.s32 v10;
	v15 =	vadd.s32 v2, v15  }
0x323: {  	v13 =	vcvt.f32.s32 v13;
	v63 =	vadd.s32 v2, v16;
	v14 =	vtrunc.f32 v14  }
0x324: {  	v10 =	vadd.s32 v2, v10;
	v14 =	vcvt.f32.s32 v14  }
0x325: {  	[tilespmem:v11+s7+$0x0] =	vst.idx.add.s32.msk $0xffff, v6;
	s11 =	sadd.s32 $0x1, s11;
	v13 =	vadd.s32 v2, v13  }
0x326: {  	p0 =	sne.s32 s11, $0x8;
	[tilespmem:v12+s7+$0x0] =	vst.idx.add.s32.msk $0xffff, v7;
	v14 =	vadd.s32 v2, v14  }
.Ltmp13:
0x327: {  	[tilespmem:v15+s7+$0x0] =	vst.idx.add.s32.msk $0xffff, v8;
	(pc) =	sbr.rel @p0 .LBB2_26-.Ltmp13, $4  }
0x328: {  	[tilespmem:v63+s7+$0x0] =	vst.idx.add.s32.msk $0xffff, v4  }
0x329: {  	[tilespmem:v10+s7+$0x0] =	vst.idx.add.s32.msk $0xffff, v3  }
0x32a: {  	[tilespmem:v13+s7+$0x0] =	vst.idx.add.s32.msk $0xffff, v9  }
0x32b: {  	s12 =	sadd.s32 $0x80, s12;
	s13 =	sadd.s32 $0x80, s13;
	s14 =	sadd.s32 $0x80, s14;
	[tilespmem:v14+s7+$0x0] =	vst.idx.add.s32.msk $0xffff, v5  }
0x32c: {  	_ =	swait.ge [sflag:s8], $0x4000  }
0x32d: {  	[sflag:s8] =	ssyncset.done $0x0  }
0x32e: {  	[sflag:s8] =	ssyncadd.s32 $0xFFFFC000  }
0x32f: {  	_ =	swait.ge [sflag:s8], $0x4000  }
0x330: {  	[sflag:s8] =	ssyncset.done $0x0  }
0x331: {  	[sflag:s8] =	ssyncadd.s32 $0xFFFFC000  }
0x332: {  	_ =	swait.ge [sflag:s8], $0x4000  }
0x333: {  	s11 =	simm.s32 $0x0;
	s12 =	simm.s32 $0xC040;
	[sflag:s8] =	ssyncset.done $0x0  }
0x334: {  	s13 =	simm.s32 $0x4040;
	s14 =	simm.s32 $0x14040;
	[sflag:s8] =	ssyncadd.s32 $0xFFFFC000  }
.LBB2_30:
0x335: {  	v3 =	vld [tilespmem:s13+$0x20]  }
0x336: {  	v7 =	vld [tilespmem:s13+$0xFFFFFFF0]  }
0x337: {  	v6 =	vld [tilespmem:s13+$0xFFFFFFD0]  }
0x338: {  	v4 =	vld [tilespmem:s14+$0xFFFFFFF0]  }
0x339: {  	v5 =	vld [tilespmem:s13+$0xFFFFFFC0]  }
0x33a: {  	v8 =	vld [tilespmem:s13+$0x0];
	v3 =	vmul.f32 $1.500000000e+01, v3  }
0x33b: {  	v9 =	vld [tilespmem:s13+$0xFFFFFFE0];
	v7 =	vmul.f32 $1.500000000e+01, v7  }
0x33c: {  	v10 =	vld [tilespmem:s14+$0xFFFFFFD0];
	v6 =	vmul.f32 $1.500000000e+01, v6;
	v3 =	vtrunc.f32 v3  }
0x33d: {  	v11 =	vld [tilespmem:s14+$0x20];
	v7 =	vtrunc.f32 v7;
	v3 =	vcvt.f32.s32 v3  }
0x33e: {  	v13 =	vld [tilespmem:s13+$0x10];
	v7 =	vcvt.f32.s32 v7  }
0x33f: {  	v12 =	vld [tilespmem:s14+$0x0];
	v8 =	vmul.f32 $1.500000000e+01, v8;
	v6 =	vtrunc.f32 v6;
	v3 =	vadd.s32 v2, v3  }
0x340: {  	v14 =	vld [tilespmem:s14+$0xFFFFFFE0];
	v6 =	vcvt.f32.s32 v6;
	v7 =	vadd.s32 v2, v7  }
0x341: {  	v15 =	vld [tilespmem:s14+$0xFFFFFFC0];
	v5 =	vmul.f32 $1.500000000e+01, v5;
	v8 =	vtrunc.f32 v8  }
0x342: {  	v11 =	vshll.u32 v11, $0xE;
	v16 =	vadd.s32 v2, v6;
	v6 =	vcvt.f32.s32 v8;
	v8 =	vld [tilespmem:s13+$0x30]  }
0x343: {  	v17 =	vld [tilespmem:s14+$0x10];
	v13 =	vmul.f32 $1.500000000e+01, v13;
	v4 =	vshll.u32 v4, $0xE;
	v11 =	vor.u32 $0x1, v11  }
0x344: {  	v4 =	vor.u32 $0x1, v4;
	v5 =	vtrunc.f32 v5;
	[tilespmem:v3+s6+$0x0] =	vst.idx.add.s32.msk $0xffff, v11  }
0x345: {  	v13 =	vtrunc.f32 v13;
	v3 =	vcvt.f32.s32 v5;
	[tilespmem:v7+s6+$0x0] =	vst.idx.add.s32.msk $0xffff, v4  }
0x346: {  	v13 =	vcvt.f32.s32 v13;
	v18 =	vadd.s32 v2, v6;
	v5 =	vshll.u32 v10, $0xE;
	v10 =	vld [tilespmem:s12+$0x20]  }
0x347: {  	v8 =	vmul.f32 $1.500000000e+01, v8;
	v6 =	vor.u32 $0x1, v5;
	v5 =	vld [tilespmem:s14+$0x30];
	v19 =	vadd.s32 v2, v3  }
0x348: {  	v9 =	vmul.f32 $1.500000000e+01, v9;
	v20 =	vld [tilespmem:s12+$0xFFFFFFF0]  }
0x349: {  	v12 =	vshll.u32 v12, $0xE;
	v13 =	vadd.s32 v2, v13;
	[tilespmem:v16+s6+$0x0] =	vst.idx.add.s32.msk $0xffff, v6;
	v8 =	vtrunc.f32 v8  }
0x34a: {  	v15 =	vshll.u32 v15, $0xE;
	v3 =	vor.u32 $0x1, v12;
	v12 =	vld [tilespmem:s12+$0xFFFFFFD0];
	v8 =	vcvt.f32.s32 v8  }
0x34b: {  	v9 =	vtrunc.f32 v9;
	v7 =	vor.u32 $0x1, v15;
	[tilespmem:v18+s6+$0x0] =	vst.idx.add.s32.msk $0xffff, v3;
	v16 =	vmul.f32 $1.500000000e+01, v10  }
0x34c: {  	v9 =	vcvt.f32.s32 v9;
	v15 =	vshll.u32 v17, $0xE;
	v17 =	vadd.s32 v2, v8;
	[tilespmem:v19+s6+$0x0] =	vst.idx.add.s32.msk $0xffff, v7  }
0x34d: {  	v8 =	vor.u32 $0x1, v15;
	v16 =	vtrunc.f32 v16;
	v15 =	vld [tilespmem:s12+$0xFFFFFFC0]  }
0x34e: {  	v18 =	vadd.s32 v2, v9;
	[tilespmem:v13+s6+$0x0] =	vst.idx.add.s32.msk $0xffff, v8;
	v16 =	vcvt.f32.s32 v16  }
0x34f: {  	v5 =	vshll.u32 v5, $0xE;
	v19 =	vld [tilespmem:s12+$0x10]  }
0x350: {  	v10 =	vld [tilespmem:s12+$0x0];
	v9 =	vor.u32 $0x1, v5;
	v12 =	vmul.f32 $1.500000000e+01, v12;
	v16 =	vadd.s32 v2, v16  }
0x351: {  	v5 =	vshll.u32 v14, $0xE;
	[tilespmem:v17+s6+$0x0] =	vst.idx.add.s32.msk $0xffff, v9  }
0x352: {  	v5 =	vor.u32 $0x1, v5;
	v12 =	vtrunc.f32 v12;
	v13 =	vld [tilespmem:s12+$0x30];
	v14 =	vmul.f32 $1.500000000e+01, v15  }
0x353: {  	[tilespmem:v18+s6+$0x0] =	vst.idx.add.s32.msk $0xffff, v5;
	v17 =	vcvt.f32.s32 v12  }
0x354: {  	s15 =	simm.s32 $0x0;
	v15 =	vmul.f32 $1.500000000e+01, v19;
	v12 =	vtrunc.f32 v14;
	v14 =	vld [tilespmem:s12+$0xFFFFFFE0]  }
0x355: {  	s16 =	sadd.s32 $0x400, s13;
	s17 =	smov.u32 s12;
	s18 =	smov.u32 s14;
	[tilespmem:v16+s7+$0x0] =	vst.idx.add.s32.msk $0xffff, v11;
	v12 =	vcvt.f32.s32 v12;
	v11 =	vadd.s32 v2, v17;
	v16 =	vmul.f32 $1.500000000e+01, v20  }
.LBB2_31:
0x356: {  	v17 =	vld [tilespmem:s16+$0x20];
	s15 =	sadd.s32 $0x80, s15;
	s17 =	sadd.s32 $0x400, s17;
	s18 =	sadd.s32 $0x400, s18  }
0x357: {  	v18 =	vld [tilespmem:s18+$0xFFFFFFF0];
	p0 =	slt.u32 s15, $0x780;
	v16 =	vtrunc.f32 v16;
	v13 =	vmul.f32 $1.500000000e+01, v13  }
0x358: {  	v15 =	vtrunc.f32 v15;
	v19 =	vld [tilespmem:s18+$0xFFFFFFD0];
	v16 =	vcvt.f32.s32 v16  }
0x359: {  	v10 =	vmul.f32 $1.500000000e+01, v10;
	v20 =	vld [tilespmem:s18+$0xFFFFFFE0];
	v13 =	vtrunc.f32 v13  }
0x35a: {  	v12 =	vadd.s32 v2, v12;
	v21 =	vld [tilespmem:s18+$0x0];
	v14 =	vmul.f32 $1.500000000e+01, v14;
	v13 =	vcvt.f32.s32 v13  }
0x35b: {  	v10 =	vtrunc.f32 v10;
	v22 =	vld [tilespmem:s16+$0xFFFFFFC0];
	v17 =	vmul.f32 $1.500000000e+01, v17  }
0x35c: {  	v15 =	vcvt.f32.s32 v15;
	v23 =	vld [tilespmem:s16+$0x10];
	v14 =	vtrunc.f32 v14;
	v13 =	vadd.s32 v2, v13  }
0x35d: {  	v24 =	vld [tilespmem:s16+$0xFFFFFFD0];
	v17 =	vtrunc.f32 v17;
	v14 =	vcvt.f32.s32 v14  }
0x35e: {  	v10 =	vcvt.f32.s32 v10;
	v15 =	vadd.s32 v2, v15;
	v25 =	vld [tilespmem:s16+$0xFFFFFFF0];
	v17 =	vcvt.f32.s32 v17  }
0x35f: {  	[tilespmem:v11+s7+$0x0] =	vst.idx.add.s32.msk $0xffff, v6;
	v6 =	vadd.s32 v2, v14  }
0x360: {  	v10 =	vadd.s32 v2, v10;
	v14 =	vadd.s32 v2, v16;
	v11 =	vld [tilespmem:s16+$0xFFFFFFE0]  }
0x361: {  	v16 =	vmul.f32 $1.500000000e+01, v22;
	v17 =	vadd.s32 v2, v17;
	v22 =	vld [tilespmem:s16+$0x0]  }
0x362: {  	v26 =	vld [tilespmem:s18+$0x20]  }
0x363: {  	v24 =	vmul.f32 $1.500000000e+01, v24;
	[tilespmem:v13+s7+$0x0] =	vst.idx.add.s32.msk $0xffff, v9  }
0x364: {  	v9 =	vmul.f32 $1.500000000e+01, v25;
	[tilespmem:v15+s7+$0x0] =	vst.idx.add.s32.msk $0xffff, v8  }
0x365: {  	v8 =	vmul.f32 $1.500000000e+01, v11;
	[tilespmem:v10+s7+$0x0] =	vst.idx.add.s32.msk $0xffff, v3  }
0x366: {  	v3 =	vtrunc.f32 v24;
	v10 =	vmul.f32 $1.500000000e+01, v22;
	[tilespmem:v6+s7+$0x0] =	vst.idx.add.s32.msk $0xffff, v5  }
0x367: {  	v5 =	vcvt.f32.s32 v3;
	v6 =	vtrunc.f32 v9;
	v9 =	vshll.u32 v26, $0xE;
	[tilespmem:v12+s7+$0x0] =	vst.idx.add.s32.msk $0xffff, v7  }
0x368: {  	v3 =	vshll.u32 v21, $0xE;
	v7 =	vtrunc.f32 v10;
	v10 =	vmul.f32 $1.500000000e+01, v23;
	[tilespmem:v14+s7+$0x0] =	vst.idx.add.s32.msk $0xffff, v4  }
0x369: {  	v3 =	vor.u32 $0x1, v3;
	v4 =	vtrunc.f32 v16;
	v12 =	vor.u32 $0x1, v9;
	v11 =	vld [tilespmem:s18+$0xFFFFFFC0]  }
0x36a: {  	v9 =	vadd.s32 v2, v5;
	v5 =	vshll.u32 v20, $0xE;
	v7 =	vcvt.f32.s32 v7;
	v13 =	vld [tilespmem:s16+$0x30]  }
0x36b: {  	v6 =	vcvt.f32.s32 v6;
	v5 =	vor.u32 $0x1, v5;
	v10 =	vtrunc.f32 v10;
	v14 =	vld [tilespmem:s18+$0x10]  }
0x36c: {  	v15 =	vcvt.f32.s32 v4;
	v4 =	vshll.u32 v18, $0xE;
	v7 =	vadd.s32 v2, v7;
	[tilespmem:v17+s6+$0x0] =	vst.idx.add.s32.msk $0xffff, v12  }
0x36d: {  	v16 =	vshll.u32 v19, $0xE;
	v4 =	vor.u32 $0x1, v4;
	v17 =	vadd.s32 v2, v6;
	v18 =	vld [tilespmem:s17+$0x20]  }
0x36e: {  	v8 =	vtrunc.f32 v8;
	v10 =	vcvt.f32.s32 v10;
	v6 =	vor.u32 $0x1, v16;
	v16 =	vld [tilespmem:s18+$0x30]  }
0x36f: {  	v15 =	vadd.s32 v2, v15;
	[tilespmem:v9+s6+$0x0] =	vst.idx.add.s32.msk $0xffff, v6;
	v9 =	vcvt.f32.s32 v8;
	v13 =	vmul.f32 $1.500000000e+01, v13  }
0x370: {  	v19 =	vld [tilespmem:s17+$0xFFFFFFD0];
	v8 =	vshll.u32 v14, $0xE  }
0x371: {  	v14 =	vadd.s32 v2, v10;
	[tilespmem:v7+s6+$0x0] =	vst.idx.add.s32.msk $0xffff, v3;
	v8 =	vor.u32 $0x1, v8;
	v7 =	vtrunc.f32 v13  }
0x372: {  	v10 =	vshll.u32 v11, $0xE;
	[tilespmem:v17+s6+$0x0] =	vst.idx.add.s32.msk $0xffff, v4;
	v11 =	vmul.f32 $1.500000000e+01, v18;
	v13 =	vcvt.f32.s32 v7  }
0x373: {  	v7 =	vor.u32 $0x1, v10;
	v10 =	vld [tilespmem:s17+$0x0];
	v16 =	vshll.u32 v16, $0xE  }
0x374: {  	[tilespmem:v15+s6+$0x0] =	vst.idx.add.s32.msk $0xffff, v7;
	v11 =	vtrunc.f32 v11;
	v13 =	vadd.s32 v2, v13  }
0x375: {  	v15 =	vld [tilespmem:s17+$0xFFFFFFC0];
	v11 =	vcvt.f32.s32 v11  }
0x376: {  	v17 =	vadd.s32 v2, v9;
	[tilespmem:v14+s6+$0x0] =	vst.idx.add.s32.msk $0xffff, v8  }
0x377: {  	v14 =	vld [tilespmem:s17+$0x10];
	v11 =	vadd.s32 v2, v11  }
0x378: {  	v9 =	vor.u32 $0x1, v16;
	v18 =	vmul.f32 $1.500000000e+01, v19;
	v19 =	vld [tilespmem:s17+$0xFFFFFFF0]  }
.Ltmp14:
0x379: {  	[tilespmem:v13+s6+$0x0] =	vst.idx.add.s32.msk $0xffff, v9;
	(pc) =	sbr.rel @p0 .LBB2_31-.Ltmp14, $4  }
0x37a: {  	v16 =	vtrunc.f32 v18;
	v15 =	vmul.f32 $1.500000000e+01, v15;
	v13 =	vld [tilespmem:s17+$0x30]  }
0x37b: {  	v16 =	vcvt.f32.s32 v16;
	[tilespmem:v17+s6+$0x0] =	vst.idx.add.s32.msk $0xffff, v5  }
0x37c: {  	v17 =	vtrunc.f32 v15;
	v15 =	vmul.f32 $1.500000000e+01, v14;
	[tilespmem:v11+s7+$0x0] =	vst.idx.add.s32.msk $0xffff, v12  }
0x37d: {  	s16 =	sadd.s32 $0x400, s16;
	v11 =	vadd.s32 v2, v16;
	v12 =	vcvt.f32.s32 v17;
	v14 =	vld [tilespmem:s17+$0xFFFFFFE0];
	v16 =	vmul.f32 $1.500000000e+01, v19  }
0x37e: {  	_ = 	snop  }
0x37f: {  	v15 =	vtrunc.f32 v15;
	v10 =	vmul.f32 $1.500000000e+01, v10  }
0x380: {  	v13 =	vmul.f32 $1.500000000e+01, v13;
	v15 =	vcvt.f32.s32 v15  }
0x381: {  	v16 =	vtrunc.f32 v16;
	v10 =	vtrunc.f32 v10  }
0x382: {  	v12 =	vadd.s32 v2, v12;
	v16 =	vcvt.f32.s32 v16;
	v14 =	vmul.f32 $1.500000000e+01, v14  }
0x383: {  	v13 =	vtrunc.f32 v13;
	v10 =	vcvt.f32.s32 v10;
	v15 =	vadd.s32 v2, v15  }
0x384: {  	v13 =	vcvt.f32.s32 v13;
	v63 =	vadd.s32 v2, v16;
	v14 =	vtrunc.f32 v14  }
0x385: {  	v10 =	vadd.s32 v2, v10;
	v14 =	vcvt.f32.s32 v14  }
0x386: {  	[tilespmem:v11+s7+$0x0] =	vst.idx.add.s32.msk $0xffff, v6;
	s11 =	sadd.s32 $0x1, s11;
	v13 =	vadd.s32 v2, v13  }
0x387: {  	p0 =	sne.s32 s11, $0x8;
	[tilespmem:v12+s7+$0x0] =	vst.idx.add.s32.msk $0xffff, v7;
	v14 =	vadd.s32 v2, v14  }
.Ltmp15:
0x388: {  	[tilespmem:v15+s7+$0x0] =	vst.idx.add.s32.msk $0xffff, v8;
	(pc) =	sbr.rel @p0 .LBB2_30-.Ltmp15, $4  }
0x389: {  	[tilespmem:v63+s7+$0x0] =	vst.idx.add.s32.msk $0xffff, v4  }
0x38a: {  	[tilespmem:v10+s7+$0x0] =	vst.idx.add.s32.msk $0xffff, v3  }
0x38b: {  	[tilespmem:v13+s7+$0x0] =	vst.idx.add.s32.msk $0xffff, v9  }
0x38c: {  	s12 =	sadd.s32 $0x80, s12;
	s13 =	sadd.s32 $0x80, s13;
	s14 =	sadd.s32 $0x80, s14;
	[tilespmem:v14+s7+$0x0] =	vst.idx.add.s32.msk $0xffff, v5  }
0x38d: {  	v3 =	vld [tilespmem:$0x18400]  }
0x38e: {  	v4 =	vld [tilespmem:$0x18C00]  }
0x38f: {  	v5 =	vld [tilespmem:$0x18480]  }
0x390: {  	v6 =	vld [tilespmem:$0x18C80]  }
0x391: {  	v7 =	vld [tilespmem:$0x18500]  }
0x392: {  	v8 =	vld [tilespmem:$0x18D00]  }
0x393: {  	v9 =	vld [tilespmem:$0x18580]  }
0x394: {  	v10 =	vld [tilespmem:$0x18D80]  }
0x395: {  	v11 =	vld [tilespmem:$0x18600]  }
0x396: {  	v12 =	vld [tilespmem:$0x18680]  }
0x397: {  	v13 =	vld [tilespmem:$0x18700]  }
0x398: {  	v14 =	vld [tilespmem:$0x18780]  }
0x399: {  	v15 =	vld [tilespmem:$0x18800]  }
0x39a: {  	v18 =	vld [tilespmem:$0x18880]  }
0x39b: {  	v19 =	vld [tilespmem:$0x18900]  }
0x39c: {  	v20 =	vld [tilespmem:$0x18980]  }
0x39d: {  	v21 =	vld [tilespmem:$0x18A00]  }
0x39e: {  	v57 =	vld [tilespmem:$0x18E00];
	v4 =	vadd.f32 $0.0e+00, v4;
	v16 =	vand.u32 $0x3FFF, v3;
	v17 =	vand.u32 $0x3FFF, v5  }
0x39f: {  	v36 =	vld [tilespmem:$0x18A80];
	v62 =	vand.u32 $0x3FFF, v7;
	v22 =	vand.u32 $0x3FFF, v9;
	v23 =	vand.u32 $0x3FFF, v11  }
0x3a0: {  	v39 =	vld [tilespmem:$0x18B00];
	v25 =	vand.u32 $0x3FFF, v12;
	v26 =	vand.u32 $0x3FFF, v13;
	v28 =	vand.u32 $0x3FFF, v14  }
0x3a1: {  	v41 =	vld [tilespmem:$0x18B80];
	v29 =	vand.u32 $0x3FFF, v15;
	v31 =	vand.u32 $0x3FFF, v18;
	v33 =	vand.u32 $0x3FFF, v19  }
0x3a2: {  	v43 =	vld [tilespmem:$0x19400];
	v35 =	vand.u32 $0x3FFF, v20;
	v37 =	vand.u32 $0x3FFF, v21;
	v3 =	vshra.s32 v3, $0xE  }
0x3a3: {  	v46 =	vld [tilespmem:$0x19480];
	v5 =	vshra.s32 v5, $0xE;
	v7 =	vshra.s32 v7, $0xE;
	v9 =	vshra.s32 v9, $0xE  }
0x3a4: {  	v58 =	vld [tilespmem:$0x18E80];
	v11 =	vshra.s32 v11, $0xE;
	v12 =	vshra.s32 v12, $0xE;
	v13 =	vshra.s32 v13, $0xE  }
0x3a5: {  	v52 =	vld [tilespmem:$0x19580];
	v14 =	vshra.s32 v14, $0xE;
	v15 =	vshra.s32 v15, $0xE;
	v18 =	vshra.s32 v18, $0xE  }
0x3a6: {  	v59 =	vld [tilespmem:$0x18F00];
	v19 =	vshra.s32 v19, $0xE;
	v45 =	vand.u32 $0x3FFF, v36;
	v20 =	vshra.s32 v20, $0xE  }
0x3a7: {  	v56 =	vld [tilespmem:$0x19600];
	v48 =	vand.u32 $0x3FFF, v39;
	v50 =	vand.u32 $0x3FFF, v41;
	v53 =	vand.u32 $0x3FFF, v43  }
0x3a8: {  	v44 =	vld [tilespmem:$0x19C00];
	v54 =	vand.u32 $0x3FFF, v46;
	v21 =	vshra.s32 v21, $0xE;
	v16 =	vadd.s32 v16, v17  }
0x3a9: {  	v60 =	vld [tilespmem:$0x18F80];
	v3 =	vadd.s32 v3, v5;
	v5 =	vshra.s32 v41, $0xE;
	v4 =	vadd.f32 v6, v4  }
0x3aa: {  	v61 =	vld [tilespmem:$0x19000];
	v16 =	vadd.s32 v62, v16;
	v3 =	vadd.s32 v7, v3;
	v7 =	vshra.s32 v52, $0xE  }
0x3ab: {  	v63 =	vld [tilespmem:$0x19080];
	v16 =	vadd.s32 v22, v16;
	v3 =	vadd.s32 v9, v3;
	v9 =	vshra.s32 v43, $0xE  }
0x3ac: {  	v24 =	vld [tilespmem:$0x19100];
	v22 =	vand.u32 $0x3FFF, v56;
	v4 =	vadd.f32 v8, v4;
	v16 =	vadd.s32 v23, v16  }
0x3ad: {  	v49 =	vld [tilespmem:$0x19500];
	v3 =	vadd.s32 v11, v3;
	v11 =	vadd.f32 $0.0e+00, v44;
	v8 =	vshra.s32 v39, $0xE  }
0x3ae: {  	v27 =	vld [tilespmem:$0x19180];
	v16 =	vadd.s32 v25, v16;
	v3 =	vadd.s32 v12, v3;
	v12 =	vshra.s32 v46, $0xE  }
0x3af: {  	v47 =	vld [tilespmem:$0x19C80];
	v4 =	vadd.f32 v10, v4;
	v16 =	vadd.s32 v26, v16;
	v3 =	vadd.s32 v13, v3  }
0x3b0: {  	v25 =	vld [tilespmem:$0x19780];
	v13 =	vadd.s32 v53, v54;
	v9 =	vadd.s32 v9, v12;
	v26 =	vshra.s32 v56, $0xE  }
0x3b1: {  	v32 =	vld [tilespmem:$0x19200];
	v16 =	vadd.s32 v28, v16;
	v3 =	vadd.s32 v14, v3;
	v4 =	vadd.f32 v57, v4  }
0x3b2: {  	v51 =	vld [tilespmem:$0x19D00];
	v30 =	vadd.s32 v29, v16;
	v3 =	vadd.s32 v15, v3;
	v57 =	vand.u32 $0x3FFF, v49  }
0x3b3: {  	v16 =	vshra.s32 v36, $0xE;
	v29 =	vld [tilespmem:$0x19800];
	v10 =	vadd.s32 v31, v30;
	v3 =	vadd.s32 v18, v3  }
0x3b4: {  	v38 =	vld [tilespmem:$0x19280];
	v4 =	vadd.f32 v58, v4;
	v34 =	vadd.s32 v33, v10;
	v3 =	vadd.s32 v19, v3  }
0x3b5: {  	v55 =	vld [tilespmem:$0x19D80];
	v10 =	vadd.f32 v47, v11;
	v11 =	vadd.s32 v57, v13;
	v33 =	vand.u32 $0x3FFF, v25  }
0x3b6: {  	v40 =	vld [tilespmem:$0x19300];
	v6 =	vadd.s32 v35, v34;
	v3 =	vadd.s32 v20, v3;
	v4 =	vadd.f32 v59, v4  }
0x3b7: {  	v47 =	vld [tilespmem:$0x19A80];
	v6 =	vadd.s32 v37, v6;
	v10 =	vadd.f32 v51, v10;
	v3 =	vadd.s32 v21, v3  }
0x3b8: {  	v58 =	vld [tilespmem:$0x19E00];
	v6 =	vadd.s32 v45, v6;
	v36 =	vand.u32 $0x3FFF, v29;
	v4 =	vadd.f32 v60, v4  }
0x3b9: {  	v35 =	vld [tilespmem:$0x19900];
	v3 =	vadd.s32 v16, v3;
	v14 =	vshra.s32 v29, $0xE;
	v6 =	vadd.s32 v48, v6  }
0x3ba: {  	v62 =	vld [tilespmem:$0x19E80];
	v60 =	vshra.s32 v49, $0xE;
	v10 =	vadd.f32 v55, v10;
	v4 =	vadd.f32 v61, v4  }
0x3bb: {  	v53 =	vld [tilespmem:$0x19B80];
	v3 =	vadd.s32 v8, v3;
	v6 =	vadd.s32 v50, v6;
	v9 =	vadd.s32 v60, v9  }
0x3bc: {  	v59 =	vld [tilespmem:$0x19680];
	v3 =	vadd.s32 v5, v3;
	v55 =	vand.u32 $0x3FFF, v47;
	v4 =	vadd.f32 v63, v4  }
0x3bd: {  	v23 =	vld [tilespmem:$0x19F00];
	v8 =	vshra.s32 v47, $0xE;
	v61 =	vand.u32 $0x3FFF, v52;
	v7 =	vadd.s32 v7, v9  }
0x3be: {  	v51 =	vld [tilespmem:$0x19B00];
	v10 =	vadd.f32 v58, v10;
	v43 =	vand.u32 $0x3FFF, v35;
	v4 =	vadd.f32 v24, v4  }
0x3bf: {  	v28 =	vld [tilespmem:$0x19F80];
	v48 =	vshra.s32 v35, $0xE;
	v3 =	vsub.s32 v6, v3;
	v6 =	vcvt.s32.f32 v6  }
0x3c0: {  	v58 =	vand.u32 $0x3FFF, v53;
	v63 =	vld [tilespmem:$0x19700];
	v10 =	vadd.f32 v62, v10;
	v4 =	vadd.f32 v27, v4  }
0x3c1: {  	v31 =	vld [tilespmem:$0x1A000];
	v11 =	vadd.s32 v61, v11;
	v7 =	vadd.s32 v26, v7;
	v12 =	vshra.s32 v59, $0xE  }
0x3c2: {  	v42 =	vld [tilespmem:$0x19380];
	v3 =	vcvt.s32.f32 v3;
	v10 =	vadd.f32 v23, v10;
	v4 =	vadd.f32 v32, v4  }
0x3c3: {  	v34 =	vld [tilespmem:$0x1A080];
	v57 =	vand.u32 $0x3FFF, v51;
	v7 =	vadd.s32 v12, v7;
	v24 =	vadd.s32 v22, v11  }
0x3c4: {  	v27 =	vand.u32 $0x3FFF, v59;
	v10 =	vadd.f32 v28, v10;
	v32 =	vld [tilespmem:$0x19880];
	v4 =	vadd.f32 v38, v4  }
0x3c5: {  	v37 =	vld [tilespmem:$0x1A100];
	v9 =	vadd.s32 v27, v24;
	v30 =	vand.u32 $0x3FFF, v63;
	v13 =	vshra.s32 v63, $0xE  }
0x3c6: {  	v9 =	vadd.s32 v30, v9;
	v10 =	vadd.f32 v31, v10;
	v38 =	vld [tilespmem:$0x19980];
	v4 =	vadd.f32 v40, v4  }
0x3c7: {  	v11 =	vshra.s32 v25, $0xE;
	v7 =	vadd.s32 v13, v7;
	v9 =	vadd.s32 v33, v9;
	v40 =	vld [tilespmem:$0x1A180]  }
0x3c8: {  	v7 =	vadd.s32 v11, v7;
	v10 =	vadd.f32 v34, v10;
	v4 =	vadd.f32 v42, v4;
	v42 =	vld [tilespmem:$0x19A00]  }
0x3c9: {  	v44 =	vld [tilespmem:$0x1A200];
	v9 =	vadd.s32 v36, v9;
	v7 =	vadd.s32 v14, v7;
	v39 =	vand.u32 $0x3FFF, v32  }
0x3ca: {  	v10 =	vadd.f32 v37, v10;
	v12 =	vshra.s32 v32, $0xE;
	v41 =	vadd.s32 v39, v9  }
0x3cb: {  	v50 =	vld [tilespmem:$0x1A280];
	v45 =	vadd.s32 v12, v7;
	v46 =	vadd.s32 v43, v41;
	v49 =	vand.u32 $0x3FFF, v38  }
0x3cc: {  	v5 =	vadd.s32 v48, v45;
	v11 =	vshra.s32 v38, $0xE;
	v10 =	vadd.f32 v40, v10  }
0x3cd: {  	v54 =	vld [tilespmem:$0x1A300];
	v7 =	vadd.s32 v49, v46;
	v5 =	vadd.s32 v11, v5;
	v52 =	vand.u32 $0x3FFF, v42  }
0x3ce: {  	v9 =	vshra.s32 v42, $0xE;
	v10 =	vadd.f32 v44, v10;
	v7 =	vadd.s32 v52, v7  }
0x3cf: {  	v56 =	vld [tilespmem:$0x1A380];
	v59 =	vshra.s32 v51, $0xE;
	v5 =	vadd.s32 v9, v5;
	v7 =	vadd.s32 v55, v7  }
0x3d0: {  	v10 =	vadd.f32 v50, v10;
	v5 =	vadd.s32 v8, v5;
	v7 =	vadd.s32 v57, v7  }
0x3d1: {  	v61 =	vshra.s32 v53, $0xE;
	[tilespmem:$0x18000] =	vst v6;
	v60 =	vadd.s32 v59, v5;
	v7 =	vadd.s32 v58, v7  }
0x3d2: {  	[tilespmem:$0x18100] =	vst v3;
	v10 =	vadd.f32 v54, v10;
	v3 =	vadd.s32 v61, v60;
	v62 =	vcvt.s32.f32 v7  }
0x3d3: {  	[tilespmem:$0x18080] =	vst v4;
	v3 =	vcvt.s32.f32 v3  }
0x3d4: {  	s10 =	sadd.s32 $0x1, s10;
	v63 =	vadd.f32 v56, v10;
	[tilespmem:$0x18180] =	vst v62  }
0x3d5: {  	p0 =	sne.s32 s10, s25;
	[tilespmem:$0x18280] =	vst v3  }
.Ltmp16:
0x3d6: {  	s11 =	simm.s32 $0x18000;
	[tilespmem:$0x18200] =	vst v63;
	(pc) =	sbr.rel @p0 .LBB2_1-.Ltmp16, $4  }
0x3d7: {  	[hbm4b:s24+s2] =	stream.linear.scatter [tilespmem:s11], [sflag:$0x3], $0x300, $0x38;
	[tilespmem:$0x1A400] =	vst v63  }
0x3d8: {  	_ =	swait.ge [sflag:s9], $0x300  }
0x3d9: {  	[sflag:s9] =	ssyncset.done $0x0  }
0x3da: {  	[sflag:s9] =	ssyncadd.s32 $0xFFFFFD00  }
0x3db: {  	_ =	sfence.sel $0x180000  }
0x3dc: {  	[bflag:$0x0] =	sbarrier.arrive $0xFFFF  }
0x3dd: {  	_ =	strace $0x90000047  }
0x3de: {  	s0 =	stileid.u32;
	[bflag:$0x2] =	sbarrier.arrive $0xFFFF  }
0x3df: {  	p0 =	sne.s32 s0, $0x0;
	s0 =	rddreg [dreg:$0x3]  }
0x3e0: {  	s0 =	sadd.s32 @!p0 $0x100000, s0  }
0x3e1: {  	[sflag:s0] =	ssyncadd.tile.s32 @!p0 $0x1;
	_ =	shalt  }
.Lfunc_end2:
_tile_overlayer_lowered:
.L_overlay_start_2:
0x3e2: {  	(tag) =	ssettag $0x2  }
0x3e3: {  	s0 =	rddreg [dreg:$0x0];
	s2 =	stileid.u32  }
0x3e4: {  	s1 =	rddreg [dreg:$0x1];
	p0 =	sne.s32 s2, $0x0  }
0x3e5: {  	s3 =	rddreg [dreg:$0x2];
	[bflag:$0x3] =	sbarrier.arrive $0xFFFF;
	s2 =	simm.s32 @!p0 $0x1C03  }
0x3e6: {  	[timem:s3], [sflag:s2] =	dma.local @!p0 [hbm:s0], s1  }
0x3e7: {  	s0 =	simm.s32 @!p0 $0x3  }
0x3e8: {  	_ =	swait.ge @!p0 [sflag:s0], s1  }
0x3e9: {  	s1 =	ssub.s32 @!p0 $0x0, s1;
	[sflag:s0] =	ssyncset.done @!p0 $0x0  }
0x3ea: {  	[sflag:s0] =	ssyncadd.s32 @!p0 s1  }
0x3eb: {  	[bflag:$0x3] =	sbarrier.arrive $0xFFFF  }
0x3ec: {  	_ =	shalt  }

</sc_bundles>
